<compile_context>
chip_gen: v7x
topology: tpu7x:2x2x1
jax: 0.10.2.dev20260603
libtpu: 0.0.44.dev20260713+nightly
codegen_flags: <defaults>
</compile_context>

<pallas_src>
import functools

import jax
import jax.numpy as jnp
from jax import lax
from jax.experimental import pallas as pl
from jax.experimental.pallas import tpu as pltpu
from jax.experimental.pallas import tpu_sc as plsc

N_NODES = 10000
N_EDGES = 320000
D = 128
R = 8
B = 4

NC = 2
NS = 16
L = 16
NW = NC * NS

C = 80
EPT = N_EDGES // NW
NCHUNK = EPT // C
G = 25
NGROUP = NCHUNK // G
RPT = 632
RLAST = N_NODES - 15 * RPT

BN = 2000
NBLK = N_NODES // BN


def _phase1_body(x_ref, bases_ref, rbw_ref, m_ref):
    x = x_ref[...]
    ys = [
        jnp.dot(x, bases_ref[b], preferred_element_type=jnp.float32)
        for b in range(B)
    ]
    for r in range(R):
        m = ys[0] * rbw_ref[r, 0]
        for b in range(1, B):
            m = m + ys[b] * rbw_ref[r, b]
        m_ref[r] = m


def _phase1(x, bases, rbw):
    return pl.pallas_call(
        _phase1_body,
        grid=(NBLK,),
        in_specs=[
            pl.BlockSpec((BN, D), lambda j: (j, 0)),
            pl.BlockSpec((B, D, D), lambda j: (0, 0, 0)),
            pl.BlockSpec(memory_space=pltpu.SMEM),
        ],
        out_specs=pl.BlockSpec((R, BN, D), lambda j: (0, j, 0)),
        out_shape=jax.ShapeDtypeStruct((R, N_NODES, D), jnp.float32),
    )(x, bases, rbw)


def _sc_body(src2_hbm, tgt2_hbm, et2_hbm, m_hbm, zeros_hbm, out_hbm,
             idxall, rowsall, acc, sg0, sg1, sg2, ss0, ss1, ss2):
    cid = lax.axis_index("c")
    sid = lax.axis_index("s")
    wid = sid * NC + cid

    rbufs = (rowsall.at[pl.ds(0, C), :],
             rowsall.at[pl.ds(C, C), :],
             rowsall.at[pl.ds(2 * C, C), :])
    sgs = (sg0, sg1, sg2)
    sss = (ss0, ss1, ss2)

    srcb = idxall.at[pl.ds(0, G), :]
    tgtb = idxall.at[pl.ds(G, G), :]
    g1b = idxall.at[pl.ds(2 * G, G), :]
    g2b = idxall.at[pl.ds(3 * G, G), :]

    H = C // 2

    def gath(j, rows, sem, gidx):
        pltpu.async_copy(m_hbm.at[gidx.at[j, pl.ds(0, H)]],
                         rows.at[pl.ds(0, H), :], sem)
        pltpu.async_copy(m_hbm.at[gidx.at[j, pl.ds(H, H)]],
                         rows.at[pl.ds(H, H), :], sem)

    def gath_wait(j, rows, sem, gidx):
        pltpu.make_async_copy(m_hbm.at[gidx.at[j, pl.ds(0, H)]],
                              rows.at[pl.ds(0, H), :], sem).wait()
        pltpu.make_async_copy(m_hbm.at[gidx.at[j, pl.ds(H, H)]],
                              rows.at[pl.ds(H, H), :], sem).wait()

    def scat(j, rows, sem, sidx):
        pltpu.async_copy(rows, acc.at[sidx.at[j]], sem, add=True)

    def scat_wait(j, rows, sem, sidx):
        pltpu.make_async_copy(rows, acc.at[sidx.at[j]], sem).wait()

    @pl.when(sid < NS - 1)
    def _():
        pltpu.sync_copy(zeros_hbm, acc.at[pl.ds(sid * RPT, RPT), :])

    @pl.when(sid == NS - 1)
    def _():
        pltpu.sync_copy(zeros_hbm.at[pl.ds(0, RLAST), :],
                        acc.at[pl.ds(sid * RPT, RLAST), :])

    plsc.subcore_barrier()

    def group_body(g, _):
        pltpu.sync_copy(src2_hbm.at[wid, g], idxall.at[pl.ds(0, G), :])
        pltpu.sync_copy(tgt2_hbm.at[wid, g], idxall.at[pl.ds(G, G), :])
        pltpu.sync_copy(et2_hbm.at[wid, g], idxall.at[pl.ds(2 * G, G), :])

        def vec_body(i, _):
            j = i // (C // L)
            k = (i % (C // L)) * L
            et16 = idxall[2 * G + j, pl.ds(k, L)] * N_NODES
            idxall[3 * G + j, pl.ds(k, L)] = et16 + idxall[G + j, pl.ds(k, L)]
            idxall[2 * G + j, pl.ds(k, L)] = et16 + idxall[j, pl.ds(k, L)]
            return 0

        lax.fori_loop(0, G * (C // L), vec_body, 0)

        bands_g = (g1b, g2b)
        bands_s = (tgtb, srcb)

        def slot(t, p, guarded):
            rows_b = rbufs[p % 3]

            def step_a():
                scat_wait(3 * t + (p - 3) // 2, rows_b,
                          sss[p % 3], bands_s[(p - 3) % 2])

            def step_c():
                rows_c = rbufs[(p - 2) % 3]
                gath_wait(3 * t + (p - 2) // 2, rows_c,
                          sgs[(p - 2) % 3], bands_g[p % 2])
                scat(3 * t + (p - 2) // 2, rows_c,
                     sss[(p - 2) % 3], bands_s[p % 2])

            if p >= 3 or not guarded:
                step_a()
            else:
                pl.when(t > 0)(step_a)
            gath(3 * t + p // 2, rows_b, sgs[p % 3], bands_g[p % 2])
            if p >= 2 or not guarded:
                step_c()
            else:
                pl.when(t > 0)(step_c)

        def ring_body(t, _):
            for p in range(6):
                slot(t, p, guarded=True)
            return 0

        lax.fori_loop(0, 8, ring_body, 0)

        scat_wait(22, rbufs[0], sss[0], srcb)
        gath(G - 1, rbufs[0], sgs[0], g1b)
        gath_wait(23, rbufs[1], sgs[1], g1b)
        scat(23, rbufs[1], sss[1], tgtb)
        scat_wait(23, rbufs[1], sss[1], tgtb)
        gath(G - 1, rbufs[1], sgs[1], g2b)
        gath_wait(23, rbufs[2], sgs[2], g2b)
        scat(23, rbufs[2], sss[2], srcb)
        gath_wait(G - 1, rbufs[0], sgs[0], g1b)
        scat(G - 1, rbufs[0], sss[0], tgtb)
        gath_wait(G - 1, rbufs[1], sgs[1], g2b)
        scat(G - 1, rbufs[1], sss[1], srcb)
        scat_wait(23, rbufs[2], sss[2], srcb)
        scat_wait(G - 1, rbufs[0], sss[0], tgtb)
        scat_wait(G - 1, rbufs[1], sss[1], srcb)
        return 0

    lax.fori_loop(0, NGROUP, group_body, 0)
    plsc.subcore_barrier()

    @pl.when(sid < NS - 1)
    def _():
        pltpu.sync_copy(acc.at[pl.ds(sid * RPT, RPT), :],
                        out_hbm.at[cid, pl.ds(sid * RPT, RPT), :])

    @pl.when(sid == NS - 1)
    def _():
        pltpu.sync_copy(acc.at[pl.ds(sid * RPT, RLAST), :],
                        out_hbm.at[cid, pl.ds(sid * RPT, RLAST), :])


@functools.cache
def _sc_scatter():
    return functools.partial(
        pl.kernel,
        out_type=jax.ShapeDtypeStruct((NC, N_NODES, D), jnp.float32),
        mesh=plsc.VectorSubcoreMesh(core_axis_name="c", subcore_axis_name="s"),
        scratch_types=[
            pltpu.VMEM((4 * G, C), jnp.int32),
            pltpu.VMEM((3 * C, D), jnp.float32),
            pltpu.VMEM_SHARED((N_NODES, D), jnp.float32),
            pltpu.SemaphoreType.DMA,
            pltpu.SemaphoreType.DMA,
            pltpu.SemaphoreType.DMA,
            pltpu.SemaphoreType.DMA,
            pltpu.SemaphoreType.DMA,
            pltpu.SemaphoreType.DMA,
        ],
    )(_sc_body)


def _phase3_body(x_ref, bases_ref, rbw_ref, maskf_ref, p_ref, o_ref):
    w = bases_ref[0] * rbw_ref[R, 0]
    for b in range(1, B):
        w = w + bases_ref[b] * rbw_ref[R, b]
    s = jnp.dot(x_ref[...], w, preferred_element_type=jnp.float32)
    o_ref[...] = s * maskf_ref[...] + p_ref[0] + p_ref[1]


def _phase3(x, bases, rbw, maskf, p):
    return pl.pallas_call(
        _phase3_body,
        grid=(NBLK,),
        in_specs=[
            pl.BlockSpec((BN, D), lambda j: (j, 0)),
            pl.BlockSpec((B, D, D), lambda j: (0, 0, 0)),
            pl.BlockSpec(memory_space=pltpu.SMEM),
            pl.BlockSpec((BN, 1), lambda j: (j, 0)),
            pl.BlockSpec((NC, BN, D), lambda j: (0, j, 0)),
        ],
        out_specs=pl.BlockSpec((BN, D), lambda j: (j, 0)),
        out_shape=jax.ShapeDtypeStruct((N_NODES, D), jnp.float32),
    )(x, bases, rbw, maskf, p)


def kernel(x, node_keep_mask, source, target, edge_type, bases,
           relation_base_weights):
    maskf = node_keep_mask.astype(jnp.float32).reshape(N_NODES, 1)
    m = _phase1(x, bases, relation_base_weights)
    m2 = m.reshape(R * N_NODES, D)
    src2 = source.reshape(NW, NGROUP, G, C)
    tgt2 = target.reshape(NW, NGROUP, G, C)
    et2 = edge_type.reshape(NW, NGROUP, G, C)
    zeros = jnp.zeros((RPT, D), jnp.float32)
    p = _sc_scatter()(src2, tgt2, et2, m2, zeros)
    return _phase3(x, bases, relation_base_weights, maskf, p)

# --- scband reference (transcript-rebuilt; emitter-appended) ---
"""Pipeline reference for scband-bases-decomposition-3367254360145 (READ-ONLY COPY).

The authoritative reference and input builder live on the scoring server;
editing this copy changes nothing except your own understanding.
"""

import jax, jax.numpy as jnp
import numpy as np

N_NODES = 10000
N_EDGES = 320000
D = 128
R = 8
B = 4


def setup_inputs(seed: int = 0) -> dict:
    key = jax.random.key(seed)
    k1, k2, k3, k4, k5, k6 = jax.random.split(key, 6)
    x = jax.random.normal(k1, (N_NODES, D), dtype=jnp.float32)
    node_keep_mask = jnp.ones((N_NODES,), dtype=bool)
    source = jax.random.randint(k2, (N_EDGES,), 0, N_NODES, dtype=jnp.int32)
    target = jax.random.randint(k3, (N_EDGES,), 0, N_NODES, dtype=jnp.int32)
    edge_type = jax.random.randint(k4, (N_EDGES,), 0, R, dtype=jnp.int32)
    # bases: xavier-normal init, shape (num_bases, input_dim, output_dim)
    scale = (2.0 / (D + D)) ** 0.5
    bases = jax.random.normal(k5, (B, D, D), dtype=jnp.float32) * scale
    # relation_base_weights: uniform then L1-normalized rows, shape (num_relations+1, num_bases)
    rbw = jax.random.uniform(k6, (R + 1, B), dtype=jnp.float32)
    rbw = rbw / jnp.sum(jnp.abs(rbw), axis=1, keepdims=True)
    return {
        "x": x,
        "node_keep_mask": node_keep_mask,
        "source": source,
        "target": target,
        "edge_type": edge_type,
        "bases": bases,
        "relation_base_weights": rbw,
    }


def reference(x, node_keep_mask, source, target, edge_type, bases, relation_base_weights):
    num_relations = relation_base_weights.shape[0] - 1

    def get_weight(r):
        # einsum('bij,b->ij', bases, relation_base_weights[r])
        return jnp.einsum("bij,b->ij", bases, relation_base_weights[r])

    # self-loop transform with node-keep mask (dropout of self-loops)
    w_self = get_weight(num_relations)
    out = jnp.where(node_keep_mask[:, None], x @ w_self, 0.0)

    for r in range(num_relations):
        w = get_weight(r)
        m = x @ w  # transform all nodes; gathered per edge below (math-equivalent to unique+gather)
        msk = (edge_type == r).astype(x.dtype)[:, None]
        # original concatenates [src,tgt] and [tgt,src] -> bidirectional message passing
        out = out.at[target].add(jnp.take(m, source, axis=0) * msk)
        out = out.at[source].add(jnp.take(m, target, axis=0) * msk)
    return out

if __name__ == "__main__":
    import jax
    _d = setup_inputs()
    print(jax.jit(kernel)(*tuple(_d.values())))

</pallas_src>

<mosaic_0001>
#map = affine_map<(d0, d1) -> (0, 0, 0, 0)>
#map1 = affine_map<(d0, d1) -> (0, 0)>
#map2 = affine_map<(d0, d1) -> (0, 0, 0)>
module attributes {stable_mosaic.version = 14 : i64} {
  func.func @_sc_body(%arg0: i32, %arg1: i32, %arg2: memref<32x5x25x80xi32, #tpu.memory_space<hbm>>, %arg3: memref<32x5x25x80xi32, #tpu.memory_space<hbm>>, %arg4: memref<32x5x25x80xi32, #tpu.memory_space<hbm>>, %arg5: memref<80000x128xf32, #tpu.memory_space<hbm>>, %arg6: memref<632x128xf32, #tpu.memory_space<hbm>>, %arg7: memref<2x10000x128xf32, #tpu.memory_space<hbm>>, %arg8: memref<100x80xi32, #tpu.memory_space<vmem>>, %arg9: memref<240x128xf32, #tpu.memory_space<vmem>>, %arg10: memref<10000x128xf32, #tpu.memory_space<vmem_shared>>, %arg11: memref<!tpu.dma_semaphore, #tpu.memory_space<semaphore_mem>>, %arg12: memref<!tpu.dma_semaphore, #tpu.memory_space<semaphore_mem>>, %arg13: memref<!tpu.dma_semaphore, #tpu.memory_space<semaphore_mem>>, %arg14: memref<!tpu.dma_semaphore, #tpu.memory_space<semaphore_mem>>, %arg15: memref<!tpu.dma_semaphore, #tpu.memory_space<semaphore_mem>>, %arg16: memref<!tpu.dma_semaphore, #tpu.memory_space<semaphore_mem>>) attributes {dimension_semantics = [#tpu.dimension_semantics<core_parallel>, #tpu.dimension_semantics<subcore_parallel>], iteration_bounds = array<i64: 2, 16>, scalar_prefetch = 0 : i64, scratch_operands = 9 : i64, tpu.core_type = #tpu.core_type<sc_vector_subcore>, window_params = [{transform_indices = #map}, {transform_indices = #map}, {transform_indices = #map}, {transform_indices = #map1}, {transform_indices = #map1}, {transform_indices = #map2}]} {
    %mul3A = arith.constant 2 : i32
    %mul3A_0 = arith.muli %arg1, %mul3A : i32
    %add3A = arith.addi %mul3A_0, %arg0 : i32
    %lt3A = arith.constant 15 : i32
    %lt3A_1 = arith.cmpi slt, %arg1, %lt3A : i32
    %convert_element_type3A = arith.extui %lt3A_1 : i1 to i32
    %cond3A = arith.constant 0 : i32
    %cond3A_2 = arith.cmpi ne, %convert_element_type3A, %cond3A : i32
    scf.if %cond3A_2 {
      %mul3A_24 = arith.constant 632 : i32
      %mul3A_25 = arith.muli %arg1, %mul3A_24 : i32
      "tpu.region"() ({
        %run_scoped3A = tpu.sem_alloc : memref<!tpu.dma_semaphore, #tpu.memory_space<semaphore_mem>>
        %dma_start3A = arith.constant 0 : i32
        %dma_start3A_26 = tpu.memref_slice %arg10[%mul3A_25, %dma_start3A] : memref<10000x128xf32, #tpu.memory_space<vmem_shared>> -> memref<632x128xf32, #tpu.memory_space<vmem_shared>>
        tpu.enqueue_dma source(%arg6 : memref<632x128xf32, #tpu.memory_space<hbm>>) target(%dma_start3A_26 : memref<632x128xf32, #tpu.memory_space<vmem_shared>>) target_semaphore(%run_scoped3A : memref<!tpu.dma_semaphore, #tpu.memory_space<semaphore_mem>>)
        %dma_wait3A = arith.constant 0 : i32
        %dma_wait3A_27 = tpu.memref_slice %arg10[%mul3A_25, %dma_wait3A] : memref<10000x128xf32, #tpu.memory_space<vmem_shared>> -> memref<632x128xf32, #tpu.memory_space<vmem_shared>>
        tpu.wait_dma2 semaphore(%run_scoped3A : memref<!tpu.dma_semaphore, #tpu.memory_space<semaphore_mem>>) src(%arg6 : memref<632x128xf32, #tpu.memory_space<hbm>>) dst(%dma_wait3A_27 : memref<632x128xf32, #tpu.memory_space<vmem_shared>>)
        tpu.yield
      }) : () -> ()
    } else {
    }
    %eq3A = arith.constant 15 : i32
    %eq3A_3 = arith.cmpi eq, %arg1, %eq3A : i32
    %convert_element_type3A_4 = arith.extui %eq3A_3 : i1 to i32
    %cond3A_5 = arith.constant 0 : i32
    %cond3A_6 = arith.cmpi ne, %convert_element_type3A_4, %cond3A_5 : i32
    scf.if %cond3A_6 {
      %mul3A_24 = arith.constant 632 : i32
      %mul3A_25 = arith.muli %arg1, %mul3A_24 : i32
      "tpu.region"() ({
        %run_scoped3A = tpu.sem_alloc : memref<!tpu.dma_semaphore, #tpu.memory_space<semaphore_mem>>
        %dma_start3A = arith.constant 0 : i32
        %dma_start3A_26 = tpu.memref_slice %arg10[%mul3A_25, %dma_start3A] : memref<10000x128xf32, #tpu.memory_space<vmem_shared>> -> memref<520x128xf32, #tpu.memory_space<vmem_shared>>
        %dma_start3A_27 = arith.constant 0 : i32
        %dma_start3A_28 = arith.constant 0 : i32
        %dma_start3A_29 = tpu.memref_slice %arg6[%dma_start3A_27, %dma_start3A_28] : memref<632x128xf32, #tpu.memory_space<hbm>> -> memref<520x128xf32, #tpu.memory_space<hbm>>
        tpu.enqueue_dma source(%dma_start3A_29 : memref<520x128xf32, #tpu.memory_space<hbm>>) target(%dma_start3A_26 : memref<520x128xf32, #tpu.memory_space<vmem_shared>>) target_semaphore(%run_scoped3A : memref<!tpu.dma_semaphore, #tpu.memory_space<semaphore_mem>>)
        %dma_wait3A = arith.constant 0 : i32
        %dma_wait3A_30 = tpu.memref_slice %arg10[%mul3A_25, %dma_wait3A] : memref<10000x128xf32, #tpu.memory_space<vmem_shared>> -> memref<520x128xf32, #tpu.memory_space<vmem_shared>>
        %dma_wait3A_31 = arith.constant 0 : i32
        %dma_wait3A_32 = arith.constant 0 : i32
        %dma_wait3A_33 = tpu.memref_slice %arg6[%dma_wait3A_31, %dma_wait3A_32] : memref<632x128xf32, #tpu.memory_space<hbm>> -> memref<520x128xf32, #tpu.memory_space<hbm>>
        tpu.wait_dma2 semaphore(%run_scoped3A : memref<!tpu.dma_semaphore, #tpu.memory_space<semaphore_mem>>) src(%dma_wait3A_33 : memref<520x128xf32, #tpu.memory_space<hbm>>) dst(%dma_wait3A_30 : memref<520x128xf32, #tpu.memory_space<vmem_shared>>)
        tpu.yield
      }) : () -> ()
    } else {
    }
    %barrier3A = arith.constant 0 : index
    tpu.barrier barrier_id(%barrier3A)
    %scan3A = arith.constant 0 : i32
    %scan3A_7 = arith.constant 0 : i32
    %scan3A_8 = arith.constant 5 : i32
    %scan3A_9 = arith.addi %scan3A_7, %scan3A_8 : i32
    %scan3A_10 = arith.constant 1 : i32
    %scan3A_11 = scf.for %scan3A_24 = %scan3A_7 to %scan3A_9 step %scan3A_10 iter_args(%scan3A_25 = %scan3A) -> (i32)  : i32 {
      "tpu.region"() ({
        %run_scoped3A = tpu.sem_alloc : memref<!tpu.dma_semaphore, #tpu.memory_space<semaphore_mem>>
        %dma_start3A_348 = arith.constant 0 : i32
        %dma_start3A_349 = arith.constant 0 : i32
        %dma_start3A_350 = tpu.memref_slice %arg8[%dma_start3A_348, %dma_start3A_349] : memref<100x80xi32, #tpu.memory_space<vmem>> -> memref<25x80xi32, #tpu.memory_space<vmem>>
        %dma_start3A_351 = arith.constant 0 : i32
        %dma_start3A_352 = arith.constant 0 : i32
        %dma_start3A_353 = tpu.memref_slice %arg2[%add3A, %scan3A_24, %dma_start3A_351, %dma_start3A_352] : memref<32x5x25x80xi32, #tpu.memory_space<hbm>> -> memref<1x1x25x80xi32, #tpu.memory_space<hbm>>
        %dma_start3A_354 = tpu.memref_squeeze %dma_start3A_353 : memref<1x1x25x80xi32, #tpu.memory_space<hbm>> -> memref<25x80xi32, #tpu.memory_space<hbm>>
        %dma_start3A_355 = arith.constant 0 : i32
        %dma_start3A_356 = arith.constant 0 : i32
        %dma_start3A_357 = tpu.memref_slice %arg8[%dma_start3A_355, %dma_start3A_356] : memref<100x80xi32, #tpu.memory_space<vmem>> -> memref<25x80xi32, #tpu.memory_space<vmem>>
        %dma_start3A_358 = arith.constant 0 : i32
        %dma_start3A_359 = arith.constant 0 : i32
        %dma_start3A_360 = tpu.memref_slice %arg2[%add3A, %scan3A_24, %dma_start3A_358, %dma_start3A_359] : memref<32x5x25x80xi32, #tpu.memory_space<hbm>> -> memref<1x1x25x80xi32, #tpu.memory_space<hbm>>
        %dma_start3A_361 = tpu.memref_squeeze %dma_start3A_360 : memref<1x1x25x80xi32, #tpu.memory_space<hbm>> -> memref<25x80xi32, #tpu.memory_space<hbm>>
        tpu.enqueue_dma source(%dma_start3A_361 : memref<25x80xi32, #tpu.memory_space<hbm>>) target(%dma_start3A_357 : memref<25x80xi32, #tpu.memory_space<vmem>>) target_semaphore(%run_scoped3A : memref<!tpu.dma_semaphore, #tpu.memory_space<semaphore_mem>>)
        %dma_wait3A_362 = arith.constant 0 : i32
        %dma_wait3A_363 = arith.constant 0 : i32
        %dma_wait3A_364 = tpu.memref_slice %arg8[%dma_wait3A_362, %dma_wait3A_363] : memref<100x80xi32, #tpu.memory_space<vmem>> -> memref<25x80xi32, #tpu.memory_space<vmem>>
        %dma_wait3A_365 = arith.constant 0 : i32
        %dma_wait3A_366 = arith.constant 0 : i32
        %dma_wait3A_367 = tpu.memref_slice %arg2[%add3A, %scan3A_24, %dma_wait3A_365, %dma_wait3A_366] : memref<32x5x25x80xi32, #tpu.memory_space<hbm>> -> memref<1x1x25x80xi32, #tpu.memory_space<hbm>>
        %dma_wait3A_368 = tpu.memref_squeeze %dma_wait3A_367 : memref<1x1x25x80xi32, #tpu.memory_space<hbm>> -> memref<25x80xi32, #tpu.memory_space<hbm>>
        %dma_wait3A_369 = arith.constant 0 : i32
        %dma_wait3A_370 = arith.constant 0 : i32
        %dma_wait3A_371 = tpu.memref_slice %arg8[%dma_wait3A_369, %dma_wait3A_370] : memref<100x80xi32, #tpu.memory_space<vmem>> -> memref<25x80xi32, #tpu.memory_space<vmem>>
        %dma_wait3A_372 = arith.constant 0 : i32
        %dma_wait3A_373 = arith.constant 0 : i32
        %dma_wait3A_374 = tpu.memref_slice %arg2[%add3A, %scan3A_24, %dma_wait3A_372, %dma_wait3A_373] : memref<32x5x25x80xi32, #tpu.memory_space<hbm>> -> memref<1x1x25x80xi32, #tpu.memory_space<hbm>>
        %dma_wait3A_375 = tpu.memref_squeeze %dma_wait3A_374 : memref<1x1x25x80xi32, #tpu.memory_space<hbm>> -> memref<25x80xi32, #tpu.memory_space<hbm>>
        tpu.wait_dma2 semaphore(%run_scoped3A : memref<!tpu.dma_semaphore, #tpu.memory_space<semaphore_mem>>) src(%dma_wait3A_375 : memref<25x80xi32, #tpu.memory_space<hbm>>) dst(%dma_wait3A_371 : memref<25x80xi32, #tpu.memory_space<vmem>>)
        tpu.yield
      }) : () -> ()
      "tpu.region"() ({
        %run_scoped3A = tpu.sem_alloc : memref<!tpu.dma_semaphore, #tpu.memory_space<semaphore_mem>>
        %dma_start3A_348 = arith.constant 25 : i32
        %dma_start3A_349 = arith.constant 0 : i32
        %dma_start3A_350 = tpu.memref_slice %arg8[%dma_start3A_348, %dma_start3A_349] : memref<100x80xi32, #tpu.memory_space<vmem>> -> memref<25x80xi32, #tpu.memory_space<vmem>>
        %dma_start3A_351 = arith.constant 0 : i32
        %dma_start3A_352 = arith.constant 0 : i32
        %dma_start3A_353 = tpu.memref_slice %arg3[%add3A, %scan3A_24, %dma_start3A_351, %dma_start3A_352] : memref<32x5x25x80xi32, #tpu.memory_space<hbm>> -> memref<1x1x25x80xi32, #tpu.memory_space<hbm>>
        %dma_start3A_354 = tpu.memref_squeeze %dma_start3A_353 : memref<1x1x25x80xi32, #tpu.memory_space<hbm>> -> memref<25x80xi32, #tpu.memory_space<hbm>>
        %dma_start3A_355 = arith.constant 25 : i32
        %dma_start3A_356 = arith.constant 0 : i32
        %dma_start3A_357 = tpu.memref_slice %arg8[%dma_start3A_355, %dma_start3A_356] : memref<100x80xi32, #tpu.memory_space<vmem>> -> memref<25x80xi32, #tpu.memory_space<vmem>>
        %dma_start3A_358 = arith.constant 0 : i32
        %dma_start3A_359 = arith.constant 0 : i32
        %dma_start3A_360 = tpu.memref_slice %arg3[%add3A, %scan3A_24, %dma_start3A_358, %dma_start3A_359] : memref<32x5x25x80xi32, #tpu.memory_space<hbm>> -> memref<1x1x25x80xi32, #tpu.memory_space<hbm>>
        %dma_start3A_361 = tpu.memref_squeeze %dma_start3A_360 : memref<1x1x25x80xi32, #tpu.memory_space<hbm>> -> memref<25x80xi32, #tpu.memory_space<hbm>>
        tpu.enqueue_dma source(%dma_start3A_361 : memref<25x80xi32, #tpu.memory_space<hbm>>) target(%dma_start3A_357 : memref<25x80xi32, #tpu.memory_space<vmem>>) target_semaphore(%run_scoped3A : memref<!tpu.dma_semaphore, #tpu.memory_space<semaphore_mem>>)
        %dma_wait3A_362 = arith.constant 25 : i32
        %dma_wait3A_363 = arith.constant 0 : i32
        %dma_wait3A_364 = tpu.memref_slice %arg8[%dma_wait3A_362, %dma_wait3A_363] : memref<100x80xi32, #tpu.memory_space<vmem>> -> memref<25x80xi32, #tpu.memory_space<vmem>>
        %dma_wait3A_365 = arith.constant 0 : i32
        %dma_wait3A_366 = arith.constant 0 : i32
        %dma_wait3A_367 = tpu.memref_slice %arg3[%add3A, %scan3A_24, %dma_wait3A_365, %dma_wait3A_366] : memref<32x5x25x80xi32, #tpu.memory_space<hbm>> -> memref<1x1x25x80xi32, #tpu.memory_space<hbm>>
        %dma_wait3A_368 = tpu.memref_squeeze %dma_wait3A_367 : memref<1x1x25x80xi32, #tpu.memory_space<hbm>> -> memref<25x80xi32, #tpu.memory_space<hbm>>
        %dma_wait3A_369 = arith.constant 25 : i32
        %dma_wait3A_370 = arith.constant 0 : i32
        %dma_wait3A_371 = tpu.memref_slice %arg8[%dma_wait3A_369, %dma_wait3A_370] : memref<100x80xi32, #tpu.memory_space<vmem>> -> memref<25x80xi32, #tpu.memory_space<vmem>>
        %dma_wait3A_372 = arith.constant 0 : i32
        %dma_wait3A_373 = arith.constant 0 : i32
        %dma_wait3A_374 = tpu.memref_slice %arg3[%add3A, %scan3A_24, %dma_wait3A_372, %dma_wait3A_373] : memref<32x5x25x80xi32, #tpu.memory_space<hbm>> -> memref<1x1x25x80xi32, #tpu.memory_space<hbm>>
        %dma_wait3A_375 = tpu.memref_squeeze %dma_wait3A_374 : memref<1x1x25x80xi32, #tpu.memory_space<hbm>> -> memref<25x80xi32, #tpu.memory_space<hbm>>
        tpu.wait_dma2 semaphore(%run_scoped3A : memref<!tpu.dma_semaphore, #tpu.memory_space<semaphore_mem>>) src(%dma_wait3A_375 : memref<25x80xi32, #tpu.memory_space<hbm>>) dst(%dma_wait3A_371 : memref<25x80xi32, #tpu.memory_space<vmem>>)
        tpu.yield
      }) : () -> ()
      "tpu.region"() ({
        %run_scoped3A = tpu.sem_alloc : memref<!tpu.dma_semaphore, #tpu.memory_space<semaphore_mem>>
        %dma_start3A_348 = arith.constant 50 : i32
        %dma_start3A_349 = arith.constant 0 : i32
        %dma_start3A_350 = tpu.memref_slice %arg8[%dma_start3A_348, %dma_start3A_349] : memref<100x80xi32, #tpu.memory_space<vmem>> -> memref<25x80xi32, #tpu.memory_space<vmem>>
        %dma_start3A_351 = arith.constant 0 : i32
        %dma_start3A_352 = arith.constant 0 : i32
        %dma_start3A_353 = tpu.memref_slice %arg4[%add3A, %scan3A_24, %dma_start3A_351, %dma_start3A_352] : memref<32x5x25x80xi32, #tpu.memory_space<hbm>> -> memref<1x1x25x80xi32, #tpu.memory_space<hbm>>
        %dma_start3A_354 = tpu.memref_squeeze %dma_start3A_353 : memref<1x1x25x80xi32, #tpu.memory_space<hbm>> -> memref<25x80xi32, #tpu.memory_space<hbm>>
        %dma_start3A_355 = arith.constant 50 : i32
        %dma_start3A_356 = arith.constant 0 : i32
        %dma_start3A_357 = tpu.memref_slice %arg8[%dma_start3A_355, %dma_start3A_356] : memref<100x80xi32, #tpu.memory_space<vmem>> -> memref<25x80xi32, #tpu.memory_space<vmem>>
        %dma_start3A_358 = arith.constant 0 : i32
        %dma_start3A_359 = arith.constant 0 : i32
        %dma_start3A_360 = tpu.memref_slice %arg4[%add3A, %scan3A_24, %dma_start3A_358, %dma_start3A_359] : memref<32x5x25x80xi32, #tpu.memory_space<hbm>> -> memref<1x1x25x80xi32, #tpu.memory_space<hbm>>
        %dma_start3A_361 = tpu.memref_squeeze %dma_start3A_360 : memref<1x1x25x80xi32, #tpu.memory_space<hbm>> -> memref<25x80xi32, #tpu.memory_space<hbm>>
        tpu.enqueue_dma source(%dma_start3A_361 : memref<25x80xi32, #tpu.memory_space<hbm>>) target(%dma_start3A_357 : memref<25x80xi32, #tpu.memory_space<vmem>>) target_semaphore(%run_scoped3A : memref<!tpu.dma_semaphore, #tpu.memory_space<semaphore_mem>>)
        %dma_wait3A_362 = arith.constant 50 : i32
        %dma_wait3A_363 = arith.constant 0 : i32
        %dma_wait3A_364 = tpu.memref_slice %arg8[%dma_wait3A_362, %dma_wait3A_363] : memref<100x80xi32, #tpu.memory_space<vmem>> -> memref<25x80xi32, #tpu.memory_space<vmem>>
        %dma_wait3A_365 = arith.constant 0 : i32
        %dma_wait3A_366 = arith.constant 0 : i32
        %dma_wait3A_367 = tpu.memref_slice %arg4[%add3A, %scan3A_24, %dma_wait3A_365, %dma_wait3A_366] : memref<32x5x25x80xi32, #tpu.memory_space<hbm>> -> memref<1x1x25x80xi32, #tpu.memory_space<hbm>>
        %dma_wait3A_368 = tpu.memref_squeeze %dma_wait3A_367 : memref<1x1x25x80xi32, #tpu.memory_space<hbm>> -> memref<25x80xi32, #tpu.memory_space<hbm>>
        %dma_wait3A_369 = arith.constant 50 : i32
        %dma_wait3A_370 = arith.constant 0 : i32
        %dma_wait3A_371 = tpu.memref_slice %arg8[%dma_wait3A_369, %dma_wait3A_370] : memref<100x80xi32, #tpu.memory_space<vmem>> -> memref<25x80xi32, #tpu.memory_space<vmem>>
        %dma_wait3A_372 = arith.constant 0 : i32
        %dma_wait3A_373 = arith.constant 0 : i32
        %dma_wait3A_374 = tpu.memref_slice %arg4[%add3A, %scan3A_24, %dma_wait3A_372, %dma_wait3A_373] : memref<32x5x25x80xi32, #tpu.memory_space<hbm>> -> memref<1x1x25x80xi32, #tpu.memory_space<hbm>>
        %dma_wait3A_375 = tpu.memref_squeeze %dma_wait3A_374 : memref<1x1x25x80xi32, #tpu.memory_space<hbm>> -> memref<25x80xi32, #tpu.memory_space<hbm>>
        tpu.wait_dma2 semaphore(%run_scoped3A : memref<!tpu.dma_semaphore, #tpu.memory_space<semaphore_mem>>) src(%dma_wait3A_375 : memref<25x80xi32, #tpu.memory_space<hbm>>) dst(%dma_wait3A_371 : memref<25x80xi32, #tpu.memory_space<vmem>>)
        tpu.yield
      }) : () -> ()
      %scan3A_26 = arith.constant 0 : i32
      %scan3A_27 = arith.constant 0 : i32
      %scan3A_28 = arith.constant 125 : i32
      %scan3A_29 = arith.addi %scan3A_27, %scan3A_28 : i32
      %scan3A_30 = arith.constant 1 : i32
      %scan3A_31 = scf.for %scan3A_348 = %scan3A_27 to %scan3A_29 step %scan3A_30 iter_args(%scan3A_349 = %scan3A_26) -> (i32)  : i32 {
        %jit3A = arith.constant 5 : i32
        %div3A = arith.divsi %scan3A_348, %jit3A : i32
        %sign3A = arith.constant 0 : i32
        %sign3A_350 = arith.cmpi sgt, %scan3A_348, %sign3A : i32
        %sign3A_351 = arith.extui %sign3A_350 : i1 to i32
        %sign3A_352 = arith.constant 0 : i32
        %sign3A_353 = arith.cmpi slt, %scan3A_348, %sign3A_352 : i32
        %sign3A_354 = arith.extui %sign3A_353 : i1 to i32
        %sign3A_355 = arith.subi %sign3A_351, %sign3A_354 : i32
        %sign3A_356 = arith.constant 0 : i32
        %sign3A_357 = arith.cmpi sgt, %jit3A, %sign3A_356 : i32
        %sign3A_358 = arith.extui %sign3A_357 : i1 to i32
        %sign3A_359 = arith.constant 0 : i32
        %sign3A_360 = arith.cmpi slt, %jit3A, %sign3A_359 : i32
        %sign3A_361 = arith.extui %sign3A_360 : i1 to i32
        %sign3A_362 = arith.subi %sign3A_358, %sign3A_361 : i32
        %ne3A = arith.cmpi ne, %sign3A_355, %sign3A_362 : i32
        %rem3A = arith.remsi %scan3A_348, %jit3A : i32
        %ne3A_363 = arith.constant 0 : i32
        %ne3A_364 = arith.cmpi ne, %rem3A, %ne3A_363 : i32
        %and3A = arith.andi %ne3A, %ne3A_364 : i1
        %sub3A = arith.constant 1 : i32
        %sub3A_365 = arith.subi %div3A, %sub3A : i32
        %select_n3A = arith.select %and3A, %sub3A_365, %div3A : i32
        %jit3A_366 = arith.constant 5 : i32
        %eq3A_367 = arith.constant 0 : i32
        %eq3A_368 = arith.cmpi eq, %jit3A_366, %eq3A_367 : i32
        %jit3A_369 = arith.constant 1 : i32
        %select_n3A_370 = arith.select %eq3A_368, %jit3A_369, %jit3A_366 : i32
        %rem3A_371 = arith.remsi %scan3A_348, %select_n3A_370 : i32
        %ne3A_372 = arith.constant 0 : i32
        %ne3A_373 = arith.cmpi ne, %rem3A_371, %ne3A_372 : i32
        %lt3A_374 = arith.constant 0 : i32
        %lt3A_375 = arith.cmpi slt, %rem3A_371, %lt3A_374 : i32
        %lt3A_376 = arith.constant 0 : i32
        %lt3A_377 = arith.cmpi slt, %select_n3A_370, %lt3A_376 : i32
        %ne3A_378 = arith.xori %lt3A_375, %lt3A_377 : i1
        %and3A_379 = arith.andi %ne3A_378, %ne3A_373 : i1
        %add3A_380 = arith.addi %rem3A_371, %select_n3A_370 : i32
        %select_n3A_381 = arith.select %and3A_379, %add3A_380, %rem3A_371 : i32
        %mul3A_382 = arith.constant 16 : i32
        %mul3A_383 = arith.muli %select_n3A_381, %mul3A_382 : i32
        %add3A_384 = arith.constant 50 : i32
        %add3A_385 = arith.addi %add3A_384, %select_n3A : i32
        %get3A = arith.index_cast %add3A_385 : i32 to index
        %get3A_386 = arith.index_cast %mul3A_383 : i32 to index
        %get3A_387 = tpu.vector_load %arg8[%get3A, %get3A_386] {strides = array<i32>} : memref<100x80xi32, #tpu.memory_space<vmem>>, vector<1x16xi32>,
        %get3A_388 = vector.shape_cast %get3A_387 : vector<1x16xi32> to vector<16xi32>
        %mul3A_389 = arith.constant 10000 : i32
        %mul3A_390 = vector.broadcast %mul3A_389 : i32 to vector<16xi32>
        %mul3A_391 = arith.muli %get3A_388, %mul3A_390 : vector<16xi32>
        %add3A_392 = arith.constant 25 : i32
        %add3A_393 = arith.addi %add3A_392, %select_n3A : i32
        %get3A_394 = arith.index_cast %add3A_393 : i32 to index
        %get3A_395 = arith.index_cast %mul3A_383 : i32 to index
        %get3A_396 = tpu.vector_load %arg8[%get3A_394, %get3A_395] {strides = array<i32>} : memref<100x80xi32, #tpu.memory_space<vmem>>, vector<1x16xi32>,
        %get3A_397 = vector.shape_cast %get3A_396 : vector<1x16xi32> to vector<16xi32>
        %add3A_398 = arith.addi %mul3A_391, %get3A_397 : vector<16xi32>
        %add3A_399 = arith.constant 75 : i32
        %add3A_400 = arith.addi %add3A_399, %select_n3A : i32
        %swap3A = arith.index_cast %add3A_400 : i32 to index
        %swap3A_401 = arith.index_cast %mul3A_383 : i32 to index
        %swap3A_402 = tpu.vector_load %arg8[%swap3A, %swap3A_401] {strides = array<i32>} : memref<100x80xi32, #tpu.memory_space<vmem>>, vector<1x16xi32>,
        %swap3A_403 = vector.shape_cast %swap3A_402 : vector<1x16xi32> to vector<16xi32>
        %swap3A_404 = vector.shape_cast %add3A_398 : vector<16xi32> to vector<1x16xi32>
        tpu.vector_store %arg8[%swap3A, %swap3A_401], %swap3A_404 {strides = array<i32>} : memref<100x80xi32, #tpu.memory_space<vmem>>, vector<1x16xi32>,
        %get3A_405 = arith.index_cast %select_n3A : i32 to index
        %get3A_406 = arith.index_cast %mul3A_383 : i32 to index
        %get3A_407 = tpu.vector_load %arg8[%get3A_405, %get3A_406] {strides = array<i32>} : memref<100x80xi32, #tpu.memory_space<vmem>>, vector<1x16xi32>,
        %get3A_408 = vector.shape_cast %get3A_407 : vector<1x16xi32> to vector<16xi32>
        %add3A_409 = arith.addi %mul3A_391, %get3A_408 : vector<16xi32>
        %add3A_410 = arith.constant 50 : i32
        %add3A_411 = arith.addi %add3A_410, %select_n3A : i32
        %swap3A_412 = arith.index_cast %add3A_411 : i32 to index
        %swap3A_413 = arith.index_cast %mul3A_383 : i32 to index
        %swap3A_414 = tpu.vector_load %arg8[%swap3A_412, %swap3A_413] {strides = array<i32>} : memref<100x80xi32, #tpu.memory_space<vmem>>, vector<1x16xi32>,
        %swap3A_415 = vector.shape_cast %swap3A_414 : vector<1x16xi32> to vector<16xi32>
        %swap3A_416 = vector.shape_cast %add3A_409 : vector<16xi32> to vector<1x16xi32>
        tpu.vector_store %arg8[%swap3A_412, %swap3A_413], %swap3A_416 {strides = array<i32>} : memref<100x80xi32, #tpu.memory_space<vmem>>, vector<1x16xi32>,
        %scan3A_417 = arith.constant 0 : i32
        scf.yield %scan3A_417 : i32
      }
      %scan3A_32 = arith.constant 125 : i32
      %scan3A_33 = arith.constant 0 : i32
      %scan3A_34 = arith.constant 0 : i32
      %scan3A_35 = arith.constant 8 : i32
      %scan3A_36 = arith.addi %scan3A_34, %scan3A_35 : i32
      %scan3A_37 = arith.constant 1 : i32
      %scan3A_38 = scf.for %scan3A_348 = %scan3A_34 to %scan3A_36 step %scan3A_37 iter_args(%scan3A_349 = %scan3A_33) -> (i32)  : i32 {
        %gt3A = arith.constant 0 : i32
        %gt3A_350 = arith.cmpi sgt, %scan3A_348, %gt3A : i32
        %convert_element_type3A_351 = arith.extui %gt3A_350 : i1 to i32
        %cond3A_352 = arith.constant 0 : i32
        %cond3A_353 = arith.cmpi ne, %convert_element_type3A_351, %cond3A_352 : i32
        scf.if %cond3A_353 {
          %mul3A_827 = arith.constant 3 : i32
          %mul3A_828 = arith.muli %mul3A_827, %scan3A_348 : i32
          %add3A_829 = arith.constant -2 : i32
          %add3A_830 = arith.addi %mul3A_828, %add3A_829 : i32
          %dma_wait3A_831 = arith.constant 0 : i32
          %dma_wait3A_832 = arith.constant 0 : i32
          %dma_wait3A_833 = tpu.memref_slice %arg9[%dma_wait3A_831, %dma_wait3A_832] : memref<240x128xf32, #tpu.memory_space<vmem>> -> memref<80x128xf32, #tpu.memory_space<vmem>>
          %dma_wait3A_834 = arith.constant 0 : i32
          %dma_wait3A_835 = arith.constant 0 : i32
          %dma_wait3A_836 = tpu.memref_slice %arg8[%dma_wait3A_834, %dma_wait3A_835] : memref<100x80xi32, #tpu.memory_space<vmem>> -> memref<25x80xi32, #tpu.memory_space<vmem>>
          %dma_wait3A_837 = arith.constant 0 : i32
          %dma_wait3A_838 = tpu.memref_slice %dma_wait3A_836[%add3A_830, %dma_wait3A_837] : memref<25x80xi32, #tpu.memory_space<vmem>> -> memref<1x80xi32, #tpu.memory_space<vmem>>
          %dma_wait3A_839 = tpu.memref_squeeze %dma_wait3A_838 : memref<1x80xi32, #tpu.memory_space<vmem>> -> memref<80xi32, #tpu.memory_space<vmem>>
          %dma_wait3A_840 = arith.constant 0 : i32
          %dma_wait3A_841 = arith.constant 0 : i32
          %dma_wait3A_842 = tpu.memref_slice %arg10[%dma_wait3A_840, %dma_wait3A_841] : memref<10000x128xf32, #tpu.memory_space<vmem_shared>> -> memref<10000x128xf32, #tpu.memory_space<vmem_shared>>
          tpu.wait_indirect_dma semaphore(%arg14 : memref<!tpu.dma_semaphore, #tpu.memory_space<semaphore_mem>>) src(%dma_wait3A_833 : memref<80x128xf32, #tpu.memory_space<vmem>>) dst(%dma_wait3A_842 : memref<10000x128xf32, #tpu.memory_space<vmem_shared>>)
        } else {
        }
        %mul3A_354 = arith.constant 3 : i32
        %mul3A_355 = arith.muli %mul3A_354, %scan3A_348 : i32
        %add3A_356 = arith.constant 0 : i32
        %add3A_357 = arith.addi %mul3A_355, %add3A_356 : i32
        %dma_start3A_358 = arith.constant 0 : i32
        %dma_start3A_359 = arith.constant 0 : i32
        %dma_start3A_360 = tpu.memref_slice %arg9[%dma_start3A_358, %dma_start3A_359] : memref<240x128xf32, #tpu.memory_space<vmem>> -> memref<80x128xf32, #tpu.memory_space<vmem>>
        %dma_start3A_361 = arith.constant 0 : i32
        %dma_start3A_362 = arith.constant 0 : i32
        %dma_start3A_363 = tpu.memref_slice %dma_start3A_360[%dma_start3A_361, %dma_start3A_362] : memref<80x128xf32, #tpu.memory_space<vmem>> -> memref<40x128xf32, #tpu.memory_space<vmem>>
        %dma_start3A_364 = arith.constant 50 : i32
        %dma_start3A_365 = arith.constant 0 : i32
        %dma_start3A_366 = tpu.memref_slice %arg8[%dma_start3A_364, %dma_start3A_365] : memref<100x80xi32, #tpu.memory_space<vmem>> -> memref<25x80xi32, #tpu.memory_space<vmem>>
        %dma_start3A_367 = arith.constant 0 : i32
        %dma_start3A_368 = tpu.memref_slice %dma_start3A_366[%add3A_357, %dma_start3A_367] : memref<25x80xi32, #tpu.memory_space<vmem>> -> memref<1x40xi32, #tpu.memory_space<vmem>>
        %dma_start3A_369 = tpu.memref_squeeze %dma_start3A_368 : memref<1x40xi32, #tpu.memory_space<vmem>> -> memref<40xi32, #tpu.memory_space<vmem>>
        %dma_start3A_370 = arith.constant 0 : i32
        %dma_start3A_371 = arith.constant 0 : i32
        %dma_start3A_372 = tpu.memref_slice %arg5[%dma_start3A_370, %dma_start3A_371] : memref<80000x128xf32, #tpu.memory_space<hbm>> -> memref<80000x128xf32, #tpu.memory_space<hbm>>
        tpu.enqueue_indirect_dma source(%dma_start3A_372 : memref<80000x128xf32, #tpu.memory_space<hbm>>) target(%dma_start3A_363 : memref<40x128xf32, #tpu.memory_space<vmem>>) offsets(%dma_start3A_369 : memref<40xi32, #tpu.memory_space<vmem>>) semaphore(%arg11 : memref<!tpu.dma_semaphore, #tpu.memory_space<semaphore_mem>>)
        %dma_start3A_373 = arith.constant 0 : i32
        %dma_start3A_374 = arith.constant 0 : i32
        %dma_start3A_375 = tpu.memref_slice %arg9[%dma_start3A_373, %dma_start3A_374] : memref<240x128xf32, #tpu.memory_space<vmem>> -> memref<80x128xf32, #tpu.memory_space<vmem>>
        %dma_start3A_376 = arith.constant 40 : i32
        %dma_start3A_377 = arith.constant 0 : i32
        %dma_start3A_378 = tpu.memref_slice %dma_start3A_375[%dma_start3A_376, %dma_start3A_377] : memref<80x128xf32, #tpu.memory_space<vmem>> -> memref<40x128xf32, #tpu.memory_space<vmem>>
        %dma_start3A_379 = arith.constant 50 : i32
        %dma_start3A_380 = arith.constant 0 : i32
        %dma_start3A_381 = tpu.memref_slice %arg8[%dma_start3A_379, %dma_start3A_380] : memref<100x80xi32, #tpu.memory_space<vmem>> -> memref<25x80xi32, #tpu.memory_space<vmem>>
        %dma_start3A_382 = arith.constant 40 : i32
        %dma_start3A_383 = tpu.memref_slice %dma_start3A_381[%add3A_357, %dma_start3A_382] : memref<25x80xi32, #tpu.memory_space<vmem>> -> memref<1x40xi32, #tpu.memory_space<vmem>>
        %dma_start3A_384 = tpu.memref_squeeze %dma_start3A_383 : memref<1x40xi32, #tpu.memory_space<vmem>> -> memref<40xi32, #tpu.memory_space<vmem>>
        %dma_start3A_385 = arith.constant 0 : i32
        %dma_start3A_386 = arith.constant 0 : i32
        %dma_start3A_387 = tpu.memref_slice %arg5[%dma_start3A_385, %dma_start3A_386] : memref<80000x128xf32, #tpu.memory_space<hbm>> -> memref<80000x128xf32, #tpu.memory_space<hbm>>
        tpu.enqueue_indirect_dma source(%dma_start3A_387 : memref<80000x128xf32, #tpu.memory_space<hbm>>) target(%dma_start3A_378 : memref<40x128xf32, #tpu.memory_space<vmem>>) offsets(%dma_start3A_384 : memref<40xi32, #tpu.memory_space<vmem>>) semaphore(%arg11 : memref<!tpu.dma_semaphore, #tpu.memory_space<semaphore_mem>>)
        %gt3A_388 = arith.constant 0 : i32
        %gt3A_389 = arith.cmpi sgt, %scan3A_348, %gt3A_388 : i32
        %convert_element_type3A_390 = arith.extui %gt3A_389 : i1 to i32
        %cond3A_391 = arith.constant 0 : i32
        %cond3A_392 = arith.cmpi ne, %convert_element_type3A_390, %cond3A_391 : i32
        scf.if %cond3A_392 {
          %mul3A_827 = arith.constant 3 : i32
          %mul3A_828 = arith.muli %mul3A_827, %scan3A_348 : i32
          %add3A_829 = arith.constant -1 : i32
          %add3A_830 = arith.addi %mul3A_828, %add3A_829 : i32
          %dma_wait3A_831 = arith.constant 80 : i32
          %dma_wait3A_832 = arith.constant 0 : i32
          %dma_wait3A_833 = tpu.memref_slice %arg9[%dma_wait3A_831, %dma_wait3A_832] : memref<240x128xf32, #tpu.memory_space<vmem>> -> memref<80x128xf32, #tpu.memory_space<vmem>>
          %dma_wait3A_834 = arith.constant 0 : i32
          %dma_wait3A_835 = arith.constant 0 : i32
          %dma_wait3A_836 = tpu.memref_slice %dma_wait3A_833[%dma_wait3A_834, %dma_wait3A_835] : memref<80x128xf32, #tpu.memory_space<vmem>> -> memref<40x128xf32, #tpu.memory_space<vmem>>
          %dma_wait3A_837 = arith.constant 50 : i32
          %dma_wait3A_838 = arith.constant 0 : i32
          %dma_wait3A_839 = tpu.memref_slice %arg8[%dma_wait3A_837, %dma_wait3A_838] : memref<100x80xi32, #tpu.memory_space<vmem>> -> memref<25x80xi32, #tpu.memory_space<vmem>>
          %dma_wait3A_840 = arith.constant 0 : i32
          %dma_wait3A_841 = tpu.memref_slice %dma_wait3A_839[%add3A_830, %dma_wait3A_840] : memref<25x80xi32, #tpu.memory_space<vmem>> -> memref<1x40xi32, #tpu.memory_space<vmem>>
          %dma_wait3A_842 = tpu.memref_squeeze %dma_wait3A_841 : memref<1x40xi32, #tpu.memory_space<vmem>> -> memref<40xi32, #tpu.memory_space<vmem>>
          %dma_wait3A_843 = arith.constant 0 : i32
          %dma_wait3A_844 = arith.constant 0 : i32
          %dma_wait3A_845 = tpu.memref_slice %arg5[%dma_wait3A_843, %dma_wait3A_844] : memref<80000x128xf32, #tpu.memory_space<hbm>> -> memref<80000x128xf32, #tpu.memory_space<hbm>>
          tpu.wait_indirect_dma semaphore(%arg12 : memref<!tpu.dma_semaphore, #tpu.memory_space<semaphore_mem>>) src(%dma_wait3A_845 : memref<80000x128xf32, #tpu.memory_space<hbm>>) dst(%dma_wait3A_836 : memref<40x128xf32, #tpu.memory_space<vmem>>)
          %dma_wait3A_846 = arith.constant 80 : i32
          %dma_wait3A_847 = arith.constant 0 : i32
          %dma_wait3A_848 = tpu.memref_slice %arg9[%dma_wait3A_846, %dma_wait3A_847] : memref<240x128xf32, #tpu.memory_space<vmem>> -> memref<80x128xf32, #tpu.memory_space<vmem>>
          %dma_wait3A_849 = arith.constant 40 : i32
          %dma_wait3A_850 = arith.constant 0 : i32
          %dma_wait3A_851 = tpu.memref_slice %dma_wait3A_848[%dma_wait3A_849, %dma_wait3A_850] : memref<80x128xf32, #tpu.memory_space<vmem>> -> memref<40x128xf32, #tpu.memory_space<vmem>>
          %dma_wait3A_852 = arith.constant 50 : i32
          %dma_wait3A_853 = arith.constant 0 : i32
          %dma_wait3A_854 = tpu.memref_slice %arg8[%dma_wait3A_852, %dma_wait3A_853] : memref<100x80xi32, #tpu.memory_space<vmem>> -> memref<25x80xi32, #tpu.memory_space<vmem>>
          %dma_wait3A_855 = arith.constant 40 : i32
          %dma_wait3A_856 = tpu.memref_slice %dma_wait3A_854[%add3A_830, %dma_wait3A_855] : memref<25x80xi32, #tpu.memory_space<vmem>> -> memref<1x40xi32, #tpu.memory_space<vmem>>
          %dma_wait3A_857 = tpu.memref_squeeze %dma_wait3A_856 : memref<1x40xi32, #tpu.memory_space<vmem>> -> memref<40xi32, #tpu.memory_space<vmem>>
          %dma_wait3A_858 = arith.constant 0 : i32
          %dma_wait3A_859 = arith.constant 0 : i32
          %dma_wait3A_860 = tpu.memref_slice %arg5[%dma_wait3A_858, %dma_wait3A_859] : memref<80000x128xf32, #tpu.memory_space<hbm>> -> memref<80000x128xf32, #tpu.memory_space<hbm>>
          tpu.wait_indirect_dma semaphore(%arg12 : memref<!tpu.dma_semaphore, #tpu.memory_space<semaphore_mem>>) src(%dma_wait3A_860 : memref<80000x128xf32, #tpu.memory_space<hbm>>) dst(%dma_wait3A_851 : memref<40x128xf32, #tpu.memory_space<vmem>>)
          %mul3A_861 = arith.constant 3 : i32
          %mul3A_862 = arith.muli %mul3A_861, %scan3A_348 : i32
          %add3A_863 = arith.constant -1 : i32
          %add3A_864 = arith.addi %mul3A_862, %add3A_863 : i32
          %dma_start3A_865 = arith.constant 80 : i32
          %dma_start3A_866 = arith.constant 0 : i32
          %dma_start3A_867 = tpu.memref_slice %arg9[%dma_start3A_865, %dma_start3A_866] : memref<240x128xf32, #tpu.memory_space<vmem>> -> memref<80x128xf32, #tpu.memory_space<vmem>>
          %dma_start3A_868 = arith.constant 25 : i32
          %dma_start3A_869 = arith.constant 0 : i32
          %dma_start3A_870 = tpu.memref_slice %arg8[%dma_start3A_868, %dma_start3A_869] : memref<100x80xi32, #tpu.memory_space<vmem>> -> memref<25x80xi32, #tpu.memory_space<vmem>>
          %dma_start3A_871 = arith.constant 0 : i32
          %dma_start3A_872 = tpu.memref_slice %dma_start3A_870[%add3A_864, %dma_start3A_871] : memref<25x80xi32, #tpu.memory_space<vmem>> -> memref<1x80xi32, #tpu.memory_space<vmem>>
          %dma_start3A_873 = tpu.memref_squeeze %dma_start3A_872 : memref<1x80xi32, #tpu.memory_space<vmem>> -> memref<80xi32, #tpu.memory_space<vmem>>
          %dma_start3A_874 = arith.constant 0 : i32
          %dma_start3A_875 = arith.constant 0 : i32
          %dma_start3A_876 = tpu.memref_slice %arg10[%dma_start3A_874, %dma_start3A_875] : memref<10000x128xf32, #tpu.memory_space<vmem_shared>> -> memref<10000x128xf32, #tpu.memory_space<vmem_shared>>
          tpu.enqueue_indirect_dma source(%dma_start3A_867 : memref<80x128xf32, #tpu.memory_space<vmem>>) target(%dma_start3A_876 : memref<10000x128xf32, #tpu.memory_space<vmem_shared>>) offsets(%dma_start3A_873 : memref<80xi32, #tpu.memory_space<vmem>>) semaphore(%arg15 : memref<!tpu.dma_semaphore, #tpu.memory_space<semaphore_mem>>) {add = true}
        } else {
        }
        %gt3A_393 = arith.constant 0 : i32
        %gt3A_394 = arith.cmpi sgt, %scan3A_348, %gt3A_393 : i32
        %convert_element_type3A_395 = arith.extui %gt3A_394 : i1 to i32
        %cond3A_396 = arith.constant 0 : i32
        %cond3A_397 = arith.cmpi ne, %convert_element_type3A_395, %cond3A_396 : i32
        scf.if %cond3A_397 {
          %mul3A_827 = arith.constant 3 : i32
          %mul3A_828 = arith.muli %mul3A_827, %scan3A_348 : i32
          %add3A_829 = arith.constant -1 : i32
          %add3A_830 = arith.addi %mul3A_828, %add3A_829 : i32
          %dma_wait3A_831 = arith.constant 80 : i32
          %dma_wait3A_832 = arith.constant 0 : i32
          %dma_wait3A_833 = tpu.memref_slice %arg9[%dma_wait3A_831, %dma_wait3A_832] : memref<240x128xf32, #tpu.memory_space<vmem>> -> memref<80x128xf32, #tpu.memory_space<vmem>>
          %dma_wait3A_834 = arith.constant 25 : i32
          %dma_wait3A_835 = arith.constant 0 : i32
          %dma_wait3A_836 = tpu.memref_slice %arg8[%dma_wait3A_834, %dma_wait3A_835] : memref<100x80xi32, #tpu.memory_space<vmem>> -> memref<25x80xi32, #tpu.memory_space<vmem>>
          %dma_wait3A_837 = arith.constant 0 : i32
          %dma_wait3A_838 = tpu.memref_slice %dma_wait3A_836[%add3A_830, %dma_wait3A_837] : memref<25x80xi32, #tpu.memory_space<vmem>> -> memref<1x80xi32, #tpu.memory_space<vmem>>
          %dma_wait3A_839 = tpu.memref_squeeze %dma_wait3A_838 : memref<1x80xi32, #tpu.memory_space<vmem>> -> memref<80xi32, #tpu.memory_space<vmem>>
          %dma_wait3A_840 = arith.constant 0 : i32
          %dma_wait3A_841 = arith.constant 0 : i32
          %dma_wait3A_842 = tpu.memref_slice %arg10[%dma_wait3A_840, %dma_wait3A_841] : memref<10000x128xf32, #tpu.memory_space<vmem_shared>> -> memref<10000x128xf32, #tpu.memory_space<vmem_shared>>
          tpu.wait_indirect_dma semaphore(%arg15 : memref<!tpu.dma_semaphore, #tpu.memory_space<semaphore_mem>>) src(%dma_wait3A_833 : memref<80x128xf32, #tpu.memory_space<vmem>>) dst(%dma_wait3A_842 : memref<10000x128xf32, #tpu.memory_space<vmem_shared>>)
        } else {
        }
        %mul3A_398 = arith.constant 3 : i32
        %mul3A_399 = arith.muli %mul3A_398, %scan3A_348 : i32
        %add3A_400 = arith.constant 0 : i32
        %add3A_401 = arith.addi %mul3A_399, %add3A_400 : i32
        %dma_start3A_402 = arith.constant 80 : i32
        %dma_start3A_403 = arith.constant 0 : i32
        %dma_start3A_404 = tpu.memref_slice %arg9[%dma_start3A_402, %dma_start3A_403] : memref<240x128xf32, #tpu.memory_space<vmem>> -> memref<80x128xf32, #tpu.memory_space<vmem>>
        %dma_start3A_405 = arith.constant 0 : i32
        %dma_start3A_406 = arith.constant 0 : i32
        %dma_start3A_407 = tpu.memref_slice %dma_start3A_404[%dma_start3A_405, %dma_start3A_406] : memref<80x128xf32, #tpu.memory_space<vmem>> -> memref<40x128xf32, #tpu.memory_space<vmem>>
        %dma_start3A_408 = arith.constant 75 : i32
        %dma_start3A_409 = arith.constant 0 : i32
        %dma_start3A_410 = tpu.memref_slice %arg8[%dma_start3A_408, %dma_start3A_409] : memref<100x80xi32, #tpu.memory_space<vmem>> -> memref<25x80xi32, #tpu.memory_space<vmem>>
        %dma_start3A_411 = arith.constant 0 : i32
        %dma_start3A_412 = tpu.memref_slice %dma_start3A_410[%add3A_401, %dma_start3A_411] : memref<25x80xi32, #tpu.memory_space<vmem>> -> memref<1x40xi32, #tpu.memory_space<vmem>>
        %dma_start3A_413 = tpu.memref_squeeze %dma_start3A_412 : memref<1x40xi32, #tpu.memory_space<vmem>> -> memref<40xi32, #tpu.memory_space<vmem>>
        %dma_start3A_414 = arith.constant 0 : i32
        %dma_start3A_415 = arith.constant 0 : i32
        %dma_start3A_416 = tpu.memref_slice %arg5[%dma_start3A_414, %dma_start3A_415] : memref<80000x128xf32, #tpu.memory_space<hbm>> -> memref<80000x128xf32, #tpu.memory_space<hbm>>
        tpu.enqueue_indirect_dma source(%dma_start3A_416 : memref<80000x128xf32, #tpu.memory_space<hbm>>) target(%dma_start3A_407 : memref<40x128xf32, #tpu.memory_space<vmem>>) offsets(%dma_start3A_413 : memref<40xi32, #tpu.memory_space<vmem>>) semaphore(%arg12 : memref<!tpu.dma_semaphore, #tpu.memory_space<semaphore_mem>>)
        %dma_start3A_417 = arith.constant 80 : i32
        %dma_start3A_418 = arith.constant 0 : i32
        %dma_start3A_419 = tpu.memref_slice %arg9[%dma_start3A_417, %dma_start3A_418] : memref<240x128xf32, #tpu.memory_space<vmem>> -> memref<80x128xf32, #tpu.memory_space<vmem>>
        %dma_start3A_420 = arith.constant 40 : i32
        %dma_start3A_421 = arith.constant 0 : i32
        %dma_start3A_422 = tpu.memref_slice %dma_start3A_419[%dma_start3A_420, %dma_start3A_421] : memref<80x128xf32, #tpu.memory_space<vmem>> -> memref<40x128xf32, #tpu.memory_space<vmem>>
        %dma_start3A_423 = arith.constant 75 : i32
        %dma_start3A_424 = arith.constant 0 : i32
        %dma_start3A_425 = tpu.memref_slice %arg8[%dma_start3A_423, %dma_start3A_424] : memref<100x80xi32, #tpu.memory_space<vmem>> -> memref<25x80xi32, #tpu.memory_space<vmem>>
        %dma_start3A_426 = arith.constant 40 : i32
        %dma_start3A_427 = tpu.memref_slice %dma_start3A_425[%add3A_401, %dma_start3A_426] : memref<25x80xi32, #tpu.memory_space<vmem>> -> memref<1x40xi32, #tpu.memory_space<vmem>>
        %dma_start3A_428 = tpu.memref_squeeze %dma_start3A_427 : memref<1x40xi32, #tpu.memory_space<vmem>> -> memref<40xi32, #tpu.memory_space<vmem>>
        %dma_start3A_429 = arith.constant 0 : i32
        %dma_start3A_430 = arith.constant 0 : i32
        %dma_start3A_431 = tpu.memref_slice %arg5[%dma_start3A_429, %dma_start3A_430] : memref<80000x128xf32, #tpu.memory_space<hbm>> -> memref<80000x128xf32, #tpu.memory_space<hbm>>
        tpu.enqueue_indirect_dma source(%dma_start3A_431 : memref<80000x128xf32, #tpu.memory_space<hbm>>) target(%dma_start3A_422 : memref<40x128xf32, #tpu.memory_space<vmem>>) offsets(%dma_start3A_428 : memref<40xi32, #tpu.memory_space<vmem>>) semaphore(%arg12 : memref<!tpu.dma_semaphore, #tpu.memory_space<semaphore_mem>>)
        %gt3A_432 = arith.constant 0 : i32
        %gt3A_433 = arith.cmpi sgt, %scan3A_348, %gt3A_432 : i32
        %convert_element_type3A_434 = arith.extui %gt3A_433 : i1 to i32
        %cond3A_435 = arith.constant 0 : i32
        %cond3A_436 = arith.cmpi ne, %convert_element_type3A_434, %cond3A_435 : i32
        scf.if %cond3A_436 {
          %mul3A_827 = arith.constant 3 : i32
          %mul3A_828 = arith.muli %mul3A_827, %scan3A_348 : i32
          %add3A_829 = arith.constant -1 : i32
          %add3A_830 = arith.addi %mul3A_828, %add3A_829 : i32
          %dma_wait3A_831 = arith.constant 160 : i32
          %dma_wait3A_832 = arith.constant 0 : i32
          %dma_wait3A_833 = tpu.memref_slice %arg9[%dma_wait3A_831, %dma_wait3A_832] : memref<240x128xf32, #tpu.memory_space<vmem>> -> memref<80x128xf32, #tpu.memory_space<vmem>>
          %dma_wait3A_834 = arith.constant 0 : i32
          %dma_wait3A_835 = arith.constant 0 : i32
          %dma_wait3A_836 = tpu.memref_slice %dma_wait3A_833[%dma_wait3A_834, %dma_wait3A_835] : memref<80x128xf32, #tpu.memory_space<vmem>> -> memref<40x128xf32, #tpu.memory_space<vmem>>
          %dma_wait3A_837 = arith.constant 75 : i32
          %dma_wait3A_838 = arith.constant 0 : i32
          %dma_wait3A_839 = tpu.memref_slice %arg8[%dma_wait3A_837, %dma_wait3A_838] : memref<100x80xi32, #tpu.memory_space<vmem>> -> memref<25x80xi32, #tpu.memory_space<vmem>>
          %dma_wait3A_840 = arith.constant 0 : i32
          %dma_wait3A_841 = tpu.memref_slice %dma_wait3A_839[%add3A_830, %dma_wait3A_840] : memref<25x80xi32, #tpu.memory_space<vmem>> -> memref<1x40xi32, #tpu.memory_space<vmem>>
          %dma_wait3A_842 = tpu.memref_squeeze %dma_wait3A_841 : memref<1x40xi32, #tpu.memory_space<vmem>> -> memref<40xi32, #tpu.memory_space<vmem>>
          %dma_wait3A_843 = arith.constant 0 : i32
          %dma_wait3A_844 = arith.constant 0 : i32
          %dma_wait3A_845 = tpu.memref_slice %arg5[%dma_wait3A_843, %dma_wait3A_844] : memref<80000x128xf32, #tpu.memory_space<hbm>> -> memref<80000x128xf32, #tpu.memory_space<hbm>>
          tpu.wait_indirect_dma semaphore(%arg13 : memref<!tpu.dma_semaphore, #tpu.memory_space<semaphore_mem>>) src(%dma_wait3A_845 : memref<80000x128xf32, #tpu.memory_space<hbm>>) dst(%dma_wait3A_836 : memref<40x128xf32, #tpu.memory_space<vmem>>)
          %dma_wait3A_846 = arith.constant 160 : i32
          %dma_wait3A_847 = arith.constant 0 : i32
          %dma_wait3A_848 = tpu.memref_slice %arg9[%dma_wait3A_846, %dma_wait3A_847] : memref<240x128xf32, #tpu.memory_space<vmem>> -> memref<80x128xf32, #tpu.memory_space<vmem>>
          %dma_wait3A_849 = arith.constant 40 : i32
          %dma_wait3A_850 = arith.constant 0 : i32
          %dma_wait3A_851 = tpu.memref_slice %dma_wait3A_848[%dma_wait3A_849, %dma_wait3A_850] : memref<80x128xf32, #tpu.memory_space<vmem>> -> memref<40x128xf32, #tpu.memory_space<vmem>>
          %dma_wait3A_852 = arith.constant 75 : i32
          %dma_wait3A_853 = arith.constant 0 : i32
          %dma_wait3A_854 = tpu.memref_slice %arg8[%dma_wait3A_852, %dma_wait3A_853] : memref<100x80xi32, #tpu.memory_space<vmem>> -> memref<25x80xi32, #tpu.memory_space<vmem>>
          %dma_wait3A_855 = arith.constant 40 : i32
          %dma_wait3A_856 = tpu.memref_slice %dma_wait3A_854[%add3A_830, %dma_wait3A_855] : memref<25x80xi32, #tpu.memory_space<vmem>> -> memref<1x40xi32, #tpu.memory_space<vmem>>
          %dma_wait3A_857 = tpu.memref_squeeze %dma_wait3A_856 : memref<1x40xi32, #tpu.memory_space<vmem>> -> memref<40xi32, #tpu.memory_space<vmem>>
          %dma_wait3A_858 = arith.constant 0 : i32
          %dma_wait3A_859 = arith.constant 0 : i32
          %dma_wait3A_860 = tpu.memref_slice %arg5[%dma_wait3A_858, %dma_wait3A_859] : memref<80000x128xf32, #tpu.memory_space<hbm>> -> memref<80000x128xf32, #tpu.memory_space<hbm>>
          tpu.wait_indirect_dma semaphore(%arg13 : memref<!tpu.dma_semaphore, #tpu.memory_space<semaphore_mem>>) src(%dma_wait3A_860 : memref<80000x128xf32, #tpu.memory_space<hbm>>) dst(%dma_wait3A_851 : memref<40x128xf32, #tpu.memory_space<vmem>>)
          %mul3A_861 = arith.constant 3 : i32
          %mul3A_862 = arith.muli %mul3A_861, %scan3A_348 : i32
          %add3A_863 = arith.constant -1 : i32
          %add3A_864 = arith.addi %mul3A_862, %add3A_863 : i32
          %dma_start3A_865 = arith.constant 160 : i32
          %dma_start3A_866 = arith.constant 0 : i32
          %dma_start3A_867 = tpu.memref_slice %arg9[%dma_start3A_865, %dma_start3A_866] : memref<240x128xf32, #tpu.memory_space<vmem>> -> memref<80x128xf32, #tpu.memory_space<vmem>>
          %dma_start3A_868 = arith.constant 0 : i32
          %dma_start3A_869 = arith.constant 0 : i32
          %dma_start3A_870 = tpu.memref_slice %arg8[%dma_start3A_868, %dma_start3A_869] : memref<100x80xi32, #tpu.memory_space<vmem>> -> memref<25x80xi32, #tpu.memory_space<vmem>>
          %dma_start3A_871 = arith.constant 0 : i32
          %dma_start3A_872 = tpu.memref_slice %dma_start3A_870[%add3A_864, %dma_start3A_871] : memref<25x80xi32, #tpu.memory_space<vmem>> -> memref<1x80xi32, #tpu.memory_space<vmem>>
          %dma_start3A_873 = tpu.memref_squeeze %dma_start3A_872 : memref<1x80xi32, #tpu.memory_space<vmem>> -> memref<80xi32, #tpu.memory_space<vmem>>
          %dma_start3A_874 = arith.constant 0 : i32
          %dma_start3A_875 = arith.constant 0 : i32
          %dma_start3A_876 = tpu.memref_slice %arg10[%dma_start3A_874, %dma_start3A_875] : memref<10000x128xf32, #tpu.memory_space<vmem_shared>> -> memref<10000x128xf32, #tpu.memory_space<vmem_shared>>
          tpu.enqueue_indirect_dma source(%dma_start3A_867 : memref<80x128xf32, #tpu.memory_space<vmem>>) target(%dma_start3A_876 : memref<10000x128xf32, #tpu.memory_space<vmem_shared>>) offsets(%dma_start3A_873 : memref<80xi32, #tpu.memory_space<vmem>>) semaphore(%arg16 : memref<!tpu.dma_semaphore, #tpu.memory_space<semaphore_mem>>) {add = true}
        } else {
        }
        %gt3A_437 = arith.constant 0 : i32
        %gt3A_438 = arith.cmpi sgt, %scan3A_348, %gt3A_437 : i32
        %convert_element_type3A_439 = arith.extui %gt3A_438 : i1 to i32
        %cond3A_440 = arith.constant 0 : i32
        %cond3A_441 = arith.cmpi ne, %convert_element_type3A_439, %cond3A_440 : i32
        scf.if %cond3A_441 {
          %mul3A_827 = arith.constant 3 : i32
          %mul3A_828 = arith.muli %mul3A_827, %scan3A_348 : i32
          %add3A_829 = arith.constant -1 : i32
          %add3A_830 = arith.addi %mul3A_828, %add3A_829 : i32
          %dma_wait3A_831 = arith.constant 160 : i32
          %dma_wait3A_832 = arith.constant 0 : i32
          %dma_wait3A_833 = tpu.memref_slice %arg9[%dma_wait3A_831, %dma_wait3A_832] : memref<240x128xf32, #tpu.memory_space<vmem>> -> memref<80x128xf32, #tpu.memory_space<vmem>>
          %dma_wait3A_834 = arith.constant 0 : i32
          %dma_wait3A_835 = arith.constant 0 : i32
          %dma_wait3A_836 = tpu.memref_slice %arg8[%dma_wait3A_834, %dma_wait3A_835] : memref<100x80xi32, #tpu.memory_space<vmem>> -> memref<25x80xi32, #tpu.memory_space<vmem>>
          %dma_wait3A_837 = arith.constant 0 : i32
          %dma_wait3A_838 = tpu.memref_slice %dma_wait3A_836[%add3A_830, %dma_wait3A_837] : memref<25x80xi32, #tpu.memory_space<vmem>> -> memref<1x80xi32, #tpu.memory_space<vmem>>
          %dma_wait3A_839 = tpu.memref_squeeze %dma_wait3A_838 : memref<1x80xi32, #tpu.memory_space<vmem>> -> memref<80xi32, #tpu.memory_space<vmem>>
          %dma_wait3A_840 = arith.constant 0 : i32
          %dma_wait3A_841 = arith.constant 0 : i32
          %dma_wait3A_842 = tpu.memref_slice %arg10[%dma_wait3A_840, %dma_wait3A_841] : memref<10000x128xf32, #tpu.memory_space<vmem_shared>> -> memref<10000x128xf32, #tpu.memory_space<vmem_shared>>
          tpu.wait_indirect_dma semaphore(%arg16 : memref<!tpu.dma_semaphore, #tpu.memory_space<semaphore_mem>>) src(%dma_wait3A_833 : memref<80x128xf32, #tpu.memory_space<vmem>>) dst(%dma_wait3A_842 : memref<10000x128xf32, #tpu.memory_space<vmem_shared>>)
        } else {
        }
        %mul3A_442 = arith.constant 3 : i32
        %mul3A_443 = arith.muli %mul3A_442, %scan3A_348 : i32
        %add3A_444 = arith.constant 1 : i32
        %add3A_445 = arith.addi %mul3A_443, %add3A_444 : i32
        %dma_start3A_446 = arith.constant 160 : i32
        %dma_start3A_447 = arith.constant 0 : i32
        %dma_start3A_448 = tpu.memref_slice %arg9[%dma_start3A_446, %dma_start3A_447] : memref<240x128xf32, #tpu.memory_space<vmem>> -> memref<80x128xf32, #tpu.memory_space<vmem>>
        %dma_start3A_449 = arith.constant 0 : i32
        %dma_start3A_450 = arith.constant 0 : i32
        %dma_start3A_451 = tpu.memref_slice %dma_start3A_448[%dma_start3A_449, %dma_start3A_450] : memref<80x128xf32, #tpu.memory_space<vmem>> -> memref<40x128xf32, #tpu.memory_space<vmem>>
        %dma_start3A_452 = arith.constant 50 : i32
        %dma_start3A_453 = arith.constant 0 : i32
        %dma_start3A_454 = tpu.memref_slice %arg8[%dma_start3A_452, %dma_start3A_453] : memref<100x80xi32, #tpu.memory_space<vmem>> -> memref<25x80xi32, #tpu.memory_space<vmem>>
        %dma_start3A_455 = arith.constant 0 : i32
        %dma_start3A_456 = tpu.memref_slice %dma_start3A_454[%add3A_445, %dma_start3A_455] : memref<25x80xi32, #tpu.memory_space<vmem>> -> memref<1x40xi32, #tpu.memory_space<vmem>>
        %dma_start3A_457 = tpu.memref_squeeze %dma_start3A_456 : memref<1x40xi32, #tpu.memory_space<vmem>> -> memref<40xi32, #tpu.memory_space<vmem>>
        %dma_start3A_458 = arith.constant 0 : i32
        %dma_start3A_459 = arith.constant 0 : i32
        %dma_start3A_460 = tpu.memref_slice %arg5[%dma_start3A_458, %dma_start3A_459] : memref<80000x128xf32, #tpu.memory_space<hbm>> -> memref<80000x128xf32, #tpu.memory_space<hbm>>
        tpu.enqueue_indirect_dma source(%dma_start3A_460 : memref<80000x128xf32, #tpu.memory_space<hbm>>) target(%dma_start3A_451 : memref<40x128xf32, #tpu.memory_space<vmem>>) offsets(%dma_start3A_457 : memref<40xi32, #tpu.memory_space<vmem>>) semaphore(%arg13 : memref<!tpu.dma_semaphore, #tpu.memory_space<semaphore_mem>>)
        %dma_start3A_461 = arith.constant 160 : i32
        %dma_start3A_462 = arith.constant 0 : i32
        %dma_start3A_463 = tpu.memref_slice %arg9[%dma_start3A_461, %dma_start3A_462] : memref<240x128xf32, #tpu.memory_space<vmem>> -> memref<80x128xf32, #tpu.memory_space<vmem>>
        %dma_start3A_464 = arith.constant 40 : i32
        %dma_start3A_465 = arith.constant 0 : i32
        %dma_start3A_466 = tpu.memref_slice %dma_start3A_463[%dma_start3A_464, %dma_start3A_465] : memref<80x128xf32, #tpu.memory_space<vmem>> -> memref<40x128xf32, #tpu.memory_space<vmem>>
        %dma_start3A_467 = arith.constant 50 : i32
        %dma_start3A_468 = arith.constant 0 : i32
        %dma_start3A_469 = tpu.memref_slice %arg8[%dma_start3A_467, %dma_start3A_468] : memref<100x80xi32, #tpu.memory_space<vmem>> -> memref<25x80xi32, #tpu.memory_space<vmem>>
        %dma_start3A_470 = arith.constant 40 : i32
        %dma_start3A_471 = tpu.memref_slice %dma_start3A_469[%add3A_445, %dma_start3A_470] : memref<25x80xi32, #tpu.memory_space<vmem>> -> memref<1x40xi32, #tpu.memory_space<vmem>>
        %dma_start3A_472 = tpu.memref_squeeze %dma_start3A_471 : memref<1x40xi32, #tpu.memory_space<vmem>> -> memref<40xi32, #tpu.memory_space<vmem>>
        %dma_start3A_473 = arith.constant 0 : i32
        %dma_start3A_474 = arith.constant 0 : i32
        %dma_start3A_475 = tpu.memref_slice %arg5[%dma_start3A_473, %dma_start3A_474] : memref<80000x128xf32, #tpu.memory_space<hbm>> -> memref<80000x128xf32, #tpu.memory_space<hbm>>
        tpu.enqueue_indirect_dma source(%dma_start3A_475 : memref<80000x128xf32, #tpu.memory_space<hbm>>) target(%dma_start3A_466 : memref<40x128xf32, #tpu.memory_space<vmem>>) offsets(%dma_start3A_472 : memref<40xi32, #tpu.memory_space<vmem>>) semaphore(%arg13 : memref<!tpu.dma_semaphore, #tpu.memory_space<semaphore_mem>>)
        %mul3A_476 = arith.constant 3 : i32
        %mul3A_477 = arith.muli %mul3A_476, %scan3A_348 : i32
        %add3A_478 = arith.constant 0 : i32
        %add3A_479 = arith.addi %mul3A_477, %add3A_478 : i32
        %dma_wait3A_480 = arith.constant 0 : i32
        %dma_wait3A_481 = arith.constant 0 : i32
        %dma_wait3A_482 = tpu.memref_slice %arg9[%dma_wait3A_480, %dma_wait3A_481] : memref<240x128xf32, #tpu.memory_space<vmem>> -> memref<80x128xf32, #tpu.memory_space<vmem>>
        %dma_wait3A_483 = arith.constant 0 : i32
        %dma_wait3A_484 = arith.constant 0 : i32
        %dma_wait3A_485 = tpu.memref_slice %dma_wait3A_482[%dma_wait3A_483, %dma_wait3A_484] : memref<80x128xf32, #tpu.memory_space<vmem>> -> memref<40x128xf32, #tpu.memory_space<vmem>>
        %dma_wait3A_486 = arith.constant 50 : i32
        %dma_wait3A_487 = arith.constant 0 : i32
        %dma_wait3A_488 = tpu.memref_slice %arg8[%dma_wait3A_486, %dma_wait3A_487] : memref<100x80xi32, #tpu.memory_space<vmem>> -> memref<25x80xi32, #tpu.memory_space<vmem>>
        %dma_wait3A_489 = arith.constant 0 : i32
        %dma_wait3A_490 = tpu.memref_slice %dma_wait3A_488[%add3A_479, %dma_wait3A_489] : memref<25x80xi32, #tpu.memory_space<vmem>> -> memref<1x40xi32, #tpu.memory_space<vmem>>
        %dma_wait3A_491 = tpu.memref_squeeze %dma_wait3A_490 : memref<1x40xi32, #tpu.memory_space<vmem>> -> memref<40xi32, #tpu.memory_space<vmem>>
        %dma_wait3A_492 = arith.constant 0 : i32
        %dma_wait3A_493 = arith.constant 0 : i32
        %dma_wait3A_494 = tpu.memref_slice %arg5[%dma_wait3A_492, %dma_wait3A_493] : memref<80000x128xf32, #tpu.memory_space<hbm>> -> memref<80000x128xf32, #tpu.memory_space<hbm>>
        tpu.wait_indirect_dma semaphore(%arg11 : memref<!tpu.dma_semaphore, #tpu.memory_space<semaphore_mem>>) src(%dma_wait3A_494 : memref<80000x128xf32, #tpu.memory_space<hbm>>) dst(%dma_wait3A_485 : memref<40x128xf32, #tpu.memory_space<vmem>>)
        %dma_wait3A_495 = arith.constant 0 : i32
        %dma_wait3A_496 = arith.constant 0 : i32
        %dma_wait3A_497 = tpu.memref_slice %arg9[%dma_wait3A_495, %dma_wait3A_496] : memref<240x128xf32, #tpu.memory_space<vmem>> -> memref<80x128xf32, #tpu.memory_space<vmem>>
        %dma_wait3A_498 = arith.constant 40 : i32
        %dma_wait3A_499 = arith.constant 0 : i32
        %dma_wait3A_500 = tpu.memref_slice %dma_wait3A_497[%dma_wait3A_498, %dma_wait3A_499] : memref<80x128xf32, #tpu.memory_space<vmem>> -> memref<40x128xf32, #tpu.memory_space<vmem>>
        %dma_wait3A_501 = arith.constant 50 : i32
        %dma_wait3A_502 = arith.constant 0 : i32
        %dma_wait3A_503 = tpu.memref_slice %arg8[%dma_wait3A_501, %dma_wait3A_502] : memref<100x80xi32, #tpu.memory_space<vmem>> -> memref<25x80xi32, #tpu.memory_space<vmem>>
        %dma_wait3A_504 = arith.constant 40 : i32
        %dma_wait3A_505 = tpu.memref_slice %dma_wait3A_503[%add3A_479, %dma_wait3A_504] : memref<25x80xi32, #tpu.memory_space<vmem>> -> memref<1x40xi32, #tpu.memory_space<vmem>>
        %dma_wait3A_506 = tpu.memref_squeeze %dma_wait3A_505 : memref<1x40xi32, #tpu.memory_space<vmem>> -> memref<40xi32, #tpu.memory_space<vmem>>
        %dma_wait3A_507 = arith.constant 0 : i32
        %dma_wait3A_508 = arith.constant 0 : i32
        %dma_wait3A_509 = tpu.memref_slice %arg5[%dma_wait3A_507, %dma_wait3A_508] : memref<80000x128xf32, #tpu.memory_space<hbm>> -> memref<80000x128xf32, #tpu.memory_space<hbm>>
        tpu.wait_indirect_dma semaphore(%arg11 : memref<!tpu.dma_semaphore, #tpu.memory_space<semaphore_mem>>) src(%dma_wait3A_509 : memref<80000x128xf32, #tpu.memory_space<hbm>>) dst(%dma_wait3A_500 : memref<40x128xf32, #tpu.memory_space<vmem>>)
        %mul3A_510 = arith.constant 3 : i32
        %mul3A_511 = arith.muli %mul3A_510, %scan3A_348 : i32
        %add3A_512 = arith.constant 0 : i32
        %add3A_513 = arith.addi %mul3A_511, %add3A_512 : i32
        %dma_start3A_514 = arith.constant 0 : i32
        %dma_start3A_515 = arith.constant 0 : i32
        %dma_start3A_516 = tpu.memref_slice %arg9[%dma_start3A_514, %dma_start3A_515] : memref<240x128xf32, #tpu.memory_space<vmem>> -> memref<80x128xf32, #tpu.memory_space<vmem>>
        %dma_start3A_517 = arith.constant 25 : i32
        %dma_start3A_518 = arith.constant 0 : i32
        %dma_start3A_519 = tpu.memref_slice %arg8[%dma_start3A_517, %dma_start3A_518] : memref<100x80xi32, #tpu.memory_space<vmem>> -> memref<25x80xi32, #tpu.memory_space<vmem>>
        %dma_start3A_520 = arith.constant 0 : i32
        %dma_start3A_521 = tpu.memref_slice %dma_start3A_519[%add3A_513, %dma_start3A_520] : memref<25x80xi32, #tpu.memory_space<vmem>> -> memref<1x80xi32, #tpu.memory_space<vmem>>
        %dma_start3A_522 = tpu.memref_squeeze %dma_start3A_521 : memref<1x80xi32, #tpu.memory_space<vmem>> -> memref<80xi32, #tpu.memory_space<vmem>>
        %dma_start3A_523 = arith.constant 0 : i32
        %dma_start3A_524 = arith.constant 0 : i32
        %dma_start3A_525 = tpu.memref_slice %arg10[%dma_start3A_523, %dma_start3A_524] : memref<10000x128xf32, #tpu.memory_space<vmem_shared>> -> memref<10000x128xf32, #tpu.memory_space<vmem_shared>>
        tpu.enqueue_indirect_dma source(%dma_start3A_516 : memref<80x128xf32, #tpu.memory_space<vmem>>) target(%dma_start3A_525 : memref<10000x128xf32, #tpu.memory_space<vmem_shared>>) offsets(%dma_start3A_522 : memref<80xi32, #tpu.memory_space<vmem>>) semaphore(%arg14 : memref<!tpu.dma_semaphore, #tpu.memory_space<semaphore_mem>>) {add = true}
        %mul3A_526 = arith.constant 3 : i32
        %mul3A_527 = arith.muli %mul3A_526, %scan3A_348 : i32
        %add3A_528 = arith.constant 0 : i32
        %add3A_529 = arith.addi %mul3A_527, %add3A_528 : i32
        %dma_wait3A_530 = arith.constant 0 : i32
        %dma_wait3A_531 = arith.constant 0 : i32
        %dma_wait3A_532 = tpu.memref_slice %arg9[%dma_wait3A_530, %dma_wait3A_531] : memref<240x128xf32, #tpu.memory_space<vmem>> -> memref<80x128xf32, #tpu.memory_space<vmem>>
        %dma_wait3A_533 = arith.constant 25 : i32
        %dma_wait3A_534 = arith.constant 0 : i32
        %dma_wait3A_535 = tpu.memref_slice %arg8[%dma_wait3A_533, %dma_wait3A_534] : memref<100x80xi32, #tpu.memory_space<vmem>> -> memref<25x80xi32, #tpu.memory_space<vmem>>
        %dma_wait3A_536 = arith.constant 0 : i32
        %dma_wait3A_537 = tpu.memref_slice %dma_wait3A_535[%add3A_529, %dma_wait3A_536] : memref<25x80xi32, #tpu.memory_space<vmem>> -> memref<1x80xi32, #tpu.memory_space<vmem>>
        %dma_wait3A_538 = tpu.memref_squeeze %dma_wait3A_537 : memref<1x80xi32, #tpu.memory_space<vmem>> -> memref<80xi32, #tpu.memory_space<vmem>>
        %dma_wait3A_539 = arith.constant 0 : i32
        %dma_wait3A_540 = arith.constant 0 : i32
        %dma_wait3A_541 = tpu.memref_slice %arg10[%dma_wait3A_539, %dma_wait3A_540] : memref<10000x128xf32, #tpu.memory_space<vmem_shared>> -> memref<10000x128xf32, #tpu.memory_space<vmem_shared>>
        tpu.wait_indirect_dma semaphore(%arg14 : memref<!tpu.dma_semaphore, #tpu.memory_space<semaphore_mem>>) src(%dma_wait3A_532 : memref<80x128xf32, #tpu.memory_space<vmem>>) dst(%dma_wait3A_541 : memref<10000x128xf32, #tpu.memory_space<vmem_shared>>)
        %mul3A_542 = arith.constant 3 : i32
        %mul3A_543 = arith.muli %mul3A_542, %scan3A_348 : i32
        %add3A_544 = arith.constant 1 : i32
        %add3A_545 = arith.addi %mul3A_543, %add3A_544 : i32
        %dma_start3A_546 = arith.constant 0 : i32
        %dma_start3A_547 = arith.constant 0 : i32
        %dma_start3A_548 = tpu.memref_slice %arg9[%dma_start3A_546, %dma_start3A_547] : memref<240x128xf32, #tpu.memory_space<vmem>> -> memref<80x128xf32, #tpu.memory_space<vmem>>
        %dma_start3A_549 = arith.constant 0 : i32
        %dma_start3A_550 = arith.constant 0 : i32
        %dma_start3A_551 = tpu.memref_slice %dma_start3A_548[%dma_start3A_549, %dma_start3A_550] : memref<80x128xf32, #tpu.memory_space<vmem>> -> memref<40x128xf32, #tpu.memory_space<vmem>>
        %dma_start3A_552 = arith.constant 75 : i32
        %dma_start3A_553 = arith.constant 0 : i32
        %dma_start3A_554 = tpu.memref_slice %arg8[%dma_start3A_552, %dma_start3A_553] : memref<100x80xi32, #tpu.memory_space<vmem>> -> memref<25x80xi32, #tpu.memory_space<vmem>>
        %dma_start3A_555 = arith.constant 0 : i32
        %dma_start3A_556 = tpu.memref_slice %dma_start3A_554[%add3A_545, %dma_start3A_555] : memref<25x80xi32, #tpu.memory_space<vmem>> -> memref<1x40xi32, #tpu.memory_space<vmem>>
        %dma_start3A_557 = tpu.memref_squeeze %dma_start3A_556 : memref<1x40xi32, #tpu.memory_space<vmem>> -> memref<40xi32, #tpu.memory_space<vmem>>
        %dma_start3A_558 = arith.constant 0 : i32
        %dma_start3A_559 = arith.constant 0 : i32
        %dma_start3A_560 = tpu.memref_slice %arg5[%dma_start3A_558, %dma_start3A_559] : memref<80000x128xf32, #tpu.memory_space<hbm>> -> memref<80000x128xf32, #tpu.memory_space<hbm>>
        tpu.enqueue_indirect_dma source(%dma_start3A_560 : memref<80000x128xf32, #tpu.memory_space<hbm>>) target(%dma_start3A_551 : memref<40x128xf32, #tpu.memory_space<vmem>>) offsets(%dma_start3A_557 : memref<40xi32, #tpu.memory_space<vmem>>) semaphore(%arg11 : memref<!tpu.dma_semaphore, #tpu.memory_space<semaphore_mem>>)
        %dma_start3A_561 = arith.constant 0 : i32
        %dma_start3A_562 = arith.constant 0 : i32
        %dma_start3A_563 = tpu.memref_slice %arg9[%dma_start3A_561, %dma_start3A_562] : memref<240x128xf32, #tpu.memory_space<vmem>> -> memref<80x128xf32, #tpu.memory_space<vmem>>
        %dma_start3A_564 = arith.constant 40 : i32
        %dma_start3A_565 = arith.constant 0 : i32
        %dma_start3A_566 = tpu.memref_slice %dma_start3A_563[%dma_start3A_564, %dma_start3A_565] : memref<80x128xf32, #tpu.memory_space<vmem>> -> memref<40x128xf32, #tpu.memory_space<vmem>>
        %dma_start3A_567 = arith.constant 75 : i32
        %dma_start3A_568 = arith.constant 0 : i32
        %dma_start3A_569 = tpu.memref_slice %arg8[%dma_start3A_567, %dma_start3A_568] : memref<100x80xi32, #tpu.memory_space<vmem>> -> memref<25x80xi32, #tpu.memory_space<vmem>>
        %dma_start3A_570 = arith.constant 40 : i32
        %dma_start3A_571 = tpu.memref_slice %dma_start3A_569[%add3A_545, %dma_start3A_570] : memref<25x80xi32, #tpu.memory_space<vmem>> -> memref<1x40xi32, #tpu.memory_space<vmem>>
        %dma_start3A_572 = tpu.memref_squeeze %dma_start3A_571 : memref<1x40xi32, #tpu.memory_space<vmem>> -> memref<40xi32, #tpu.memory_space<vmem>>
        %dma_start3A_573 = arith.constant 0 : i32
        %dma_start3A_574 = arith.constant 0 : i32
        %dma_start3A_575 = tpu.memref_slice %arg5[%dma_start3A_573, %dma_start3A_574] : memref<80000x128xf32, #tpu.memory_space<hbm>> -> memref<80000x128xf32, #tpu.memory_space<hbm>>
        tpu.enqueue_indirect_dma source(%dma_start3A_575 : memref<80000x128xf32, #tpu.memory_space<hbm>>) target(%dma_start3A_566 : memref<40x128xf32, #tpu.memory_space<vmem>>) offsets(%dma_start3A_572 : memref<40xi32, #tpu.memory_space<vmem>>) semaphore(%arg11 : memref<!tpu.dma_semaphore, #tpu.memory_space<semaphore_mem>>)
        %mul3A_576 = arith.constant 3 : i32
        %mul3A_577 = arith.muli %mul3A_576, %scan3A_348 : i32
        %add3A_578 = arith.constant 0 : i32
        %add3A_579 = arith.addi %mul3A_577, %add3A_578 : i32
        %dma_wait3A_580 = arith.constant 80 : i32
        %dma_wait3A_581 = arith.constant 0 : i32
        %dma_wait3A_582 = tpu.memref_slice %arg9[%dma_wait3A_580, %dma_wait3A_581] : memref<240x128xf32, #tpu.memory_space<vmem>> -> memref<80x128xf32, #tpu.memory_space<vmem>>
        %dma_wait3A_583 = arith.constant 0 : i32
        %dma_wait3A_584 = arith.constant 0 : i32
        %dma_wait3A_585 = tpu.memref_slice %dma_wait3A_582[%dma_wait3A_583, %dma_wait3A_584] : memref<80x128xf32, #tpu.memory_space<vmem>> -> memref<40x128xf32, #tpu.memory_space<vmem>>
        %dma_wait3A_586 = arith.constant 75 : i32
        %dma_wait3A_587 = arith.constant 0 : i32
        %dma_wait3A_588 = tpu.memref_slice %arg8[%dma_wait3A_586, %dma_wait3A_587] : memref<100x80xi32, #tpu.memory_space<vmem>> -> memref<25x80xi32, #tpu.memory_space<vmem>>
        %dma_wait3A_589 = arith.constant 0 : i32
        %dma_wait3A_590 = tpu.memref_slice %dma_wait3A_588[%add3A_579, %dma_wait3A_589] : memref<25x80xi32, #tpu.memory_space<vmem>> -> memref<1x40xi32, #tpu.memory_space<vmem>>
        %dma_wait3A_591 = tpu.memref_squeeze %dma_wait3A_590 : memref<1x40xi32, #tpu.memory_space<vmem>> -> memref<40xi32, #tpu.memory_space<vmem>>
        %dma_wait3A_592 = arith.constant 0 : i32
        %dma_wait3A_593 = arith.constant 0 : i32
        %dma_wait3A_594 = tpu.memref_slice %arg5[%dma_wait3A_592, %dma_wait3A_593] : memref<80000x128xf32, #tpu.memory_space<hbm>> -> memref<80000x128xf32, #tpu.memory_space<hbm>>
        tpu.wait_indirect_dma semaphore(%arg12 : memref<!tpu.dma_semaphore, #tpu.memory_space<semaphore_mem>>) src(%dma_wait3A_594 : memref<80000x128xf32, #tpu.memory_space<hbm>>) dst(%dma_wait3A_585 : memref<40x128xf32, #tpu.memory_space<vmem>>)
        %dma_wait3A_595 = arith.constant 80 : i32
        %dma_wait3A_596 = arith.constant 0 : i32
        %dma_wait3A_597 = tpu.memref_slice %arg9[%dma_wait3A_595, %dma_wait3A_596] : memref<240x128xf32, #tpu.memory_space<vmem>> -> memref<80x128xf32, #tpu.memory_space<vmem>>
        %dma_wait3A_598 = arith.constant 40 : i32
        %dma_wait3A_599 = arith.constant 0 : i32
        %dma_wait3A_600 = tpu.memref_slice %dma_wait3A_597[%dma_wait3A_598, %dma_wait3A_599] : memref<80x128xf32, #tpu.memory_space<vmem>> -> memref<40x128xf32, #tpu.memory_space<vmem>>
        %dma_wait3A_601 = arith.constant 75 : i32
        %dma_wait3A_602 = arith.constant 0 : i32
        %dma_wait3A_603 = tpu.memref_slice %arg8[%dma_wait3A_601, %dma_wait3A_602] : memref<100x80xi32, #tpu.memory_space<vmem>> -> memref<25x80xi32, #tpu.memory_space<vmem>>
        %dma_wait3A_604 = arith.constant 40 : i32
        %dma_wait3A_605 = tpu.memref_slice %dma_wait3A_603[%add3A_579, %dma_wait3A_604] : memref<25x80xi32, #tpu.memory_space<vmem>> -> memref<1x40xi32, #tpu.memory_space<vmem>>
        %dma_wait3A_606 = tpu.memref_squeeze %dma_wait3A_605 : memref<1x40xi32, #tpu.memory_space<vmem>> -> memref<40xi32, #tpu.memory_space<vmem>>
        %dma_wait3A_607 = arith.constant 0 : i32
        %dma_wait3A_608 = arith.constant 0 : i32
        %dma_wait3A_609 = tpu.memref_slice %arg5[%dma_wait3A_607, %dma_wait3A_608] : memref<80000x128xf32, #tpu.memory_space<hbm>> -> memref<80000x128xf32, #tpu.memory_space<hbm>>
        tpu.wait_indirect_dma semaphore(%arg12 : memref<!tpu.dma_semaphore, #tpu.memory_space<semaphore_mem>>) src(%dma_wait3A_609 : memref<80000x128xf32, #tpu.memory_space<hbm>>) dst(%dma_wait3A_600 : memref<40x128xf32, #tpu.memory_space<vmem>>)
        %mul3A_610 = arith.constant 3 : i32
        %mul3A_611 = arith.muli %mul3A_610, %scan3A_348 : i32
        %add3A_612 = arith.constant 0 : i32
        %add3A_613 = arith.addi %mul3A_611, %add3A_612 : i32
        %dma_start3A_614 = arith.constant 80 : i32
        %dma_start3A_615 = arith.constant 0 : i32
        %dma_start3A_616 = tpu.memref_slice %arg9[%dma_start3A_614, %dma_start3A_615] : memref<240x128xf32, #tpu.memory_space<vmem>> -> memref<80x128xf32, #tpu.memory_space<vmem>>
        %dma_start3A_617 = arith.constant 0 : i32
        %dma_start3A_618 = arith.constant 0 : i32
        %dma_start3A_619 = tpu.memref_slice %arg8[%dma_start3A_617, %dma_start3A_618] : memref<100x80xi32, #tpu.memory_space<vmem>> -> memref<25x80xi32, #tpu.memory_space<vmem>>
        %dma_start3A_620 = arith.constant 0 : i32
        %dma_start3A_621 = tpu.memref_slice %dma_start3A_619[%add3A_613, %dma_start3A_620] : memref<25x80xi32, #tpu.memory_space<vmem>> -> memref<1x80xi32, #tpu.memory_space<vmem>>
        %dma_start3A_622 = tpu.memref_squeeze %dma_start3A_621 : memref<1x80xi32, #tpu.memory_space<vmem>> -> memref<80xi32, #tpu.memory_space<vmem>>
        %dma_start3A_623 = arith.constant 0 : i32
        %dma_start3A_624 = arith.constant 0 : i32
        %dma_start3A_625 = tpu.memref_slice %arg10[%dma_start3A_623, %dma_start3A_624] : memref<10000x128xf32, #tpu.memory_space<vmem_shared>> -> memref<10000x128xf32, #tpu.memory_space<vmem_shared>>
        tpu.enqueue_indirect_dma source(%dma_start3A_616 : memref<80x128xf32, #tpu.memory_space<vmem>>) target(%dma_start3A_625 : memref<10000x128xf32, #tpu.memory_space<vmem_shared>>) offsets(%dma_start3A_622 : memref<80xi32, #tpu.memory_space<vmem>>) semaphore(%arg15 : memref<!tpu.dma_semaphore, #tpu.memory_space<semaphore_mem>>) {add = true}
        %mul3A_626 = arith.constant 3 : i32
        %mul3A_627 = arith.muli %mul3A_626, %scan3A_348 : i32
        %add3A_628 = arith.constant 0 : i32
        %add3A_629 = arith.addi %mul3A_627, %add3A_628 : i32
        %dma_wait3A_630 = arith.constant 80 : i32
        %dma_wait3A_631 = arith.constant 0 : i32
        %dma_wait3A_632 = tpu.memref_slice %arg9[%dma_wait3A_630, %dma_wait3A_631] : memref<240x128xf32, #tpu.memory_space<vmem>> -> memref<80x128xf32, #tpu.memory_space<vmem>>
        %dma_wait3A_633 = arith.constant 0 : i32
        %dma_wait3A_634 = arith.constant 0 : i32
        %dma_wait3A_635 = tpu.memref_slice %arg8[%dma_wait3A_633, %dma_wait3A_634] : memref<100x80xi32, #tpu.memory_space<vmem>> -> memref<25x80xi32, #tpu.memory_space<vmem>>
        %dma_wait3A_636 = arith.constant 0 : i32
        %dma_wait3A_637 = tpu.memref_slice %dma_wait3A_635[%add3A_629, %dma_wait3A_636] : memref<25x80xi32, #tpu.memory_space<vmem>> -> memref<1x80xi32, #tpu.memory_space<vmem>>
        %dma_wait3A_638 = tpu.memref_squeeze %dma_wait3A_637 : memref<1x80xi32, #tpu.memory_space<vmem>> -> memref<80xi32, #tpu.memory_space<vmem>>
        %dma_wait3A_639 = arith.constant 0 : i32
        %dma_wait3A_640 = arith.constant 0 : i32
        %dma_wait3A_641 = tpu.memref_slice %arg10[%dma_wait3A_639, %dma_wait3A_640] : memref<10000x128xf32, #tpu.memory_space<vmem_shared>> -> memref<10000x128xf32, #tpu.memory_space<vmem_shared>>
        tpu.wait_indirect_dma semaphore(%arg15 : memref<!tpu.dma_semaphore, #tpu.memory_space<semaphore_mem>>) src(%dma_wait3A_632 : memref<80x128xf32, #tpu.memory_space<vmem>>) dst(%dma_wait3A_641 : memref<10000x128xf32, #tpu.memory_space<vmem_shared>>)
        %mul3A_642 = arith.constant 3 : i32
        %mul3A_643 = arith.muli %mul3A_642, %scan3A_348 : i32
        %add3A_644 = arith.constant 2 : i32
        %add3A_645 = arith.addi %mul3A_643, %add3A_644 : i32
        %dma_start3A_646 = arith.constant 80 : i32
        %dma_start3A_647 = arith.constant 0 : i32
        %dma_start3A_648 = tpu.memref_slice %arg9[%dma_start3A_646, %dma_start3A_647] : memref<240x128xf32, #tpu.memory_space<vmem>> -> memref<80x128xf32, #tpu.memory_space<vmem>>
        %dma_start3A_649 = arith.constant 0 : i32
        %dma_start3A_650 = arith.constant 0 : i32
        %dma_start3A_651 = tpu.memref_slice %dma_start3A_648[%dma_start3A_649, %dma_start3A_650] : memref<80x128xf32, #tpu.memory_space<vmem>> -> memref<40x128xf32, #tpu.memory_space<vmem>>
        %dma_start3A_652 = arith.constant 50 : i32
        %dma_start3A_653 = arith.constant 0 : i32
        %dma_start3A_654 = tpu.memref_slice %arg8[%dma_start3A_652, %dma_start3A_653] : memref<100x80xi32, #tpu.memory_space<vmem>> -> memref<25x80xi32, #tpu.memory_space<vmem>>
        %dma_start3A_655 = arith.constant 0 : i32
        %dma_start3A_656 = tpu.memref_slice %dma_start3A_654[%add3A_645, %dma_start3A_655] : memref<25x80xi32, #tpu.memory_space<vmem>> -> memref<1x40xi32, #tpu.memory_space<vmem>>
        %dma_start3A_657 = tpu.memref_squeeze %dma_start3A_656 : memref<1x40xi32, #tpu.memory_space<vmem>> -> memref<40xi32, #tpu.memory_space<vmem>>
        %dma_start3A_658 = arith.constant 0 : i32
        %dma_start3A_659 = arith.constant 0 : i32
        %dma_start3A_660 = tpu.memref_slice %arg5[%dma_start3A_658, %dma_start3A_659] : memref<80000x128xf32, #tpu.memory_space<hbm>> -> memref<80000x128xf32, #tpu.memory_space<hbm>>
        tpu.enqueue_indirect_dma source(%dma_start3A_660 : memref<80000x128xf32, #tpu.memory_space<hbm>>) target(%dma_start3A_651 : memref<40x128xf32, #tpu.memory_space<vmem>>) offsets(%dma_start3A_657 : memref<40xi32, #tpu.memory_space<vmem>>) semaphore(%arg12 : memref<!tpu.dma_semaphore, #tpu.memory_space<semaphore_mem>>)
        %dma_start3A_661 = arith.constant 80 : i32
        %dma_start3A_662 = arith.constant 0 : i32
        %dma_start3A_663 = tpu.memref_slice %arg9[%dma_start3A_661, %dma_start3A_662] : memref<240x128xf32, #tpu.memory_space<vmem>> -> memref<80x128xf32, #tpu.memory_space<vmem>>
        %dma_start3A_664 = arith.constant 40 : i32
        %dma_start3A_665 = arith.constant 0 : i32
        %dma_start3A_666 = tpu.memref_slice %dma_start3A_663[%dma_start3A_664, %dma_start3A_665] : memref<80x128xf32, #tpu.memory_space<vmem>> -> memref<40x128xf32, #tpu.memory_space<vmem>>
        %dma_start3A_667 = arith.constant 50 : i32
        %dma_start3A_668 = arith.constant 0 : i32
        %dma_start3A_669 = tpu.memref_slice %arg8[%dma_start3A_667, %dma_start3A_668] : memref<100x80xi32, #tpu.memory_space<vmem>> -> memref<25x80xi32, #tpu.memory_space<vmem>>
        %dma_start3A_670 = arith.constant 40 : i32
        %dma_start3A_671 = tpu.memref_slice %dma_start3A_669[%add3A_645, %dma_start3A_670] : memref<25x80xi32, #tpu.memory_space<vmem>> -> memref<1x40xi32, #tpu.memory_space<vmem>>
        %dma_start3A_672 = tpu.memref_squeeze %dma_start3A_671 : memref<1x40xi32, #tpu.memory_space<vmem>> -> memref<40xi32, #tpu.memory_space<vmem>>
        %dma_start3A_673 = arith.constant 0 : i32
        %dma_start3A_674 = arith.constant 0 : i32
        %dma_start3A_675 = tpu.memref_slice %arg5[%dma_start3A_673, %dma_start3A_674] : memref<80000x128xf32, #tpu.memory_space<hbm>> -> memref<80000x128xf32, #tpu.memory_space<hbm>>
        tpu.enqueue_indirect_dma source(%dma_start3A_675 : memref<80000x128xf32, #tpu.memory_space<hbm>>) target(%dma_start3A_666 : memref<40x128xf32, #tpu.memory_space<vmem>>) offsets(%dma_start3A_672 : memref<40xi32, #tpu.memory_space<vmem>>) semaphore(%arg12 : memref<!tpu.dma_semaphore, #tpu.memory_space<semaphore_mem>>)
        %mul3A_676 = arith.constant 3 : i32
        %mul3A_677 = arith.muli %mul3A_676, %scan3A_348 : i32
        %add3A_678 = arith.constant 1 : i32
        %add3A_679 = arith.addi %mul3A_677, %add3A_678 : i32
        %dma_wait3A_680 = arith.constant 160 : i32
        %dma_wait3A_681 = arith.constant 0 : i32
        %dma_wait3A_682 = tpu.memref_slice %arg9[%dma_wait3A_680, %dma_wait3A_681] : memref<240x128xf32, #tpu.memory_space<vmem>> -> memref<80x128xf32, #tpu.memory_space<vmem>>
        %dma_wait3A_683 = arith.constant 0 : i32
        %dma_wait3A_684 = arith.constant 0 : i32
        %dma_wait3A_685 = tpu.memref_slice %dma_wait3A_682[%dma_wait3A_683, %dma_wait3A_684] : memref<80x128xf32, #tpu.memory_space<vmem>> -> memref<40x128xf32, #tpu.memory_space<vmem>>
        %dma_wait3A_686 = arith.constant 50 : i32
        %dma_wait3A_687 = arith.constant 0 : i32
        %dma_wait3A_688 = tpu.memref_slice %arg8[%dma_wait3A_686, %dma_wait3A_687] : memref<100x80xi32, #tpu.memory_space<vmem>> -> memref<25x80xi32, #tpu.memory_space<vmem>>
        %dma_wait3A_689 = arith.constant 0 : i32
        %dma_wait3A_690 = tpu.memref_slice %dma_wait3A_688[%add3A_679, %dma_wait3A_689] : memref<25x80xi32, #tpu.memory_space<vmem>> -> memref<1x40xi32, #tpu.memory_space<vmem>>
        %dma_wait3A_691 = tpu.memref_squeeze %dma_wait3A_690 : memref<1x40xi32, #tpu.memory_space<vmem>> -> memref<40xi32, #tpu.memory_space<vmem>>
        %dma_wait3A_692 = arith.constant 0 : i32
        %dma_wait3A_693 = arith.constant 0 : i32
        %dma_wait3A_694 = tpu.memref_slice %arg5[%dma_wait3A_692, %dma_wait3A_693] : memref<80000x128xf32, #tpu.memory_space<hbm>> -> memref<80000x128xf32, #tpu.memory_space<hbm>>
        tpu.wait_indirect_dma semaphore(%arg13 : memref<!tpu.dma_semaphore, #tpu.memory_space<semaphore_mem>>) src(%dma_wait3A_694 : memref<80000x128xf32, #tpu.memory_space<hbm>>) dst(%dma_wait3A_685 : memref<40x128xf32, #tpu.memory_space<vmem>>)
        %dma_wait3A_695 = arith.constant 160 : i32
        %dma_wait3A_696 = arith.constant 0 : i32
        %dma_wait3A_697 = tpu.memref_slice %arg9[%dma_wait3A_695, %dma_wait3A_696] : memref<240x128xf32, #tpu.memory_space<vmem>> -> memref<80x128xf32, #tpu.memory_space<vmem>>
        %dma_wait3A_698 = arith.constant 40 : i32
        %dma_wait3A_699 = arith.constant 0 : i32
        %dma_wait3A_700 = tpu.memref_slice %dma_wait3A_697[%dma_wait3A_698, %dma_wait3A_699] : memref<80x128xf32, #tpu.memory_space<vmem>> -> memref<40x128xf32, #tpu.memory_space<vmem>>
        %dma_wait3A_701 = arith.constant 50 : i32
        %dma_wait3A_702 = arith.constant 0 : i32
        %dma_wait3A_703 = tpu.memref_slice %arg8[%dma_wait3A_701, %dma_wait3A_702] : memref<100x80xi32, #tpu.memory_space<vmem>> -> memref<25x80xi32, #tpu.memory_space<vmem>>
        %dma_wait3A_704 = arith.constant 40 : i32
        %dma_wait3A_705 = tpu.memref_slice %dma_wait3A_703[%add3A_679, %dma_wait3A_704] : memref<25x80xi32, #tpu.memory_space<vmem>> -> memref<1x40xi32, #tpu.memory_space<vmem>>
        %dma_wait3A_706 = tpu.memref_squeeze %dma_wait3A_705 : memref<1x40xi32, #tpu.memory_space<vmem>> -> memref<40xi32, #tpu.memory_space<vmem>>
        %dma_wait3A_707 = arith.constant 0 : i32
        %dma_wait3A_708 = arith.constant 0 : i32
        %dma_wait3A_709 = tpu.memref_slice %arg5[%dma_wait3A_707, %dma_wait3A_708] : memref<80000x128xf32, #tpu.memory_space<hbm>> -> memref<80000x128xf32, #tpu.memory_space<hbm>>
        tpu.wait_indirect_dma semaphore(%arg13 : memref<!tpu.dma_semaphore, #tpu.memory_space<semaphore_mem>>) src(%dma_wait3A_709 : memref<80000x128xf32, #tpu.memory_space<hbm>>) dst(%dma_wait3A_700 : memref<40x128xf32, #tpu.memory_space<vmem>>)
        %mul3A_710 = arith.constant 3 : i32
        %mul3A_711 = arith.muli %mul3A_710, %scan3A_348 : i32
        %add3A_712 = arith.constant 1 : i32
        %add3A_713 = arith.addi %mul3A_711, %add3A_712 : i32
        %dma_start3A_714 = arith.constant 160 : i32
        %dma_start3A_715 = arith.constant 0 : i32
        %dma_start3A_716 = tpu.memref_slice %arg9[%dma_start3A_714, %dma_start3A_715] : memref<240x128xf32, #tpu.memory_space<vmem>> -> memref<80x128xf32, #tpu.memory_space<vmem>>
        %dma_start3A_717 = arith.constant 25 : i32
        %dma_start3A_718 = arith.constant 0 : i32
        %dma_start3A_719 = tpu.memref_slice %arg8[%dma_start3A_717, %dma_start3A_718] : memref<100x80xi32, #tpu.memory_space<vmem>> -> memref<25x80xi32, #tpu.memory_space<vmem>>
        %dma_start3A_720 = arith.constant 0 : i32
        %dma_start3A_721 = tpu.memref_slice %dma_start3A_719[%add3A_713, %dma_start3A_720] : memref<25x80xi32, #tpu.memory_space<vmem>> -> memref<1x80xi32, #tpu.memory_space<vmem>>
        %dma_start3A_722 = tpu.memref_squeeze %dma_start3A_721 : memref<1x80xi32, #tpu.memory_space<vmem>> -> memref<80xi32, #tpu.memory_space<vmem>>
        %dma_start3A_723 = arith.constant 0 : i32
        %dma_start3A_724 = arith.constant 0 : i32
        %dma_start3A_725 = tpu.memref_slice %arg10[%dma_start3A_723, %dma_start3A_724] : memref<10000x128xf32, #tpu.memory_space<vmem_shared>> -> memref<10000x128xf32, #tpu.memory_space<vmem_shared>>
        tpu.enqueue_indirect_dma source(%dma_start3A_716 : memref<80x128xf32, #tpu.memory_space<vmem>>) target(%dma_start3A_725 : memref<10000x128xf32, #tpu.memory_space<vmem_shared>>) offsets(%dma_start3A_722 : memref<80xi32, #tpu.memory_space<vmem>>) semaphore(%arg16 : memref<!tpu.dma_semaphore, #tpu.memory_space<semaphore_mem>>) {add = true}
        %mul3A_726 = arith.constant 3 : i32
        %mul3A_727 = arith.muli %mul3A_726, %scan3A_348 : i32
        %add3A_728 = arith.constant 1 : i32
        %add3A_729 = arith.addi %mul3A_727, %add3A_728 : i32
        %dma_wait3A_730 = arith.constant 160 : i32
        %dma_wait3A_731 = arith.constant 0 : i32
        %dma_wait3A_732 = tpu.memref_slice %arg9[%dma_wait3A_730, %dma_wait3A_731] : memref<240x128xf32, #tpu.memory_space<vmem>> -> memref<80x128xf32, #tpu.memory_space<vmem>>
        %dma_wait3A_733 = arith.constant 25 : i32
        %dma_wait3A_734 = arith.constant 0 : i32
        %dma_wait3A_735 = tpu.memref_slice %arg8[%dma_wait3A_733, %dma_wait3A_734] : memref<100x80xi32, #tpu.memory_space<vmem>> -> memref<25x80xi32, #tpu.memory_space<vmem>>
        %dma_wait3A_736 = arith.constant 0 : i32
        %dma_wait3A_737 = tpu.memref_slice %dma_wait3A_735[%add3A_729, %dma_wait3A_736] : memref<25x80xi32, #tpu.memory_space<vmem>> -> memref<1x80xi32, #tpu.memory_space<vmem>>
        %dma_wait3A_738 = tpu.memref_squeeze %dma_wait3A_737 : memref<1x80xi32, #tpu.memory_space<vmem>> -> memref<80xi32, #tpu.memory_space<vmem>>
        %dma_wait3A_739 = arith.constant 0 : i32
        %dma_wait3A_740 = arith.constant 0 : i32
        %dma_wait3A_741 = tpu.memref_slice %arg10[%dma_wait3A_739, %dma_wait3A_740] : memref<10000x128xf32, #tpu.memory_space<vmem_shared>> -> memref<10000x128xf32, #tpu.memory_space<vmem_shared>>
        tpu.wait_indirect_dma semaphore(%arg16 : memref<!tpu.dma_semaphore, #tpu.memory_space<semaphore_mem>>) src(%dma_wait3A_732 : memref<80x128xf32, #tpu.memory_space<vmem>>) dst(%dma_wait3A_741 : memref<10000x128xf32, #tpu.memory_space<vmem_shared>>)
        %mul3A_742 = arith.constant 3 : i32
        %mul3A_743 = arith.muli %mul3A_742, %scan3A_348 : i32
        %add3A_744 = arith.constant 2 : i32
        %add3A_745 = arith.addi %mul3A_743, %add3A_744 : i32
        %dma_start3A_746 = arith.constant 160 : i32
        %dma_start3A_747 = arith.constant 0 : i32
        %dma_start3A_748 = tpu.memref_slice %arg9[%dma_start3A_746, %dma_start3A_747] : memref<240x128xf32, #tpu.memory_space<vmem>> -> memref<80x128xf32, #tpu.memory_space<vmem>>
        %dma_start3A_749 = arith.constant 0 : i32
        %dma_start3A_750 = arith.constant 0 : i32
        %dma_start3A_751 = tpu.memref_slice %dma_start3A_748[%dma_start3A_749, %dma_start3A_750] : memref<80x128xf32, #tpu.memory_space<vmem>> -> memref<40x128xf32, #tpu.memory_space<vmem>>
        %dma_start3A_752 = arith.constant 75 : i32
        %dma_start3A_753 = arith.constant 0 : i32
        %dma_start3A_754 = tpu.memref_slice %arg8[%dma_start3A_752, %dma_start3A_753] : memref<100x80xi32, #tpu.memory_space<vmem>> -> memref<25x80xi32, #tpu.memory_space<vmem>>
        %dma_start3A_755 = arith.constant 0 : i32
        %dma_start3A_756 = tpu.memref_slice %dma_start3A_754[%add3A_745, %dma_start3A_755] : memref<25x80xi32, #tpu.memory_space<vmem>> -> memref<1x40xi32, #tpu.memory_space<vmem>>
        %dma_start3A_757 = tpu.memref_squeeze %dma_start3A_756 : memref<1x40xi32, #tpu.memory_space<vmem>> -> memref<40xi32, #tpu.memory_space<vmem>>
        %dma_start3A_758 = arith.constant 0 : i32
        %dma_start3A_759 = arith.constant 0 : i32
        %dma_start3A_760 = tpu.memref_slice %arg5[%dma_start3A_758, %dma_start3A_759] : memref<80000x128xf32, #tpu.memory_space<hbm>> -> memref<80000x128xf32, #tpu.memory_space<hbm>>
        tpu.enqueue_indirect_dma source(%dma_start3A_760 : memref<80000x128xf32, #tpu.memory_space<hbm>>) target(%dma_start3A_751 : memref<40x128xf32, #tpu.memory_space<vmem>>) offsets(%dma_start3A_757 : memref<40xi32, #tpu.memory_space<vmem>>) semaphore(%arg13 : memref<!tpu.dma_semaphore, #tpu.memory_space<semaphore_mem>>)
        %dma_start3A_761 = arith.constant 160 : i32
        %dma_start3A_762 = arith.constant 0 : i32
        %dma_start3A_763 = tpu.memref_slice %arg9[%dma_start3A_761, %dma_start3A_762] : memref<240x128xf32, #tpu.memory_space<vmem>> -> memref<80x128xf32, #tpu.memory_space<vmem>>
        %dma_start3A_764 = arith.constant 40 : i32
        %dma_start3A_765 = arith.constant 0 : i32
        %dma_start3A_766 = tpu.memref_slice %dma_start3A_763[%dma_start3A_764, %dma_start3A_765] : memref<80x128xf32, #tpu.memory_space<vmem>> -> memref<40x128xf32, #tpu.memory_space<vmem>>
        %dma_start3A_767 = arith.constant 75 : i32
        %dma_start3A_768 = arith.constant 0 : i32
        %dma_start3A_769 = tpu.memref_slice %arg8[%dma_start3A_767, %dma_start3A_768] : memref<100x80xi32, #tpu.memory_space<vmem>> -> memref<25x80xi32, #tpu.memory_space<vmem>>
        %dma_start3A_770 = arith.constant 40 : i32
        %dma_start3A_771 = tpu.memref_slice %dma_start3A_769[%add3A_745, %dma_start3A_770] : memref<25x80xi32, #tpu.memory_space<vmem>> -> memref<1x40xi32, #tpu.memory_space<vmem>>
        %dma_start3A_772 = tpu.memref_squeeze %dma_start3A_771 : memref<1x40xi32, #tpu.memory_space<vmem>> -> memref<40xi32, #tpu.memory_space<vmem>>
        %dma_start3A_773 = arith.constant 0 : i32
        %dma_start3A_774 = arith.constant 0 : i32
        %dma_start3A_775 = tpu.memref_slice %arg5[%dma_start3A_773, %dma_start3A_774] : memref<80000x128xf32, #tpu.memory_space<hbm>> -> memref<80000x128xf32, #tpu.memory_space<hbm>>
        tpu.enqueue_indirect_dma source(%dma_start3A_775 : memref<80000x128xf32, #tpu.memory_space<hbm>>) target(%dma_start3A_766 : memref<40x128xf32, #tpu.memory_space<vmem>>) offsets(%dma_start3A_772 : memref<40xi32, #tpu.memory_space<vmem>>) semaphore(%arg13 : memref<!tpu.dma_semaphore, #tpu.memory_space<semaphore_mem>>)
        %mul3A_776 = arith.constant 3 : i32
        %mul3A_777 = arith.muli %mul3A_776, %scan3A_348 : i32
        %add3A_778 = arith.constant 1 : i32
        %add3A_779 = arith.addi %mul3A_777, %add3A_778 : i32
        %dma_wait3A_780 = arith.constant 0 : i32
        %dma_wait3A_781 = arith.constant 0 : i32
        %dma_wait3A_782 = tpu.memref_slice %arg9[%dma_wait3A_780, %dma_wait3A_781] : memref<240x128xf32, #tpu.memory_space<vmem>> -> memref<80x128xf32, #tpu.memory_space<vmem>>
        %dma_wait3A_783 = arith.constant 0 : i32
        %dma_wait3A_784 = arith.constant 0 : i32
        %dma_wait3A_785 = tpu.memref_slice %dma_wait3A_782[%dma_wait3A_783, %dma_wait3A_784] : memref<80x128xf32, #tpu.memory_space<vmem>> -> memref<40x128xf32, #tpu.memory_space<vmem>>
        %dma_wait3A_786 = arith.constant 75 : i32
        %dma_wait3A_787 = arith.constant 0 : i32
        %dma_wait3A_788 = tpu.memref_slice %arg8[%dma_wait3A_786, %dma_wait3A_787] : memref<100x80xi32, #tpu.memory_space<vmem>> -> memref<25x80xi32, #tpu.memory_space<vmem>>
        %dma_wait3A_789 = arith.constant 0 : i32
        %dma_wait3A_790 = tpu.memref_slice %dma_wait3A_788[%add3A_779, %dma_wait3A_789] : memref<25x80xi32, #tpu.memory_space<vmem>> -> memref<1x40xi32, #tpu.memory_space<vmem>>
        %dma_wait3A_791 = tpu.memref_squeeze %dma_wait3A_790 : memref<1x40xi32, #tpu.memory_space<vmem>> -> memref<40xi32, #tpu.memory_space<vmem>>
        %dma_wait3A_792 = arith.constant 0 : i32
        %dma_wait3A_793 = arith.constant 0 : i32
        %dma_wait3A_794 = tpu.memref_slice %arg5[%dma_wait3A_792, %dma_wait3A_793] : memref<80000x128xf32, #tpu.memory_space<hbm>> -> memref<80000x128xf32, #tpu.memory_space<hbm>>
        tpu.wait_indirect_dma semaphore(%arg11 : memref<!tpu.dma_semaphore, #tpu.memory_space<semaphore_mem>>) src(%dma_wait3A_794 : memref<80000x128xf32, #tpu.memory_space<hbm>>) dst(%dma_wait3A_785 : memref<40x128xf32, #tpu.memory_space<vmem>>)
        %dma_wait3A_795 = arith.constant 0 : i32
        %dma_wait3A_796 = arith.constant 0 : i32
        %dma_wait3A_797 = tpu.memref_slice %arg9[%dma_wait3A_795, %dma_wait3A_796] : memref<240x128xf32, #tpu.memory_space<vmem>> -> memref<80x128xf32, #tpu.memory_space<vmem>>
        %dma_wait3A_798 = arith.constant 40 : i32
        %dma_wait3A_799 = arith.constant 0 : i32
        %dma_wait3A_800 = tpu.memref_slice %dma_wait3A_797[%dma_wait3A_798, %dma_wait3A_799] : memref<80x128xf32, #tpu.memory_space<vmem>> -> memref<40x128xf32, #tpu.memory_space<vmem>>
        %dma_wait3A_801 = arith.constant 75 : i32
        %dma_wait3A_802 = arith.constant 0 : i32
        %dma_wait3A_803 = tpu.memref_slice %arg8[%dma_wait3A_801, %dma_wait3A_802] : memref<100x80xi32, #tpu.memory_space<vmem>> -> memref<25x80xi32, #tpu.memory_space<vmem>>
        %dma_wait3A_804 = arith.constant 40 : i32
        %dma_wait3A_805 = tpu.memref_slice %dma_wait3A_803[%add3A_779, %dma_wait3A_804] : memref<25x80xi32, #tpu.memory_space<vmem>> -> memref<1x40xi32, #tpu.memory_space<vmem>>
        %dma_wait3A_806 = tpu.memref_squeeze %dma_wait3A_805 : memref<1x40xi32, #tpu.memory_space<vmem>> -> memref<40xi32, #tpu.memory_space<vmem>>
        %dma_wait3A_807 = arith.constant 0 : i32
        %dma_wait3A_808 = arith.constant 0 : i32
        %dma_wait3A_809 = tpu.memref_slice %arg5[%dma_wait3A_807, %dma_wait3A_808] : memref<80000x128xf32, #tpu.memory_space<hbm>> -> memref<80000x128xf32, #tpu.memory_space<hbm>>
        tpu.wait_indirect_dma semaphore(%arg11 : memref<!tpu.dma_semaphore, #tpu.memory_space<semaphore_mem>>) src(%dma_wait3A_809 : memref<80000x128xf32, #tpu.memory_space<hbm>>) dst(%dma_wait3A_800 : memref<40x128xf32, #tpu.memory_space<vmem>>)
        %mul3A_810 = arith.constant 3 : i32
        %mul3A_811 = arith.muli %mul3A_810, %scan3A_348 : i32
        %add3A_812 = arith.constant 1 : i32
        %add3A_813 = arith.addi %mul3A_811, %add3A_812 : i32
        %dma_start3A_814 = arith.constant 0 : i32
        %dma_start3A_815 = arith.constant 0 : i32
        %dma_start3A_816 = tpu.memref_slice %arg9[%dma_start3A_814, %dma_start3A_815] : memref<240x128xf32, #tpu.memory_space<vmem>> -> memref<80x128xf32, #tpu.memory_space<vmem>>
        %dma_start3A_817 = arith.constant 0 : i32
        %dma_start3A_818 = arith.constant 0 : i32
        %dma_start3A_819 = tpu.memref_slice %arg8[%dma_start3A_817, %dma_start3A_818] : memref<100x80xi32, #tpu.memory_space<vmem>> -> memref<25x80xi32, #tpu.memory_space<vmem>>
        %dma_start3A_820 = arith.constant 0 : i32
        %dma_start3A_821 = tpu.memref_slice %dma_start3A_819[%add3A_813, %dma_start3A_820] : memref<25x80xi32, #tpu.memory_space<vmem>> -> memref<1x80xi32, #tpu.memory_space<vmem>>
        %dma_start3A_822 = tpu.memref_squeeze %dma_start3A_821 : memref<1x80xi32, #tpu.memory_space<vmem>> -> memref<80xi32, #tpu.memory_space<vmem>>
        %dma_start3A_823 = arith.constant 0 : i32
        %dma_start3A_824 = arith.constant 0 : i32
        %dma_start3A_825 = tpu.memref_slice %arg10[%dma_start3A_823, %dma_start3A_824] : memref<10000x128xf32, #tpu.memory_space<vmem_shared>> -> memref<10000x128xf32, #tpu.memory_space<vmem_shared>>
        tpu.enqueue_indirect_dma source(%dma_start3A_816 : memref<80x128xf32, #tpu.memory_space<vmem>>) target(%dma_start3A_825 : memref<10000x128xf32, #tpu.memory_space<vmem_shared>>) offsets(%dma_start3A_822 : memref<80xi32, #tpu.memory_space<vmem>>) semaphore(%arg14 : memref<!tpu.dma_semaphore, #tpu.memory_space<semaphore_mem>>) {add = true}
        %scan3A_826 = arith.constant 0 : i32
        scf.yield %scan3A_826 : i32
      }
      %scan3A_39 = arith.constant 8 : i32
      %dma_wait3A = arith.constant 22 : i32
      %dma_wait3A_40 = arith.constant 0 : i32
      %dma_wait3A_41 = arith.constant 0 : i32
      %dma_wait3A_42 = tpu.memref_slice %arg9[%dma_wait3A_40, %dma_wait3A_41] : memref<240x128xf32, #tpu.memory_space<vmem>> -> memref<80x128xf32, #tpu.memory_space<vmem>>
      %dma_wait3A_43 = arith.constant 0 : i32
      %dma_wait3A_44 = arith.constant 0 : i32
      %dma_wait3A_45 = tpu.memref_slice %arg8[%dma_wait3A_43, %dma_wait3A_44] : memref<100x80xi32, #tpu.memory_space<vmem>> -> memref<25x80xi32, #tpu.memory_space<vmem>>
      %dma_wait3A_46 = arith.constant 0 : i32
      %dma_wait3A_47 = tpu.memref_slice %dma_wait3A_45[%dma_wait3A, %dma_wait3A_46] : memref<25x80xi32, #tpu.memory_space<vmem>> -> memref<1x80xi32, #tpu.memory_space<vmem>>
      %dma_wait3A_48 = tpu.memref_squeeze %dma_wait3A_47 : memref<1x80xi32, #tpu.memory_space<vmem>> -> memref<80xi32, #tpu.memory_space<vmem>>
      %dma_wait3A_49 = arith.constant 0 : i32
      %dma_wait3A_50 = arith.constant 0 : i32
      %dma_wait3A_51 = tpu.memref_slice %arg10[%dma_wait3A_49, %dma_wait3A_50] : memref<10000x128xf32, #tpu.memory_space<vmem_shared>> -> memref<10000x128xf32, #tpu.memory_space<vmem_shared>>
      tpu.wait_indirect_dma semaphore(%arg14 : memref<!tpu.dma_semaphore, #tpu.memory_space<semaphore_mem>>) src(%dma_wait3A_42 : memref<80x128xf32, #tpu.memory_space<vmem>>) dst(%dma_wait3A_51 : memref<10000x128xf32, #tpu.memory_space<vmem_shared>>)
      %dma_start3A = arith.constant 24 : i32
      %dma_start3A_52 = arith.constant 0 : i32
      %dma_start3A_53 = arith.constant 0 : i32
      %dma_start3A_54 = tpu.memref_slice %arg9[%dma_start3A_52, %dma_start3A_53] : memref<240x128xf32, #tpu.memory_space<vmem>> -> memref<80x128xf32, #tpu.memory_space<vmem>>
      %dma_start3A_55 = arith.constant 0 : i32
      %dma_start3A_56 = arith.constant 0 : i32
      %dma_start3A_57 = tpu.memref_slice %dma_start3A_54[%dma_start3A_55, %dma_start3A_56] : memref<80x128xf32, #tpu.memory_space<vmem>> -> memref<40x128xf32, #tpu.memory_space<vmem>>
      %dma_start3A_58 = arith.constant 50 : i32
      %dma_start3A_59 = arith.constant 0 : i32
      %dma_start3A_60 = tpu.memref_slice %arg8[%dma_start3A_58, %dma_start3A_59] : memref<100x80xi32, #tpu.memory_space<vmem>> -> memref<25x80xi32, #tpu.memory_space<vmem>>
      %dma_start3A_61 = arith.constant 0 : i32
      %dma_start3A_62 = tpu.memref_slice %dma_start3A_60[%dma_start3A, %dma_start3A_61] : memref<25x80xi32, #tpu.memory_space<vmem>> -> memref<1x40xi32, #tpu.memory_space<vmem>>
      %dma_start3A_63 = tpu.memref_squeeze %dma_start3A_62 : memref<1x40xi32, #tpu.memory_space<vmem>> -> memref<40xi32, #tpu.memory_space<vmem>>
      %dma_start3A_64 = arith.constant 0 : i32
      %dma_start3A_65 = arith.constant 0 : i32
      %dma_start3A_66 = tpu.memref_slice %arg5[%dma_start3A_64, %dma_start3A_65] : memref<80000x128xf32, #tpu.memory_space<hbm>> -> memref<80000x128xf32, #tpu.memory_space<hbm>>
      tpu.enqueue_indirect_dma source(%dma_start3A_66 : memref<80000x128xf32, #tpu.memory_space<hbm>>) target(%dma_start3A_57 : memref<40x128xf32, #tpu.memory_space<vmem>>) offsets(%dma_start3A_63 : memref<40xi32, #tpu.memory_space<vmem>>) semaphore(%arg11 : memref<!tpu.dma_semaphore, #tpu.memory_space<semaphore_mem>>)
      %dma_start3A_67 = arith.constant 24 : i32
      %dma_start3A_68 = arith.constant 0 : i32
      %dma_start3A_69 = arith.constant 0 : i32
      %dma_start3A_70 = tpu.memref_slice %arg9[%dma_start3A_68, %dma_start3A_69] : memref<240x128xf32, #tpu.memory_space<vmem>> -> memref<80x128xf32, #tpu.memory_space<vmem>>
      %dma_start3A_71 = arith.constant 40 : i32
      %dma_start3A_72 = arith.constant 0 : i32
      %dma_start3A_73 = tpu.memref_slice %dma_start3A_70[%dma_start3A_71, %dma_start3A_72] : memref<80x128xf32, #tpu.memory_space<vmem>> -> memref<40x128xf32, #tpu.memory_space<vmem>>
      %dma_start3A_74 = arith.constant 50 : i32
      %dma_start3A_75 = arith.constant 0 : i32
      %dma_start3A_76 = tpu.memref_slice %arg8[%dma_start3A_74, %dma_start3A_75] : memref<100x80xi32, #tpu.memory_space<vmem>> -> memref<25x80xi32, #tpu.memory_space<vmem>>
      %dma_start3A_77 = arith.constant 40 : i32
      %dma_start3A_78 = tpu.memref_slice %dma_start3A_76[%dma_start3A_67, %dma_start3A_77] : memref<25x80xi32, #tpu.memory_space<vmem>> -> memref<1x40xi32, #tpu.memory_space<vmem>>
      %dma_start3A_79 = tpu.memref_squeeze %dma_start3A_78 : memref<1x40xi32, #tpu.memory_space<vmem>> -> memref<40xi32, #tpu.memory_space<vmem>>
      %dma_start3A_80 = arith.constant 0 : i32
      %dma_start3A_81 = arith.constant 0 : i32
      %dma_start3A_82 = tpu.memref_slice %arg5[%dma_start3A_80, %dma_start3A_81] : memref<80000x128xf32, #tpu.memory_space<hbm>> -> memref<80000x128xf32, #tpu.memory_space<hbm>>
      tpu.enqueue_indirect_dma source(%dma_start3A_82 : memref<80000x128xf32, #tpu.memory_space<hbm>>) target(%dma_start3A_73 : memref<40x128xf32, #tpu.memory_space<vmem>>) offsets(%dma_start3A_79 : memref<40xi32, #tpu.memory_space<vmem>>) semaphore(%arg11 : memref<!tpu.dma_semaphore, #tpu.memory_space<semaphore_mem>>)
      %dma_wait3A_83 = arith.constant 23 : i32
      %dma_wait3A_84 = arith.constant 80 : i32
      %dma_wait3A_85 = arith.constant 0 : i32
      %dma_wait3A_86 = tpu.memref_slice %arg9[%dma_wait3A_84, %dma_wait3A_85] : memref<240x128xf32, #tpu.memory_space<vmem>> -> memref<80x128xf32, #tpu.memory_space<vmem>>
      %dma_wait3A_87 = arith.constant 0 : i32
      %dma_wait3A_88 = arith.constant 0 : i32
      %dma_wait3A_89 = tpu.memref_slice %dma_wait3A_86[%dma_wait3A_87, %dma_wait3A_88] : memref<80x128xf32, #tpu.memory_space<vmem>> -> memref<40x128xf32, #tpu.memory_space<vmem>>
      %dma_wait3A_90 = arith.constant 50 : i32
      %dma_wait3A_91 = arith.constant 0 : i32
      %dma_wait3A_92 = tpu.memref_slice %arg8[%dma_wait3A_90, %dma_wait3A_91] : memref<100x80xi32, #tpu.memory_space<vmem>> -> memref<25x80xi32, #tpu.memory_space<vmem>>
      %dma_wait3A_93 = arith.constant 0 : i32
      %dma_wait3A_94 = tpu.memref_slice %dma_wait3A_92[%dma_wait3A_83, %dma_wait3A_93] : memref<25x80xi32, #tpu.memory_space<vmem>> -> memref<1x40xi32, #tpu.memory_space<vmem>>
      %dma_wait3A_95 = tpu.memref_squeeze %dma_wait3A_94 : memref<1x40xi32, #tpu.memory_space<vmem>> -> memref<40xi32, #tpu.memory_space<vmem>>
      %dma_wait3A_96 = arith.constant 0 : i32
      %dma_wait3A_97 = arith.constant 0 : i32
      %dma_wait3A_98 = tpu.memref_slice %arg5[%dma_wait3A_96, %dma_wait3A_97] : memref<80000x128xf32, #tpu.memory_space<hbm>> -> memref<80000x128xf32, #tpu.memory_space<hbm>>
      tpu.wait_indirect_dma semaphore(%arg12 : memref<!tpu.dma_semaphore, #tpu.memory_space<semaphore_mem>>) src(%dma_wait3A_98 : memref<80000x128xf32, #tpu.memory_space<hbm>>) dst(%dma_wait3A_89 : memref<40x128xf32, #tpu.memory_space<vmem>>)
      %dma_wait3A_99 = arith.constant 23 : i32
      %dma_wait3A_100 = arith.constant 80 : i32
      %dma_wait3A_101 = arith.constant 0 : i32
      %dma_wait3A_102 = tpu.memref_slice %arg9[%dma_wait3A_100, %dma_wait3A_101] : memref<240x128xf32, #tpu.memory_space<vmem>> -> memref<80x128xf32, #tpu.memory_space<vmem>>
      %dma_wait3A_103 = arith.constant 40 : i32
      %dma_wait3A_104 = arith.constant 0 : i32
      %dma_wait3A_105 = tpu.memref_slice %dma_wait3A_102[%dma_wait3A_103, %dma_wait3A_104] : memref<80x128xf32, #tpu.memory_space<vmem>> -> memref<40x128xf32, #tpu.memory_space<vmem>>
      %dma_wait3A_106 = arith.constant 50 : i32
      %dma_wait3A_107 = arith.constant 0 : i32
      %dma_wait3A_108 = tpu.memref_slice %arg8[%dma_wait3A_106, %dma_wait3A_107] : memref<100x80xi32, #tpu.memory_space<vmem>> -> memref<25x80xi32, #tpu.memory_space<vmem>>
      %dma_wait3A_109 = arith.constant 40 : i32
      %dma_wait3A_110 = tpu.memref_slice %dma_wait3A_108[%dma_wait3A_99, %dma_wait3A_109] : memref<25x80xi32, #tpu.memory_space<vmem>> -> memref<1x40xi32, #tpu.memory_space<vmem>>
      %dma_wait3A_111 = tpu.memref_squeeze %dma_wait3A_110 : memref<1x40xi32, #tpu.memory_space<vmem>> -> memref<40xi32, #tpu.memory_space<vmem>>
      %dma_wait3A_112 = arith.constant 0 : i32
      %dma_wait3A_113 = arith.constant 0 : i32
      %dma_wait3A_114 = tpu.memref_slice %arg5[%dma_wait3A_112, %dma_wait3A_113] : memref<80000x128xf32, #tpu.memory_space<hbm>> -> memref<80000x128xf32, #tpu.memory_space<hbm>>
      tpu.wait_indirect_dma semaphore(%arg12 : memref<!tpu.dma_semaphore, #tpu.memory_space<semaphore_mem>>) src(%dma_wait3A_114 : memref<80000x128xf32, #tpu.memory_space<hbm>>) dst(%dma_wait3A_105 : memref<40x128xf32, #tpu.memory_space<vmem>>)
      %dma_start3A_115 = arith.constant 23 : i32
      %dma_start3A_116 = arith.constant 80 : i32
      %dma_start3A_117 = arith.constant 0 : i32
      %dma_start3A_118 = tpu.memref_slice %arg9[%dma_start3A_116, %dma_start3A_117] : memref<240x128xf32, #tpu.memory_space<vmem>> -> memref<80x128xf32, #tpu.memory_space<vmem>>
      %dma_start3A_119 = arith.constant 25 : i32
      %dma_start3A_120 = arith.constant 0 : i32
      %dma_start3A_121 = tpu.memref_slice %arg8[%dma_start3A_119, %dma_start3A_120] : memref<100x80xi32, #tpu.memory_space<vmem>> -> memref<25x80xi32, #tpu.memory_space<vmem>>
      %dma_start3A_122 = arith.constant 0 : i32
      %dma_start3A_123 = tpu.memref_slice %dma_start3A_121[%dma_start3A_115, %dma_start3A_122] : memref<25x80xi32, #tpu.memory_space<vmem>> -> memref<1x80xi32, #tpu.memory_space<vmem>>
      %dma_start3A_124 = tpu.memref_squeeze %dma_start3A_123 : memref<1x80xi32, #tpu.memory_space<vmem>> -> memref<80xi32, #tpu.memory_space<vmem>>
      %dma_start3A_125 = arith.constant 0 : i32
      %dma_start3A_126 = arith.constant 0 : i32
      %dma_start3A_127 = tpu.memref_slice %arg10[%dma_start3A_125, %dma_start3A_126] : memref<10000x128xf32, #tpu.memory_space<vmem_shared>> -> memref<10000x128xf32, #tpu.memory_space<vmem_shared>>
      tpu.enqueue_indirect_dma source(%dma_start3A_118 : memref<80x128xf32, #tpu.memory_space<vmem>>) target(%dma_start3A_127 : memref<10000x128xf32, #tpu.memory_space<vmem_shared>>) offsets(%dma_start3A_124 : memref<80xi32, #tpu.memory_space<vmem>>) semaphore(%arg15 : memref<!tpu.dma_semaphore, #tpu.memory_space<semaphore_mem>>) {add = true}
      %dma_wait3A_128 = arith.constant 23 : i32
      %dma_wait3A_129 = arith.constant 80 : i32
      %dma_wait3A_130 = arith.constant 0 : i32
      %dma_wait3A_131 = tpu.memref_slice %arg9[%dma_wait3A_129, %dma_wait3A_130] : memref<240x128xf32, #tpu.memory_space<vmem>> -> memref<80x128xf32, #tpu.memory_space<vmem>>
      %dma_wait3A_132 = arith.constant 25 : i32
      %dma_wait3A_133 = arith.constant 0 : i32
      %dma_wait3A_134 = tpu.memref_slice %arg8[%dma_wait3A_132, %dma_wait3A_133] : memref<100x80xi32, #tpu.memory_space<vmem>> -> memref<25x80xi32, #tpu.memory_space<vmem>>
      %dma_wait3A_135 = arith.constant 0 : i32
      %dma_wait3A_136 = tpu.memref_slice %dma_wait3A_134[%dma_wait3A_128, %dma_wait3A_135] : memref<25x80xi32, #tpu.memory_space<vmem>> -> memref<1x80xi32, #tpu.memory_space<vmem>>
      %dma_wait3A_137 = tpu.memref_squeeze %dma_wait3A_136 : memref<1x80xi32, #tpu.memory_space<vmem>> -> memref<80xi32, #tpu.memory_space<vmem>>
      %dma_wait3A_138 = arith.constant 0 : i32
      %dma_wait3A_139 = arith.constant 0 : i32
      %dma_wait3A_140 = tpu.memref_slice %arg10[%dma_wait3A_138, %dma_wait3A_139] : memref<10000x128xf32, #tpu.memory_space<vmem_shared>> -> memref<10000x128xf32, #tpu.memory_space<vmem_shared>>
      tpu.wait_indirect_dma semaphore(%arg15 : memref<!tpu.dma_semaphore, #tpu.memory_space<semaphore_mem>>) src(%dma_wait3A_131 : memref<80x128xf32, #tpu.memory_space<vmem>>) dst(%dma_wait3A_140 : memref<10000x128xf32, #tpu.memory_space<vmem_shared>>)
      %dma_start3A_141 = arith.constant 24 : i32
      %dma_start3A_142 = arith.constant 80 : i32
      %dma_start3A_143 = arith.constant 0 : i32
      %dma_start3A_144 = tpu.memref_slice %arg9[%dma_start3A_142, %dma_start3A_143] : memref<240x128xf32, #tpu.memory_space<vmem>> -> memref<80x128xf32, #tpu.memory_space<vmem>>
      %dma_start3A_145 = arith.constant 0 : i32
      %dma_start3A_146 = arith.constant 0 : i32
      %dma_start3A_147 = tpu.memref_slice %dma_start3A_144[%dma_start3A_145, %dma_start3A_146] : memref<80x128xf32, #tpu.memory_space<vmem>> -> memref<40x128xf32, #tpu.memory_space<vmem>>
      %dma_start3A_148 = arith.constant 75 : i32
      %dma_start3A_149 = arith.constant 0 : i32
      %dma_start3A_150 = tpu.memref_slice %arg8[%dma_start3A_148, %dma_start3A_149] : memref<100x80xi32, #tpu.memory_space<vmem>> -> memref<25x80xi32, #tpu.memory_space<vmem>>
      %dma_start3A_151 = arith.constant 0 : i32
      %dma_start3A_152 = tpu.memref_slice %dma_start3A_150[%dma_start3A_141, %dma_start3A_151] : memref<25x80xi32, #tpu.memory_space<vmem>> -> memref<1x40xi32, #tpu.memory_space<vmem>>
      %dma_start3A_153 = tpu.memref_squeeze %dma_start3A_152 : memref<1x40xi32, #tpu.memory_space<vmem>> -> memref<40xi32, #tpu.memory_space<vmem>>
      %dma_start3A_154 = arith.constant 0 : i32
      %dma_start3A_155 = arith.constant 0 : i32
      %dma_start3A_156 = tpu.memref_slice %arg5[%dma_start3A_154, %dma_start3A_155] : memref<80000x128xf32, #tpu.memory_space<hbm>> -> memref<80000x128xf32, #tpu.memory_space<hbm>>
      tpu.enqueue_indirect_dma source(%dma_start3A_156 : memref<80000x128xf32, #tpu.memory_space<hbm>>) target(%dma_start3A_147 : memref<40x128xf32, #tpu.memory_space<vmem>>) offsets(%dma_start3A_153 : memref<40xi32, #tpu.memory_space<vmem>>) semaphore(%arg12 : memref<!tpu.dma_semaphore, #tpu.memory_space<semaphore_mem>>)
      %dma_start3A_157 = arith.constant 24 : i32
      %dma_start3A_158 = arith.constant 80 : i32
      %dma_start3A_159 = arith.constant 0 : i32
      %dma_start3A_160 = tpu.memref_slice %arg9[%dma_start3A_158, %dma_start3A_159] : memref<240x128xf32, #tpu.memory_space<vmem>> -> memref<80x128xf32, #tpu.memory_space<vmem>>
      %dma_start3A_161 = arith.constant 40 : i32
      %dma_start3A_162 = arith.constant 0 : i32
      %dma_start3A_163 = tpu.memref_slice %dma_start3A_160[%dma_start3A_161, %dma_start3A_162] : memref<80x128xf32, #tpu.memory_space<vmem>> -> memref<40x128xf32, #tpu.memory_space<vmem>>
      %dma_start3A_164 = arith.constant 75 : i32
      %dma_start3A_165 = arith.constant 0 : i32
      %dma_start3A_166 = tpu.memref_slice %arg8[%dma_start3A_164, %dma_start3A_165] : memref<100x80xi32, #tpu.memory_space<vmem>> -> memref<25x80xi32, #tpu.memory_space<vmem>>
      %dma_start3A_167 = arith.constant 40 : i32
      %dma_start3A_168 = tpu.memref_slice %dma_start3A_166[%dma_start3A_157, %dma_start3A_167] : memref<25x80xi32, #tpu.memory_space<vmem>> -> memref<1x40xi32, #tpu.memory_space<vmem>>
      %dma_start3A_169 = tpu.memref_squeeze %dma_start3A_168 : memref<1x40xi32, #tpu.memory_space<vmem>> -> memref<40xi32, #tpu.memory_space<vmem>>
      %dma_start3A_170 = arith.constant 0 : i32
      %dma_start3A_171 = arith.constant 0 : i32
      %dma_start3A_172 = tpu.memref_slice %arg5[%dma_start3A_170, %dma_start3A_171] : memref<80000x128xf32, #tpu.memory_space<hbm>> -> memref<80000x128xf32, #tpu.memory_space<hbm>>
      tpu.enqueue_indirect_dma source(%dma_start3A_172 : memref<80000x128xf32, #tpu.memory_space<hbm>>) target(%dma_start3A_163 : memref<40x128xf32, #tpu.memory_space<vmem>>) offsets(%dma_start3A_169 : memref<40xi32, #tpu.memory_space<vmem>>) semaphore(%arg12 : memref<!tpu.dma_semaphore, #tpu.memory_space<semaphore_mem>>)
      %dma_wait3A_173 = arith.constant 23 : i32
      %dma_wait3A_174 = arith.constant 160 : i32
      %dma_wait3A_175 = arith.constant 0 : i32
      %dma_wait3A_176 = tpu.memref_slice %arg9[%dma_wait3A_174, %dma_wait3A_175] : memref<240x128xf32, #tpu.memory_space<vmem>> -> memref<80x128xf32, #tpu.memory_space<vmem>>
      %dma_wait3A_177 = arith.constant 0 : i32
      %dma_wait3A_178 = arith.constant 0 : i32
      %dma_wait3A_179 = tpu.memref_slice %dma_wait3A_176[%dma_wait3A_177, %dma_wait3A_178] : memref<80x128xf32, #tpu.memory_space<vmem>> -> memref<40x128xf32, #tpu.memory_space<vmem>>
      %dma_wait3A_180 = arith.constant 75 : i32
      %dma_wait3A_181 = arith.constant 0 : i32
      %dma_wait3A_182 = tpu.memref_slice %arg8[%dma_wait3A_180, %dma_wait3A_181] : memref<100x80xi32, #tpu.memory_space<vmem>> -> memref<25x80xi32, #tpu.memory_space<vmem>>
      %dma_wait3A_183 = arith.constant 0 : i32
      %dma_wait3A_184 = tpu.memref_slice %dma_wait3A_182[%dma_wait3A_173, %dma_wait3A_183] : memref<25x80xi32, #tpu.memory_space<vmem>> -> memref<1x40xi32, #tpu.memory_space<vmem>>
      %dma_wait3A_185 = tpu.memref_squeeze %dma_wait3A_184 : memref<1x40xi32, #tpu.memory_space<vmem>> -> memref<40xi32, #tpu.memory_space<vmem>>
      %dma_wait3A_186 = arith.constant 0 : i32
      %dma_wait3A_187 = arith.constant 0 : i32
      %dma_wait3A_188 = tpu.memref_slice %arg5[%dma_wait3A_186, %dma_wait3A_187] : memref<80000x128xf32, #tpu.memory_space<hbm>> -> memref<80000x128xf32, #tpu.memory_space<hbm>>
      tpu.wait_indirect_dma semaphore(%arg13 : memref<!tpu.dma_semaphore, #tpu.memory_space<semaphore_mem>>) src(%dma_wait3A_188 : memref<80000x128xf32, #tpu.memory_space<hbm>>) dst(%dma_wait3A_179 : memref<40x128xf32, #tpu.memory_space<vmem>>)
      %dma_wait3A_189 = arith.constant 23 : i32
      %dma_wait3A_190 = arith.constant 160 : i32
      %dma_wait3A_191 = arith.constant 0 : i32
      %dma_wait3A_192 = tpu.memref_slice %arg9[%dma_wait3A_190, %dma_wait3A_191] : memref<240x128xf32, #tpu.memory_space<vmem>> -> memref<80x128xf32, #tpu.memory_space<vmem>>
      %dma_wait3A_193 = arith.constant 40 : i32
      %dma_wait3A_194 = arith.constant 0 : i32
      %dma_wait3A_195 = tpu.memref_slice %dma_wait3A_192[%dma_wait3A_193, %dma_wait3A_194] : memref<80x128xf32, #tpu.memory_space<vmem>> -> memref<40x128xf32, #tpu.memory_space<vmem>>
      %dma_wait3A_196 = arith.constant 75 : i32
      %dma_wait3A_197 = arith.constant 0 : i32
      %dma_wait3A_198 = tpu.memref_slice %arg8[%dma_wait3A_196, %dma_wait3A_197] : memref<100x80xi32, #tpu.memory_space<vmem>> -> memref<25x80xi32, #tpu.memory_space<vmem>>
      %dma_wait3A_199 = arith.constant 40 : i32
      %dma_wait3A_200 = tpu.memref_slice %dma_wait3A_198[%dma_wait3A_189, %dma_wait3A_199] : memref<25x80xi32, #tpu.memory_space<vmem>> -> memref<1x40xi32, #tpu.memory_space<vmem>>
      %dma_wait3A_201 = tpu.memref_squeeze %dma_wait3A_200 : memref<1x40xi32, #tpu.memory_space<vmem>> -> memref<40xi32, #tpu.memory_space<vmem>>
      %dma_wait3A_202 = arith.constant 0 : i32
      %dma_wait3A_203 = arith.constant 0 : i32
      %dma_wait3A_204 = tpu.memref_slice %arg5[%dma_wait3A_202, %dma_wait3A_203] : memref<80000x128xf32, #tpu.memory_space<hbm>> -> memref<80000x128xf32, #tpu.memory_space<hbm>>
      tpu.wait_indirect_dma semaphore(%arg13 : memref<!tpu.dma_semaphore, #tpu.memory_space<semaphore_mem>>) src(%dma_wait3A_204 : memref<80000x128xf32, #tpu.memory_space<hbm>>) dst(%dma_wait3A_195 : memref<40x128xf32, #tpu.memory_space<vmem>>)
      %dma_start3A_205 = arith.constant 23 : i32
      %dma_start3A_206 = arith.constant 160 : i32
      %dma_start3A_207 = arith.constant 0 : i32
      %dma_start3A_208 = tpu.memref_slice %arg9[%dma_start3A_206, %dma_start3A_207] : memref<240x128xf32, #tpu.memory_space<vmem>> -> memref<80x128xf32, #tpu.memory_space<vmem>>
      %dma_start3A_209 = arith.constant 0 : i32
      %dma_start3A_210 = arith.constant 0 : i32
      %dma_start3A_211 = tpu.memref_slice %arg8[%dma_start3A_209, %dma_start3A_210] : memref<100x80xi32, #tpu.memory_space<vmem>> -> memref<25x80xi32, #tpu.memory_space<vmem>>
      %dma_start3A_212 = arith.constant 0 : i32
      %dma_start3A_213 = tpu.memref_slice %dma_start3A_211[%dma_start3A_205, %dma_start3A_212] : memref<25x80xi32, #tpu.memory_space<vmem>> -> memref<1x80xi32, #tpu.memory_space<vmem>>
      %dma_start3A_214 = tpu.memref_squeeze %dma_start3A_213 : memref<1x80xi32, #tpu.memory_space<vmem>> -> memref<80xi32, #tpu.memory_space<vmem>>
      %dma_start3A_215 = arith.constant 0 : i32
      %dma_start3A_216 = arith.constant 0 : i32
      %dma_start3A_217 = tpu.memref_slice %arg10[%dma_start3A_215, %dma_start3A_216] : memref<10000x128xf32, #tpu.memory_space<vmem_shared>> -> memref<10000x128xf32, #tpu.memory_space<vmem_shared>>
      tpu.enqueue_indirect_dma source(%dma_start3A_208 : memref<80x128xf32, #tpu.memory_space<vmem>>) target(%dma_start3A_217 : memref<10000x128xf32, #tpu.memory_space<vmem_shared>>) offsets(%dma_start3A_214 : memref<80xi32, #tpu.memory_space<vmem>>) semaphore(%arg16 : memref<!tpu.dma_semaphore, #tpu.memory_space<semaphore_mem>>) {add = true}
      %dma_wait3A_218 = arith.constant 24 : i32
      %dma_wait3A_219 = arith.constant 0 : i32
      %dma_wait3A_220 = arith.constant 0 : i32
      %dma_wait3A_221 = tpu.memref_slice %arg9[%dma_wait3A_219, %dma_wait3A_220] : memref<240x128xf32, #tpu.memory_space<vmem>> -> memref<80x128xf32, #tpu.memory_space<vmem>>
      %dma_wait3A_222 = arith.constant 0 : i32
      %dma_wait3A_223 = arith.constant 0 : i32
      %dma_wait3A_224 = tpu.memref_slice %dma_wait3A_221[%dma_wait3A_222, %dma_wait3A_223] : memref<80x128xf32, #tpu.memory_space<vmem>> -> memref<40x128xf32, #tpu.memory_space<vmem>>
      %dma_wait3A_225 = arith.constant 50 : i32
      %dma_wait3A_226 = arith.constant 0 : i32
      %dma_wait3A_227 = tpu.memref_slice %arg8[%dma_wait3A_225, %dma_wait3A_226] : memref<100x80xi32, #tpu.memory_space<vmem>> -> memref<25x80xi32, #tpu.memory_space<vmem>>
      %dma_wait3A_228 = arith.constant 0 : i32
      %dma_wait3A_229 = tpu.memref_slice %dma_wait3A_227[%dma_wait3A_218, %dma_wait3A_228] : memref<25x80xi32, #tpu.memory_space<vmem>> -> memref<1x40xi32, #tpu.memory_space<vmem>>
      %dma_wait3A_230 = tpu.memref_squeeze %dma_wait3A_229 : memref<1x40xi32, #tpu.memory_space<vmem>> -> memref<40xi32, #tpu.memory_space<vmem>>
      %dma_wait3A_231 = arith.constant 0 : i32
      %dma_wait3A_232 = arith.constant 0 : i32
      %dma_wait3A_233 = tpu.memref_slice %arg5[%dma_wait3A_231, %dma_wait3A_232] : memref<80000x128xf32, #tpu.memory_space<hbm>> -> memref<80000x128xf32, #tpu.memory_space<hbm>>
      tpu.wait_indirect_dma semaphore(%arg11 : memref<!tpu.dma_semaphore, #tpu.memory_space<semaphore_mem>>) src(%dma_wait3A_233 : memref<80000x128xf32, #tpu.memory_space<hbm>>) dst(%dma_wait3A_224 : memref<40x128xf32, #tpu.memory_space<vmem>>)
      %dma_wait3A_234 = arith.constant 24 : i32
      %dma_wait3A_235 = arith.constant 0 : i32
      %dma_wait3A_236 = arith.constant 0 : i32
      %dma_wait3A_237 = tpu.memref_slice %arg9[%dma_wait3A_235, %dma_wait3A_236] : memref<240x128xf32, #tpu.memory_space<vmem>> -> memref<80x128xf32, #tpu.memory_space<vmem>>
      %dma_wait3A_238 = arith.constant 40 : i32
      %dma_wait3A_239 = arith.constant 0 : i32
      %dma_wait3A_240 = tpu.memref_slice %dma_wait3A_237[%dma_wait3A_238, %dma_wait3A_239] : memref<80x128xf32, #tpu.memory_space<vmem>> -> memref<40x128xf32, #tpu.memory_space<vmem>>
      %dma_wait3A_241 = arith.constant 50 : i32
      %dma_wait3A_242 = arith.constant 0 : i32
      %dma_wait3A_243 = tpu.memref_slice %arg8[%dma_wait3A_241, %dma_wait3A_242] : memref<100x80xi32, #tpu.memory_space<vmem>> -> memref<25x80xi32, #tpu.memory_space<vmem>>
      %dma_wait3A_244 = arith.constant 40 : i32
      %dma_wait3A_245 = tpu.memref_slice %dma_wait3A_243[%dma_wait3A_234, %dma_wait3A_244] : memref<25x80xi32, #tpu.memory_space<vmem>> -> memref<1x40xi32, #tpu.memory_space<vmem>>
      %dma_wait3A_246 = tpu.memref_squeeze %dma_wait3A_245 : memref<1x40xi32, #tpu.memory_space<vmem>> -> memref<40xi32, #tpu.memory_space<vmem>>
      %dma_wait3A_247 = arith.constant 0 : i32
      %dma_wait3A_248 = arith.constant 0 : i32
      %dma_wait3A_249 = tpu.memref_slice %arg5[%dma_wait3A_247, %dma_wait3A_248] : memref<80000x128xf32, #tpu.memory_space<hbm>> -> memref<80000x128xf32, #tpu.memory_space<hbm>>
      tpu.wait_indirect_dma semaphore(%arg11 : memref<!tpu.dma_semaphore, #tpu.memory_space<semaphore_mem>>) src(%dma_wait3A_249 : memref<80000x128xf32, #tpu.memory_space<hbm>>) dst(%dma_wait3A_240 : memref<40x128xf32, #tpu.memory_space<vmem>>)
      %dma_start3A_250 = arith.constant 24 : i32
      %dma_start3A_251 = arith.constant 0 : i32
      %dma_start3A_252 = arith.constant 0 : i32
      %dma_start3A_253 = tpu.memref_slice %arg9[%dma_start3A_251, %dma_start3A_252] : memref<240x128xf32, #tpu.memory_space<vmem>> -> memref<80x128xf32, #tpu.memory_space<vmem>>
      %dma_start3A_254 = arith.constant 25 : i32
      %dma_start3A_255 = arith.constant 0 : i32
      %dma_start3A_256 = tpu.memref_slice %arg8[%dma_start3A_254, %dma_start3A_255] : memref<100x80xi32, #tpu.memory_space<vmem>> -> memref<25x80xi32, #tpu.memory_space<vmem>>
      %dma_start3A_257 = arith.constant 0 : i32
      %dma_start3A_258 = tpu.memref_slice %dma_start3A_256[%dma_start3A_250, %dma_start3A_257] : memref<25x80xi32, #tpu.memory_space<vmem>> -> memref<1x80xi32, #tpu.memory_space<vmem>>
      %dma_start3A_259 = tpu.memref_squeeze %dma_start3A_258 : memref<1x80xi32, #tpu.memory_space<vmem>> -> memref<80xi32, #tpu.memory_space<vmem>>
      %dma_start3A_260 = arith.constant 0 : i32
      %dma_start3A_261 = arith.constant 0 : i32
      %dma_start3A_262 = tpu.memref_slice %arg10[%dma_start3A_260, %dma_start3A_261] : memref<10000x128xf32, #tpu.memory_space<vmem_shared>> -> memref<10000x128xf32, #tpu.memory_space<vmem_shared>>
      tpu.enqueue_indirect_dma source(%dma_start3A_253 : memref<80x128xf32, #tpu.memory_space<vmem>>) target(%dma_start3A_262 : memref<10000x128xf32, #tpu.memory_space<vmem_shared>>) offsets(%dma_start3A_259 : memref<80xi32, #tpu.memory_space<vmem>>) semaphore(%arg14 : memref<!tpu.dma_semaphore, #tpu.memory_space<semaphore_mem>>) {add = true}
      %dma_wait3A_263 = arith.constant 24 : i32
      %dma_wait3A_264 = arith.constant 80 : i32
      %dma_wait3A_265 = arith.constant 0 : i32
      %dma_wait3A_266 = tpu.memref_slice %arg9[%dma_wait3A_264, %dma_wait3A_265] : memref<240x128xf32, #tpu.memory_space<vmem>> -> memref<80x128xf32, #tpu.memory_space<vmem>>
      %dma_wait3A_267 = arith.constant 0 : i32
      %dma_wait3A_268 = arith.constant 0 : i32
      %dma_wait3A_269 = tpu.memref_slice %dma_wait3A_266[%dma_wait3A_267, %dma_wait3A_268] : memref<80x128xf32, #tpu.memory_space<vmem>> -> memref<40x128xf32, #tpu.memory_space<vmem>>
      %dma_wait3A_270 = arith.constant 75 : i32
      %dma_wait3A_271 = arith.constant 0 : i32
      %dma_wait3A_272 = tpu.memref_slice %arg8[%dma_wait3A_270, %dma_wait3A_271] : memref<100x80xi32, #tpu.memory_space<vmem>> -> memref<25x80xi32, #tpu.memory_space<vmem>>
      %dma_wait3A_273 = arith.constant 0 : i32
      %dma_wait3A_274 = tpu.memref_slice %dma_wait3A_272[%dma_wait3A_263, %dma_wait3A_273] : memref<25x80xi32, #tpu.memory_space<vmem>> -> memref<1x40xi32, #tpu.memory_space<vmem>>
      %dma_wait3A_275 = tpu.memref_squeeze %dma_wait3A_274 : memref<1x40xi32, #tpu.memory_space<vmem>> -> memref<40xi32, #tpu.memory_space<vmem>>
      %dma_wait3A_276 = arith.constant 0 : i32
      %dma_wait3A_277 = arith.constant 0 : i32
      %dma_wait3A_278 = tpu.memref_slice %arg5[%dma_wait3A_276, %dma_wait3A_277] : memref<80000x128xf32, #tpu.memory_space<hbm>> -> memref<80000x128xf32, #tpu.memory_space<hbm>>
      tpu.wait_indirect_dma semaphore(%arg12 : memref<!tpu.dma_semaphore, #tpu.memory_space<semaphore_mem>>) src(%dma_wait3A_278 : memref<80000x128xf32, #tpu.memory_space<hbm>>) dst(%dma_wait3A_269 : memref<40x128xf32, #tpu.memory_space<vmem>>)
      %dma_wait3A_279 = arith.constant 24 : i32
      %dma_wait3A_280 = arith.constant 80 : i32
      %dma_wait3A_281 = arith.constant 0 : i32
      %dma_wait3A_282 = tpu.memref_slice %arg9[%dma_wait3A_280, %dma_wait3A_281] : memref<240x128xf32, #tpu.memory_space<vmem>> -> memref<80x128xf32, #tpu.memory_space<vmem>>
      %dma_wait3A_283 = arith.constant 40 : i32
      %dma_wait3A_284 = arith.constant 0 : i32
      %dma_wait3A_285 = tpu.memref_slice %dma_wait3A_282[%dma_wait3A_283, %dma_wait3A_284] : memref<80x128xf32, #tpu.memory_space<vmem>> -> memref<40x128xf32, #tpu.memory_space<vmem>>
      %dma_wait3A_286 = arith.constant 75 : i32
      %dma_wait3A_287 = arith.constant 0 : i32
      %dma_wait3A_288 = tpu.memref_slice %arg8[%dma_wait3A_286, %dma_wait3A_287] : memref<100x80xi32, #tpu.memory_space<vmem>> -> memref<25x80xi32, #tpu.memory_space<vmem>>
      %dma_wait3A_289 = arith.constant 40 : i32
      %dma_wait3A_290 = tpu.memref_slice %dma_wait3A_288[%dma_wait3A_279, %dma_wait3A_289] : memref<25x80xi32, #tpu.memory_space<vmem>> -> memref<1x40xi32, #tpu.memory_space<vmem>>
      %dma_wait3A_291 = tpu.memref_squeeze %dma_wait3A_290 : memref<1x40xi32, #tpu.memory_space<vmem>> -> memref<40xi32, #tpu.memory_space<vmem>>
      %dma_wait3A_292 = arith.constant 0 : i32
      %dma_wait3A_293 = arith.constant 0 : i32
      %dma_wait3A_294 = tpu.memref_slice %arg5[%dma_wait3A_292, %dma_wait3A_293] : memref<80000x128xf32, #tpu.memory_space<hbm>> -> memref<80000x128xf32, #tpu.memory_space<hbm>>
      tpu.wait_indirect_dma semaphore(%arg12 : memref<!tpu.dma_semaphore, #tpu.memory_space<semaphore_mem>>) src(%dma_wait3A_294 : memref<80000x128xf32, #tpu.memory_space<hbm>>) dst(%dma_wait3A_285 : memref<40x128xf32, #tpu.memory_space<vmem>>)
      %dma_start3A_295 = arith.constant 24 : i32
      %dma_start3A_296 = arith.constant 80 : i32
      %dma_start3A_297 = arith.constant 0 : i32
      %dma_start3A_298 = tpu.memref_slice %arg9[%dma_start3A_296, %dma_start3A_297] : memref<240x128xf32, #tpu.memory_space<vmem>> -> memref<80x128xf32, #tpu.memory_space<vmem>>
      %dma_start3A_299 = arith.constant 0 : i32
      %dma_start3A_300 = arith.constant 0 : i32
      %dma_start3A_301 = tpu.memref_slice %arg8[%dma_start3A_299, %dma_start3A_300] : memref<100x80xi32, #tpu.memory_space<vmem>> -> memref<25x80xi32, #tpu.memory_space<vmem>>
      %dma_start3A_302 = arith.constant 0 : i32
      %dma_start3A_303 = tpu.memref_slice %dma_start3A_301[%dma_start3A_295, %dma_start3A_302] : memref<25x80xi32, #tpu.memory_space<vmem>> -> memref<1x80xi32, #tpu.memory_space<vmem>>
      %dma_start3A_304 = tpu.memref_squeeze %dma_start3A_303 : memref<1x80xi32, #tpu.memory_space<vmem>> -> memref<80xi32, #tpu.memory_space<vmem>>
      %dma_start3A_305 = arith.constant 0 : i32
      %dma_start3A_306 = arith.constant 0 : i32
      %dma_start3A_307 = tpu.memref_slice %arg10[%dma_start3A_305, %dma_start3A_306] : memref<10000x128xf32, #tpu.memory_space<vmem_shared>> -> memref<10000x128xf32, #tpu.memory_space<vmem_shared>>
      tpu.enqueue_indirect_dma source(%dma_start3A_298 : memref<80x128xf32, #tpu.memory_space<vmem>>) target(%dma_start3A_307 : memref<10000x128xf32, #tpu.memory_space<vmem_shared>>) offsets(%dma_start3A_304 : memref<80xi32, #tpu.memory_space<vmem>>) semaphore(%arg15 : memref<!tpu.dma_semaphore, #tpu.memory_space<semaphore_mem>>) {add = true}
      %dma_wait3A_308 = arith.constant 23 : i32
      %dma_wait3A_309 = arith.constant 160 : i32
      %dma_wait3A_310 = arith.constant 0 : i32
      %dma_wait3A_311 = tpu.memref_slice %arg9[%dma_wait3A_309, %dma_wait3A_310] : memref<240x128xf32, #tpu.memory_space<vmem>> -> memref<80x128xf32, #tpu.memory_space<vmem>>
      %dma_wait3A_312 = arith.constant 0 : i32
      %dma_wait3A_313 = arith.constant 0 : i32
      %dma_wait3A_314 = tpu.memref_slice %arg8[%dma_wait3A_312, %dma_wait3A_313] : memref<100x80xi32, #tpu.memory_space<vmem>> -> memref<25x80xi32, #tpu.memory_space<vmem>>
      %dma_wait3A_315 = arith.constant 0 : i32
      %dma_wait3A_316 = tpu.memref_slice %dma_wait3A_314[%dma_wait3A_308, %dma_wait3A_315] : memref<25x80xi32, #tpu.memory_space<vmem>> -> memref<1x80xi32, #tpu.memory_space<vmem>>
      %dma_wait3A_317 = tpu.memref_squeeze %dma_wait3A_316 : memref<1x80xi32, #tpu.memory_space<vmem>> -> memref<80xi32, #tpu.memory_space<vmem>>
      %dma_wait3A_318 = arith.constant 0 : i32
      %dma_wait3A_319 = arith.constant 0 : i32
      %dma_wait3A_320 = tpu.memref_slice %arg10[%dma_wait3A_318, %dma_wait3A_319] : memref<10000x128xf32, #tpu.memory_space<vmem_shared>> -> memref<10000x128xf32, #tpu.memory_space<vmem_shared>>
      tpu.wait_indirect_dma semaphore(%arg16 : memref<!tpu.dma_semaphore, #tpu.memory_space<semaphore_mem>>) src(%dma_wait3A_311 : memref<80x128xf32, #tpu.memory_space<vmem>>) dst(%dma_wait3A_320 : memref<10000x128xf32, #tpu.memory_space<vmem_shared>>)
      %dma_wait3A_321 = arith.constant 24 : i32
      %dma_wait3A_322 = arith.constant 0 : i32
      %dma_wait3A_323 = arith.constant 0 : i32
      %dma_wait3A_324 = tpu.memref_slice %arg9[%dma_wait3A_322, %dma_wait3A_323] : memref<240x128xf32, #tpu.memory_space<vmem>> -> memref<80x128xf32, #tpu.memory_space<vmem>>
      %dma_wait3A_325 = arith.constant 25 : i32
      %dma_wait3A_326 = arith.constant 0 : i32
      %dma_wait3A_327 = tpu.memref_slice %arg8[%dma_wait3A_325, %dma_wait3A_326] : memref<100x80xi32, #tpu.memory_space<vmem>> -> memref<25x80xi32, #tpu.memory_space<vmem>>
      %dma_wait3A_328 = arith.constant 0 : i32
      %dma_wait3A_329 = tpu.memref_slice %dma_wait3A_327[%dma_wait3A_321, %dma_wait3A_328] : memref<25x80xi32, #tpu.memory_space<vmem>> -> memref<1x80xi32, #tpu.memory_space<vmem>>
      %dma_wait3A_330 = tpu.memref_squeeze %dma_wait3A_329 : memref<1x80xi32, #tpu.memory_space<vmem>> -> memref<80xi32, #tpu.memory_space<vmem>>
      %dma_wait3A_331 = arith.constant 0 : i32
      %dma_wait3A_332 = arith.constant 0 : i32
      %dma_wait3A_333 = tpu.memref_slice %arg10[%dma_wait3A_331, %dma_wait3A_332] : memref<10000x128xf32, #tpu.memory_space<vmem_shared>> -> memref<10000x128xf32, #tpu.memory_space<vmem_shared>>
      tpu.wait_indirect_dma semaphore(%arg14 : memref<!tpu.dma_semaphore, #tpu.memory_space<semaphore_mem>>) src(%dma_wait3A_324 : memref<80x128xf32, #tpu.memory_space<vmem>>) dst(%dma_wait3A_333 : memref<10000x128xf32, #tpu.memory_space<vmem_shared>>)
      %dma_wait3A_334 = arith.constant 24 : i32
      %dma_wait3A_335 = arith.constant 80 : i32
      %dma_wait3A_336 = arith.constant 0 : i32
      %dma_wait3A_337 = tpu.memref_slice %arg9[%dma_wait3A_335, %dma_wait3A_336] : memref<240x128xf32, #tpu.memory_space<vmem>> -> memref<80x128xf32, #tpu.memory_space<vmem>>
      %dma_wait3A_338 = arith.constant 0 : i32
      %dma_wait3A_339 = arith.constant 0 : i32
      %dma_wait3A_340 = tpu.memref_slice %arg8[%dma_wait3A_338, %dma_wait3A_339] : memref<100x80xi32, #tpu.memory_space<vmem>> -> memref<25x80xi32, #tpu.memory_space<vmem>>
      %dma_wait3A_341 = arith.constant 0 : i32
      %dma_wait3A_342 = tpu.memref_slice %dma_wait3A_340[%dma_wait3A_334, %dma_wait3A_341] : memref<25x80xi32, #tpu.memory_space<vmem>> -> memref<1x80xi32, #tpu.memory_space<vmem>>
      %dma_wait3A_343 = tpu.memref_squeeze %dma_wait3A_342 : memref<1x80xi32, #tpu.memory_space<vmem>> -> memref<80xi32, #tpu.memory_space<vmem>>
      %dma_wait3A_344 = arith.constant 0 : i32
      %dma_wait3A_345 = arith.constant 0 : i32
      %dma_wait3A_346 = tpu.memref_slice %arg10[%dma_wait3A_344, %dma_wait3A_345] : memref<10000x128xf32, #tpu.memory_space<vmem_shared>> -> memref<10000x128xf32, #tpu.memory_space<vmem_shared>>
      tpu.wait_indirect_dma semaphore(%arg15 : memref<!tpu.dma_semaphore, #tpu.memory_space<semaphore_mem>>) src(%dma_wait3A_337 : memref<80x128xf32, #tpu.memory_space<vmem>>) dst(%dma_wait3A_346 : memref<10000x128xf32, #tpu.memory_space<vmem_shared>>)
      %scan3A_347 = arith.constant 0 : i32
      scf.yield %scan3A_347 : i32
    }
    %scan3A_12 = arith.constant 5 : i32
    %barrier3A_13 = arith.constant 0 : index
    tpu.barrier barrier_id(%barrier3A_13)
    %lt3A_14 = arith.constant 15 : i32
    %lt3A_15 = arith.cmpi slt, %arg1, %lt3A_14 : i32
    %convert_element_type3A_16 = arith.extui %lt3A_15 : i1 to i32
    %cond3A_17 = arith.constant 0 : i32
    %cond3A_18 = arith.cmpi ne, %convert_element_type3A_16, %cond3A_17 : i32
    scf.if %cond3A_18 {
      %mul3A_24 = arith.constant 632 : i32
      %mul3A_25 = arith.muli %arg1, %mul3A_24 : i32
      %mul3A_26 = arith.constant 632 : i32
      %mul3A_27 = arith.muli %arg1, %mul3A_26 : i32
      "tpu.region"() ({
        %run_scoped3A = tpu.sem_alloc : memref<!tpu.dma_semaphore, #tpu.memory_space<semaphore_mem>>
        %dma_start3A = arith.constant 0 : i32
        %dma_start3A_28 = tpu.memref_slice %arg7[%arg0, %mul3A_27, %dma_start3A] : memref<2x10000x128xf32, #tpu.memory_space<hbm>> -> memref<1x632x128xf32, #tpu.memory_space<hbm>>
        %dma_start3A_29 = tpu.memref_squeeze %dma_start3A_28 : memref<1x632x128xf32, #tpu.memory_space<hbm>> -> memref<632x128xf32, #tpu.memory_space<hbm>>
        %dma_start3A_30 = arith.constant 0 : i32
        %dma_start3A_31 = tpu.memref_slice %arg10[%mul3A_25, %dma_start3A_30] : memref<10000x128xf32, #tpu.memory_space<vmem_shared>> -> memref<632x128xf32, #tpu.memory_space<vmem_shared>>
        tpu.enqueue_dma source(%dma_start3A_31 : memref<632x128xf32, #tpu.memory_space<vmem_shared>>) target(%dma_start3A_29 : memref<632x128xf32, #tpu.memory_space<hbm>>) target_semaphore(%run_scoped3A : memref<!tpu.dma_semaphore, #tpu.memory_space<semaphore_mem>>)
        %dma_wait3A = arith.constant 0 : i32
        %dma_wait3A_32 = tpu.memref_slice %arg7[%arg0, %mul3A_27, %dma_wait3A] : memref<2x10000x128xf32, #tpu.memory_space<hbm>> -> memref<1x632x128xf32, #tpu.memory_space<hbm>>
        %dma_wait3A_33 = tpu.memref_squeeze %dma_wait3A_32 : memref<1x632x128xf32, #tpu.memory_space<hbm>> -> memref<632x128xf32, #tpu.memory_space<hbm>>
        %dma_wait3A_34 = arith.constant 0 : i32
        %dma_wait3A_35 = tpu.memref_slice %arg10[%mul3A_25, %dma_wait3A_34] : memref<10000x128xf32, #tpu.memory_space<vmem_shared>> -> memref<632x128xf32, #tpu.memory_space<vmem_shared>>
        tpu.wait_dma2 semaphore(%run_scoped3A : memref<!tpu.dma_semaphore, #tpu.memory_space<semaphore_mem>>) src(%dma_wait3A_35 : memref<632x128xf32, #tpu.memory_space<vmem_shared>>) dst(%dma_wait3A_33 : memref<632x128xf32, #tpu.memory_space<hbm>>)
        tpu.yield
      }) : () -> ()
    } else {
    }
    %eq3A_19 = arith.constant 15 : i32
    %eq3A_20 = arith.cmpi eq, %arg1, %eq3A_19 : i32
    %convert_element_type3A_21 = arith.extui %eq3A_20 : i1 to i32
    %cond3A_22 = arith.constant 0 : i32
    %cond3A_23 = arith.cmpi ne, %convert_element_type3A_21, %cond3A_22 : i32
    scf.if %cond3A_23 {
      %mul3A_24 = arith.constant 632 : i32
      %mul3A_25 = arith.muli %arg1, %mul3A_24 : i32
      %mul3A_26 = arith.constant 632 : i32
      %mul3A_27 = arith.muli %arg1, %mul3A_26 : i32
      "tpu.region"() ({
        %run_scoped3A = tpu.sem_alloc : memref<!tpu.dma_semaphore, #tpu.memory_space<semaphore_mem>>
        %dma_start3A = arith.constant 0 : i32
        %dma_start3A_28 = tpu.memref_slice %arg7[%arg0, %mul3A_27, %dma_start3A] : memref<2x10000x128xf32, #tpu.memory_space<hbm>> -> memref<1x520x128xf32, #tpu.memory_space<hbm>>
        %dma_start3A_29 = tpu.memref_squeeze %dma_start3A_28 : memref<1x520x128xf32, #tpu.memory_space<hbm>> -> memref<520x128xf32, #tpu.memory_space<hbm>>
        %dma_start3A_30 = arith.constant 0 : i32
        %dma_start3A_31 = tpu.memref_slice %arg10[%mul3A_25, %dma_start3A_30] : memref<10000x128xf32, #tpu.memory_space<vmem_shared>> -> memref<520x128xf32, #tpu.memory_space<vmem_shared>>
        tpu.enqueue_dma source(%dma_start3A_31 : memref<520x128xf32, #tpu.memory_space<vmem_shared>>) target(%dma_start3A_29 : memref<520x128xf32, #tpu.memory_space<hbm>>) target_semaphore(%run_scoped3A : memref<!tpu.dma_semaphore, #tpu.memory_space<semaphore_mem>>)
        %dma_wait3A = arith.constant 0 : i32
        %dma_wait3A_32 = tpu.memref_slice %arg7[%arg0, %mul3A_27, %dma_wait3A] : memref<2x10000x128xf32, #tpu.memory_space<hbm>> -> memref<1x520x128xf32, #tpu.memory_space<hbm>>
        %dma_wait3A_33 = tpu.memref_squeeze %dma_wait3A_32 : memref<1x520x128xf32, #tpu.memory_space<hbm>> -> memref<520x128xf32, #tpu.memory_space<hbm>>
        %dma_wait3A_34 = arith.constant 0 : i32
        %dma_wait3A_35 = tpu.memref_slice %arg10[%mul3A_25, %dma_wait3A_34] : memref<10000x128xf32, #tpu.memory_space<vmem_shared>> -> memref<520x128xf32, #tpu.memory_space<vmem_shared>>
        tpu.wait_dma2 semaphore(%run_scoped3A : memref<!tpu.dma_semaphore, #tpu.memory_space<semaphore_mem>>) src(%dma_wait3A_35 : memref<520x128xf32, #tpu.memory_space<vmem_shared>>) dst(%dma_wait3A_33 : memref<520x128xf32, #tpu.memory_space<hbm>>)
        tpu.yield
      }) : () -> ()
    } else {
    }
    return
  }
}

module attributes {stable_mosaic.version = 14 : i64} {
  func.func @_phase1_body(%arg0: i32, %arg1: memref<2000x128xf32, #tpu.memory_space<vmem>>, %arg2: memref<4x128x128xf32, #tpu.memory_space<vmem>>, %arg3: memref<9x4xf32, #tpu.memory_space<smem>>, %arg4: memref<8x2000x128xf32, #tpu.memory_space<vmem>>) attributes {dimension_semantics = [#tpu.dimension_semantics<arbitrary>], iteration_bounds = array<i64: 5>, scalar_prefetch = 0 : i64, scratch_operands = 0 : i64, tpu.core_type = #tpu.core_type<tc>, window_params = [{transform_indices = @transform_0, window_bounds = array<i64: 2000, 128>}, {pipeline_mode = #tpu.pipeline_mode<synchronous>, transform_indices = @transform_1, window_bounds = array<i64: 4, 128, 128>}, {transform_indices = @transform_2, window_bounds = array<i64: 9, 4>}, {transform_indices = @transform_3, window_bounds = array<i64: 8, 2000, 128>}]} {
    %get3A = arith.constant 0 : index
    %get3A_0 = arith.constant 0 : index
    %get3A_1 = vector.load %arg1[%get3A, %get3A_0] : memref<2000x128xf32, #tpu.memory_space<vmem>>, vector<2000x128xf32>
    %get3A_2 = arith.constant 0 : index
    %get3A_3 = arith.constant 0 : index
    %get3A_4 = arith.constant 0 : index
    %get3A_5 = vector.load %arg2[%get3A_2, %get3A_3, %get3A_4] : memref<4x128x128xf32, #tpu.memory_space<vmem>>, vector<1x128x128xf32>
    %get3A_6 = vector.shape_cast %get3A_5 : vector<1x128x128xf32> to vector<128x128xf32>
    %dot_general3A = arith.constant dense<0.000000e+00> : vector<2000x128xf32>
    %dot_general3A_7 = tpu.matmul %get3A_1, %get3A_6, %dot_general3A {dimension_numbers = #tpu.dot_dimension_numbers<[1], [0], [0], [1], [0, 0, 1, 1], [], []>, transpose_lhs_hint = false} : vector<2000x128xf32>, vector<128x128xf32>, vector<2000x128xf32> -> vector<2000x128xf32>
    %get3A_8 = arith.constant 1 : index
    %get3A_9 = arith.constant 0 : index
    %get3A_10 = arith.constant 0 : index
    %get3A_11 = vector.load %arg2[%get3A_8, %get3A_9, %get3A_10] : memref<4x128x128xf32, #tpu.memory_space<vmem>>, vector<1x128x128xf32>
    %get3A_12 = vector.shape_cast %get3A_11 : vector<1x128x128xf32> to vector<128x128xf32>
    %dot_general3A_13 = arith.constant dense<0.000000e+00> : vector<2000x128xf32>
    %dot_general3A_14 = tpu.matmul %get3A_1, %get3A_12, %dot_general3A_13 {dimension_numbers = #tpu.dot_dimension_numbers<[1], [0], [0], [1], [0, 0, 1, 1], [], []>, transpose_lhs_hint = false} : vector<2000x128xf32>, vector<128x128xf32>, vector<2000x128xf32> -> vector<2000x128xf32>
    %get3A_15 = arith.constant 2 : index
    %get3A_16 = arith.constant 0 : index
    %get3A_17 = arith.constant 0 : index
    %get3A_18 = vector.load %arg2[%get3A_15, %get3A_16, %get3A_17] : memref<4x128x128xf32, #tpu.memory_space<vmem>>, vector<1x128x128xf32>
    %get3A_19 = vector.shape_cast %get3A_18 : vector<1x128x128xf32> to vector<128x128xf32>
    %dot_general3A_20 = arith.constant dense<0.000000e+00> : vector<2000x128xf32>
    %dot_general3A_21 = tpu.matmul %get3A_1, %get3A_19, %dot_general3A_20 {dimension_numbers = #tpu.dot_dimension_numbers<[1], [0], [0], [1], [0, 0, 1, 1], [], []>, transpose_lhs_hint = false} : vector<2000x128xf32>, vector<128x128xf32>, vector<2000x128xf32> -> vector<2000x128xf32>
    %get3A_22 = arith.constant 3 : index
    %get3A_23 = arith.constant 0 : index
    %get3A_24 = arith.constant 0 : index
    %get3A_25 = vector.load %arg2[%get3A_22, %get3A_23, %get3A_24] : memref<4x128x128xf32, #tpu.memory_space<vmem>>, vector<1x128x128xf32>
    %get3A_26 = vector.shape_cast %get3A_25 : vector<1x128x128xf32> to vector<128x128xf32>
    %dot_general3A_27 = arith.constant dense<0.000000e+00> : vector<2000x128xf32>
    %dot_general3A_28 = tpu.matmul %get3A_1, %get3A_26, %dot_general3A_27 {dimension_numbers = #tpu.dot_dimension_numbers<[1], [0], [0], [1], [0, 0, 1, 1], [], []>, transpose_lhs_hint = false} : vector<2000x128xf32>, vector<128x128xf32>, vector<2000x128xf32> -> vector<2000x128xf32>
    %get3A_29 = arith.constant 0 : index
    %get3A_30 = arith.constant 0 : index
    %get3A_31 = memref.load %arg3[%get3A_29, %get3A_30] : memref<9x4xf32, #tpu.memory_space<smem>>
    %mul3A = vector.broadcast %get3A_31 : f32 to vector<2000x128xf32>
    %mul3A_32 = arith.mulf %dot_general3A_7, %mul3A : vector<2000x128xf32>
    %get3A_33 = arith.constant 0 : index
    %get3A_34 = arith.constant 1 : index
    %get3A_35 = memref.load %arg3[%get3A_33, %get3A_34] : memref<9x4xf32, #tpu.memory_space<smem>>
    %mul3A_36 = vector.broadcast %get3A_35 : f32 to vector<2000x128xf32>
    %mul3A_37 = arith.mulf %dot_general3A_14, %mul3A_36 : vector<2000x128xf32>
    %add3A = arith.addf %mul3A_32, %mul3A_37 : vector<2000x128xf32>
    %get3A_38 = arith.constant 0 : index
    %get3A_39 = arith.constant 2 : index
    %get3A_40 = memref.load %arg3[%get3A_38, %get3A_39] : memref<9x4xf32, #tpu.memory_space<smem>>
    %mul3A_41 = vector.broadcast %get3A_40 : f32 to vector<2000x128xf32>
    %mul3A_42 = arith.mulf %dot_general3A_21, %mul3A_41 : vector<2000x128xf32>
    %add3A_43 = arith.addf %add3A, %mul3A_42 : vector<2000x128xf32>
    %get3A_44 = arith.constant 0 : index
    %get3A_45 = arith.constant 3 : index
    %get3A_46 = memref.load %arg3[%get3A_44, %get3A_45] : memref<9x4xf32, #tpu.memory_space<smem>>
    %mul3A_47 = vector.broadcast %get3A_46 : f32 to vector<2000x128xf32>
    %mul3A_48 = arith.mulf %dot_general3A_28, %mul3A_47 : vector<2000x128xf32>
    %add3A_49 = arith.addf %add3A_43, %mul3A_48 : vector<2000x128xf32>
    %swap3A = arith.constant 0 : index
    %swap3A_50 = arith.constant 0 : index
    %swap3A_51 = arith.constant 0 : index
    %swap3A_52 = vector.load %arg4[%swap3A, %swap3A_50, %swap3A_51] : memref<8x2000x128xf32, #tpu.memory_space<vmem>>, vector<1x2000x128xf32>
    %swap3A_53 = vector.shape_cast %swap3A_52 : vector<1x2000x128xf32> to vector<2000x128xf32>
    %swap3A_54 = vector.shape_cast %add3A_49 : vector<2000x128xf32> to vector<1x2000x128xf32>
    tpu.vector_store %arg4[%swap3A, %swap3A_50, %swap3A_51], %swap3A_54 {strides = array<i32>} : memref<8x2000x128xf32, #tpu.memory_space<vmem>>, vector<1x2000x128xf32>,
    %get3A_55 = arith.constant 1 : index
    %get3A_56 = arith.constant 0 : index
    %get3A_57 = memref.load %arg3[%get3A_55, %get3A_56] : memref<9x4xf32, #tpu.memory_space<smem>>
    %mul3A_58 = vector.broadcast %get3A_57 : f32 to vector<2000x128xf32>
    %mul3A_59 = arith.mulf %dot_general3A_7, %mul3A_58 : vector<2000x128xf32>
    %get3A_60 = arith.constant 1 : index
    %get3A_61 = arith.constant 1 : index
    %get3A_62 = memref.load %arg3[%get3A_60, %get3A_61] : memref<9x4xf32, #tpu.memory_space<smem>>
    %mul3A_63 = vector.broadcast %get3A_62 : f32 to vector<2000x128xf32>
    %mul3A_64 = arith.mulf %dot_general3A_14, %mul3A_63 : vector<2000x128xf32>
    %add3A_65 = arith.addf %mul3A_59, %mul3A_64 : vector<2000x128xf32>
    %get3A_66 = arith.constant 1 : index
    %get3A_67 = arith.constant 2 : index
    %get3A_68 = memref.load %arg3[%get3A_66, %get3A_67] : memref<9x4xf32, #tpu.memory_space<smem>>
    %mul3A_69 = vector.broadcast %get3A_68 : f32 to vector<2000x128xf32>
    %mul3A_70 = arith.mulf %dot_general3A_21, %mul3A_69 : vector<2000x128xf32>
    %add3A_71 = arith.addf %add3A_65, %mul3A_70 : vector<2000x128xf32>
    %get3A_72 = arith.constant 1 : index
    %get3A_73 = arith.constant 3 : index
    %get3A_74 = memref.load %arg3[%get3A_72, %get3A_73] : memref<9x4xf32, #tpu.memory_space<smem>>
    %mul3A_75 = vector.broadcast %get3A_74 : f32 to vector<2000x128xf32>
    %mul3A_76 = arith.mulf %dot_general3A_28, %mul3A_75 : vector<2000x128xf32>
    %add3A_77 = arith.addf %add3A_71, %mul3A_76 : vector<2000x128xf32>
    %swap3A_78 = arith.constant 1 : index
    %swap3A_79 = arith.constant 0 : index
    %swap3A_80 = arith.constant 0 : index
    %swap3A_81 = vector.load %arg4[%swap3A_78, %swap3A_79, %swap3A_80] : memref<8x2000x128xf32, #tpu.memory_space<vmem>>, vector<1x2000x128xf32>
    %swap3A_82 = vector.shape_cast %swap3A_81 : vector<1x2000x128xf32> to vector<2000x128xf32>
    %swap3A_83 = vector.shape_cast %add3A_77 : vector<2000x128xf32> to vector<1x2000x128xf32>
    tpu.vector_store %arg4[%swap3A_78, %swap3A_79, %swap3A_80], %swap3A_83 {strides = array<i32>} : memref<8x2000x128xf32, #tpu.memory_space<vmem>>, vector<1x2000x128xf32>,
    %get3A_84 = arith.constant 2 : index
    %get3A_85 = arith.constant 0 : index
    %get3A_86 = memref.load %arg3[%get3A_84, %get3A_85] : memref<9x4xf32, #tpu.memory_space<smem>>
    %mul3A_87 = vector.broadcast %get3A_86 : f32 to vector<2000x128xf32>
    %mul3A_88 = arith.mulf %dot_general3A_7, %mul3A_87 : vector<2000x128xf32>
    %get3A_89 = arith.constant 2 : index
    %get3A_90 = arith.constant 1 : index
    %get3A_91 = memref.load %arg3[%get3A_89, %get3A_90] : memref<9x4xf32, #tpu.memory_space<smem>>
    %mul3A_92 = vector.broadcast %get3A_91 : f32 to vector<2000x128xf32>
    %mul3A_93 = arith.mulf %dot_general3A_14, %mul3A_92 : vector<2000x128xf32>
    %add3A_94 = arith.addf %mul3A_88, %mul3A_93 : vector<2000x128xf32>
    %get3A_95 = arith.constant 2 : index
    %get3A_96 = arith.constant 2 : index
    %get3A_97 = memref.load %arg3[%get3A_95, %get3A_96] : memref<9x4xf32, #tpu.memory_space<smem>>
    %mul3A_98 = vector.broadcast %get3A_97 : f32 to vector<2000x128xf32>
    %mul3A_99 = arith.mulf %dot_general3A_21, %mul3A_98 : vector<2000x128xf32>
    %add3A_100 = arith.addf %add3A_94, %mul3A_99 : vector<2000x128xf32>
    %get3A_101 = arith.constant 2 : index
    %get3A_102 = arith.constant 3 : index
    %get3A_103 = memref.load %arg3[%get3A_101, %get3A_102] : memref<9x4xf32, #tpu.memory_space<smem>>
    %mul3A_104 = vector.broadcast %get3A_103 : f32 to vector<2000x128xf32>
    %mul3A_105 = arith.mulf %dot_general3A_28, %mul3A_104 : vector<2000x128xf32>
    %add3A_106 = arith.addf %add3A_100, %mul3A_105 : vector<2000x128xf32>
    %swap3A_107 = arith.constant 2 : index
    %swap3A_108 = arith.constant 0 : index
    %swap3A_109 = arith.constant 0 : index
    %swap3A_110 = vector.load %arg4[%swap3A_107, %swap3A_108, %swap3A_109] : memref<8x2000x128xf32, #tpu.memory_space<vmem>>, vector<1x2000x128xf32>
    %swap3A_111 = vector.shape_cast %swap3A_110 : vector<1x2000x128xf32> to vector<2000x128xf32>
    %swap3A_112 = vector.shape_cast %add3A_106 : vector<2000x128xf32> to vector<1x2000x128xf32>
    tpu.vector_store %arg4[%swap3A_107, %swap3A_108, %swap3A_109], %swap3A_112 {strides = array<i32>} : memref<8x2000x128xf32, #tpu.memory_space<vmem>>, vector<1x2000x128xf32>,
    %get3A_113 = arith.constant 3 : index
    %get3A_114 = arith.constant 0 : index
    %get3A_115 = memref.load %arg3[%get3A_113, %get3A_114] : memref<9x4xf32, #tpu.memory_space<smem>>
    %mul3A_116 = vector.broadcast %get3A_115 : f32 to vector<2000x128xf32>
    %mul3A_117 = arith.mulf %dot_general3A_7, %mul3A_116 : vector<2000x128xf32>
    %get3A_118 = arith.constant 3 : index
    %get3A_119 = arith.constant 1 : index
    %get3A_120 = memref.load %arg3[%get3A_118, %get3A_119] : memref<9x4xf32, #tpu.memory_space<smem>>
    %mul3A_121 = vector.broadcast %get3A_120 : f32 to vector<2000x128xf32>
    %mul3A_122 = arith.mulf %dot_general3A_14, %mul3A_121 : vector<2000x128xf32>
    %add3A_123 = arith.addf %mul3A_117, %mul3A_122 : vector<2000x128xf32>
    %get3A_124 = arith.constant 3 : index
    %get3A_125 = arith.constant 2 : index
    %get3A_126 = memref.load %arg3[%get3A_124, %get3A_125] : memref<9x4xf32, #tpu.memory_space<smem>>
    %mul3A_127 = vector.broadcast %get3A_126 : f32 to vector<2000x128xf32>
    %mul3A_128 = arith.mulf %dot_general3A_21, %mul3A_127 : vector<2000x128xf32>
    %add3A_129 = arith.addf %add3A_123, %mul3A_128 : vector<2000x128xf32>
    %get3A_130 = arith.constant 3 : index
    %get3A_131 = arith.constant 3 : index
    %get3A_132 = memref.load %arg3[%get3A_130, %get3A_131] : memref<9x4xf32, #tpu.memory_space<smem>>
    %mul3A_133 = vector.broadcast %get3A_132 : f32 to vector<2000x128xf32>
    %mul3A_134 = arith.mulf %dot_general3A_28, %mul3A_133 : vector<2000x128xf32>
    %add3A_135 = arith.addf %add3A_129, %mul3A_134 : vector<2000x128xf32>
    %swap3A_136 = arith.constant 3 : index
    %swap3A_137 = arith.constant 0 : index
    %swap3A_138 = arith.constant 0 : index
    %swap3A_139 = vector.load %arg4[%swap3A_136, %swap3A_137, %swap3A_138] : memref<8x2000x128xf32, #tpu.memory_space<vmem>>, vector<1x2000x128xf32>
    %swap3A_140 = vector.shape_cast %swap3A_139 : vector<1x2000x128xf32> to vector<2000x128xf32>
    %swap3A_141 = vector.shape_cast %add3A_135 : vector<2000x128xf32> to vector<1x2000x128xf32>
    tpu.vector_store %arg4[%swap3A_136, %swap3A_137, %swap3A_138], %swap3A_141 {strides = array<i32>} : memref<8x2000x128xf32, #tpu.memory_space<vmem>>, vector<1x2000x128xf32>,
    %get3A_142 = arith.constant 4 : index
    %get3A_143 = arith.constant 0 : index
    %get3A_144 = memref.load %arg3[%get3A_142, %get3A_143] : memref<9x4xf32, #tpu.memory_space<smem>>
    %mul3A_145 = vector.broadcast %get3A_144 : f32 to vector<2000x128xf32>
    %mul3A_146 = arith.mulf %dot_general3A_7, %mul3A_145 : vector<2000x128xf32>
    %get3A_147 = arith.constant 4 : index
    %get3A_148 = arith.constant 1 : index
    %get3A_149 = memref.load %arg3[%get3A_147, %get3A_148] : memref<9x4xf32, #tpu.memory_space<smem>>
    %mul3A_150 = vector.broadcast %get3A_149 : f32 to vector<2000x128xf32>
    %mul3A_151 = arith.mulf %dot_general3A_14, %mul3A_150 : vector<2000x128xf32>
    %add3A_152 = arith.addf %mul3A_146, %mul3A_151 : vector<2000x128xf32>
    %get3A_153 = arith.constant 4 : index
    %get3A_154 = arith.constant 2 : index
    %get3A_155 = memref.load %arg3[%get3A_153, %get3A_154] : memref<9x4xf32, #tpu.memory_space<smem>>
    %mul3A_156 = vector.broadcast %get3A_155 : f32 to vector<2000x128xf32>
    %mul3A_157 = arith.mulf %dot_general3A_21, %mul3A_156 : vector<2000x128xf32>
    %add3A_158 = arith.addf %add3A_152, %mul3A_157 : vector<2000x128xf32>
    %get3A_159 = arith.constant 4 : index
    %get3A_160 = arith.constant 3 : index
    %get3A_161 = memref.load %arg3[%get3A_159, %get3A_160] : memref<9x4xf32, #tpu.memory_space<smem>>
    %mul3A_162 = vector.broadcast %get3A_161 : f32 to vector<2000x128xf32>
    %mul3A_163 = arith.mulf %dot_general3A_28, %mul3A_162 : vector<2000x128xf32>
    %add3A_164 = arith.addf %add3A_158, %mul3A_163 : vector<2000x128xf32>
    %swap3A_165 = arith.constant 4 : index
    %swap3A_166 = arith.constant 0 : index
    %swap3A_167 = arith.constant 0 : index
    %swap3A_168 = vector.load %arg4[%swap3A_165, %swap3A_166, %swap3A_167] : memref<8x2000x128xf32, #tpu.memory_space<vmem>>, vector<1x2000x128xf32>
    %swap3A_169 = vector.shape_cast %swap3A_168 : vector<1x2000x128xf32> to vector<2000x128xf32>
    %swap3A_170 = vector.shape_cast %add3A_164 : vector<2000x128xf32> to vector<1x2000x128xf32>
    tpu.vector_store %arg4[%swap3A_165, %swap3A_166, %swap3A_167], %swap3A_170 {strides = array<i32>} : memref<8x2000x128xf32, #tpu.memory_space<vmem>>, vector<1x2000x128xf32>,
    %get3A_171 = arith.constant 5 : index
    %get3A_172 = arith.constant 0 : index
    %get3A_173 = memref.load %arg3[%get3A_171, %get3A_172] : memref<9x4xf32, #tpu.memory_space<smem>>
    %mul3A_174 = vector.broadcast %get3A_173 : f32 to vector<2000x128xf32>
    %mul3A_175 = arith.mulf %dot_general3A_7, %mul3A_174 : vector<2000x128xf32>
    %get3A_176 = arith.constant 5 : index
    %get3A_177 = arith.constant 1 : index
    %get3A_178 = memref.load %arg3[%get3A_176, %get3A_177] : memref<9x4xf32, #tpu.memory_space<smem>>
    %mul3A_179 = vector.broadcast %get3A_178 : f32 to vector<2000x128xf32>
    %mul3A_180 = arith.mulf %dot_general3A_14, %mul3A_179 : vector<2000x128xf32>
    %add3A_181 = arith.addf %mul3A_175, %mul3A_180 : vector<2000x128xf32>
    %get3A_182 = arith.constant 5 : index
    %get3A_183 = arith.constant 2 : index
    %get3A_184 = memref.load %arg3[%get3A_182, %get3A_183] : memref<9x4xf32, #tpu.memory_space<smem>>
    %mul3A_185 = vector.broadcast %get3A_184 : f32 to vector<2000x128xf32>
    %mul3A_186 = arith.mulf %dot_general3A_21, %mul3A_185 : vector<2000x128xf32>
    %add3A_187 = arith.addf %add3A_181, %mul3A_186 : vector<2000x128xf32>
    %get3A_188 = arith.constant 5 : index
    %get3A_189 = arith.constant 3 : index
    %get3A_190 = memref.load %arg3[%get3A_188, %get3A_189] : memref<9x4xf32, #tpu.memory_space<smem>>
    %mul3A_191 = vector.broadcast %get3A_190 : f32 to vector<2000x128xf32>
    %mul3A_192 = arith.mulf %dot_general3A_28, %mul3A_191 : vector<2000x128xf32>
    %add3A_193 = arith.addf %add3A_187, %mul3A_192 : vector<2000x128xf32>
    %swap3A_194 = arith.constant 5 : index
    %swap3A_195 = arith.constant 0 : index
    %swap3A_196 = arith.constant 0 : index
    %swap3A_197 = vector.load %arg4[%swap3A_194, %swap3A_195, %swap3A_196] : memref<8x2000x128xf32, #tpu.memory_space<vmem>>, vector<1x2000x128xf32>
    %swap3A_198 = vector.shape_cast %swap3A_197 : vector<1x2000x128xf32> to vector<2000x128xf32>
    %swap3A_199 = vector.shape_cast %add3A_193 : vector<2000x128xf32> to vector<1x2000x128xf32>
    tpu.vector_store %arg4[%swap3A_194, %swap3A_195, %swap3A_196], %swap3A_199 {strides = array<i32>} : memref<8x2000x128xf32, #tpu.memory_space<vmem>>, vector<1x2000x128xf32>,
    %get3A_200 = arith.constant 6 : index
    %get3A_201 = arith.constant 0 : index
    %get3A_202 = memref.load %arg3[%get3A_200, %get3A_201] : memref<9x4xf32, #tpu.memory_space<smem>>
    %mul3A_203 = vector.broadcast %get3A_202 : f32 to vector<2000x128xf32>
    %mul3A_204 = arith.mulf %dot_general3A_7, %mul3A_203 : vector<2000x128xf32>
    %get3A_205 = arith.constant 6 : index
    %get3A_206 = arith.constant 1 : index
    %get3A_207 = memref.load %arg3[%get3A_205, %get3A_206] : memref<9x4xf32, #tpu.memory_space<smem>>
    %mul3A_208 = vector.broadcast %get3A_207 : f32 to vector<2000x128xf32>
    %mul3A_209 = arith.mulf %dot_general3A_14, %mul3A_208 : vector<2000x128xf32>
    %add3A_210 = arith.addf %mul3A_204, %mul3A_209 : vector<2000x128xf32>
    %get3A_211 = arith.constant 6 : index
    %get3A_212 = arith.constant 2 : index
    %get3A_213 = memref.load %arg3[%get3A_211, %get3A_212] : memref<9x4xf32, #tpu.memory_space<smem>>
    %mul3A_214 = vector.broadcast %get3A_213 : f32 to vector<2000x128xf32>
    %mul3A_215 = arith.mulf %dot_general3A_21, %mul3A_214 : vector<2000x128xf32>
    %add3A_216 = arith.addf %add3A_210, %mul3A_215 : vector<2000x128xf32>
    %get3A_217 = arith.constant 6 : index
    %get3A_218 = arith.constant 3 : index
    %get3A_219 = memref.load %arg3[%get3A_217, %get3A_218] : memref<9x4xf32, #tpu.memory_space<smem>>
    %mul3A_220 = vector.broadcast %get3A_219 : f32 to vector<2000x128xf32>
    %mul3A_221 = arith.mulf %dot_general3A_28, %mul3A_220 : vector<2000x128xf32>
    %add3A_222 = arith.addf %add3A_216, %mul3A_221 : vector<2000x128xf32>
    %swap3A_223 = arith.constant 6 : index
    %swap3A_224 = arith.constant 0 : index
    %swap3A_225 = arith.constant 0 : index
    %swap3A_226 = vector.load %arg4[%swap3A_223, %swap3A_224, %swap3A_225] : memref<8x2000x128xf32, #tpu.memory_space<vmem>>, vector<1x2000x128xf32>
    %swap3A_227 = vector.shape_cast %swap3A_226 : vector<1x2000x128xf32> to vector<2000x128xf32>
    %swap3A_228 = vector.shape_cast %add3A_222 : vector<2000x128xf32> to vector<1x2000x128xf32>
    tpu.vector_store %arg4[%swap3A_223, %swap3A_224, %swap3A_225], %swap3A_228 {strides = array<i32>} : memref<8x2000x128xf32, #tpu.memory_space<vmem>>, vector<1x2000x128xf32>,
    %get3A_229 = arith.constant 7 : index
    %get3A_230 = arith.constant 0 : index
    %get3A_231 = memref.load %arg3[%get3A_229, %get3A_230] : memref<9x4xf32, #tpu.memory_space<smem>>
    %mul3A_232 = vector.broadcast %get3A_231 : f32 to vector<2000x128xf32>
    %mul3A_233 = arith.mulf %dot_general3A_7, %mul3A_232 : vector<2000x128xf32>
    %get3A_234 = arith.constant 7 : index
    %get3A_235 = arith.constant 1 : index
    %get3A_236 = memref.load %arg3[%get3A_234, %get3A_235] : memref<9x4xf32, #tpu.memory_space<smem>>
    %mul3A_237 = vector.broadcast %get3A_236 : f32 to vector<2000x128xf32>
    %mul3A_238 = arith.mulf %dot_general3A_14, %mul3A_237 : vector<2000x128xf32>
    %add3A_239 = arith.addf %mul3A_233, %mul3A_238 : vector<2000x128xf32>
    %get3A_240 = arith.constant 7 : index
    %get3A_241 = arith.constant 2 : index
    %get3A_242 = memref.load %arg3[%get3A_240, %get3A_241] : memref<9x4xf32, #tpu.memory_space<smem>>
    %mul3A_243 = vector.broadcast %get3A_242 : f32 to vector<2000x128xf32>
    %mul3A_244 = arith.mulf %dot_general3A_21, %mul3A_243 : vector<2000x128xf32>
    %add3A_245 = arith.addf %add3A_239, %mul3A_244 : vector<2000x128xf32>
    %get3A_246 = arith.constant 7 : index
    %get3A_247 = arith.constant 3 : index
    %get3A_248 = memref.load %arg3[%get3A_246, %get3A_247] : memref<9x4xf32, #tpu.memory_space<smem>>
    %mul3A_249 = vector.broadcast %get3A_248 : f32 to vector<2000x128xf32>
    %mul3A_250 = arith.mulf %dot_general3A_28, %mul3A_249 : vector<2000x128xf32>
    %add3A_251 = arith.addf %add3A_245, %mul3A_250 : vector<2000x128xf32>
    %swap3A_252 = arith.constant 7 : index
    %swap3A_253 = arith.constant 0 : index
    %swap3A_254 = arith.constant 0 : index
    %swap3A_255 = vector.load %arg4[%swap3A_252, %swap3A_253, %swap3A_254] : memref<8x2000x128xf32, #tpu.memory_space<vmem>>, vector<1x2000x128xf32>
    %swap3A_256 = vector.shape_cast %swap3A_255 : vector<1x2000x128xf32> to vector<2000x128xf32>
    %swap3A_257 = vector.shape_cast %add3A_251 : vector<2000x128xf32> to vector<1x2000x128xf32>
    tpu.vector_store %arg4[%swap3A_252, %swap3A_253, %swap3A_254], %swap3A_257 {strides = array<i32>} : memref<8x2000x128xf32, #tpu.memory_space<vmem>>, vector<1x2000x128xf32>,
    return
  }
  func.func @transform_0(%arg0: i32) -> (i32, i32) {
    %c0_i32 = arith.constant 0 : i32
    %c0_i32_0 = arith.constant 0 : i32
    return %arg0, %c0_i32 : i32, i32
  }
  func.func @transform_1(%arg0: i32) -> (i32, i32, i32) {
    %c0_i32 = arith.constant 0 : i32
    %c0_i32_0 = arith.constant 0 : i32
    %c0_i32_1 = arith.constant 0 : i32
    %c0_i32_2 = arith.constant 0 : i32
    return %c0_i32, %c0_i32_0, %c0_i32_1 : i32, i32, i32
  }
  func.func @transform_2(%arg0: i32) -> (i32, i32) {
    %c0_i32 = arith.constant 0 : i32
    %c0_i32_0 = arith.constant 0 : i32
    %c0_i32_1 = arith.constant 0 : i32
    return %c0_i32, %c0_i32_0 : i32, i32
  }
  func.func @transform_3(%arg0: i32) -> (i32, i32, i32) {
    %c0_i32 = arith.constant 0 : i32
    %c0_i32_0 = arith.constant 0 : i32
    %c0_i32_1 = arith.constant 0 : i32
    return %c0_i32, %arg0, %c0_i32_0 : i32, i32, i32
  }
}

module attributes {stable_mosaic.version = 14 : i64} {
  func.func @_phase3_body(%arg0: i32, %arg1: memref<2000x128xf32, #tpu.memory_space<vmem>>, %arg2: memref<4x128x128xf32, #tpu.memory_space<vmem>>, %arg3: memref<9x4xf32, #tpu.memory_space<smem>>, %arg4: memref<2000x1xf32, #tpu.memory_space<vmem>>, %arg5: memref<2x2000x128xf32, #tpu.memory_space<vmem>>, %arg6: memref<2000x128xf32, #tpu.memory_space<vmem>>) attributes {dimension_semantics = [#tpu.dimension_semantics<arbitrary>], iteration_bounds = array<i64: 5>, scalar_prefetch = 0 : i64, scratch_operands = 0 : i64, tpu.core_type = #tpu.core_type<tc>, window_params = [{transform_indices = @transform_0, window_bounds = array<i64: 2000, 128>}, {pipeline_mode = #tpu.pipeline_mode<synchronous>, transform_indices = @transform_1, window_bounds = array<i64: 4, 128, 128>}, {transform_indices = @transform_2, window_bounds = array<i64: 9, 4>}, {transform_indices = @transform_3, window_bounds = array<i64: 2000, 1>}, {transform_indices = @transform_4, window_bounds = array<i64: 2, 2000, 128>}, {transform_indices = @transform_5, window_bounds = array<i64: 2000, 128>}]} {
    %get3A = arith.constant 0 : index
    %get3A_0 = arith.constant 0 : index
    %get3A_1 = arith.constant 0 : index
    %get3A_2 = vector.load %arg2[%get3A, %get3A_0, %get3A_1] : memref<4x128x128xf32, #tpu.memory_space<vmem>>, vector<1x128x128xf32>
    %get3A_3 = vector.shape_cast %get3A_2 : vector<1x128x128xf32> to vector<128x128xf32>
    %get3A_4 = arith.constant 8 : index
    %get3A_5 = arith.constant 0 : index
    %get3A_6 = memref.load %arg3[%get3A_4, %get3A_5] : memref<9x4xf32, #tpu.memory_space<smem>>
    %mul3A = vector.broadcast %get3A_6 : f32 to vector<128x128xf32>
    %mul3A_7 = arith.mulf %get3A_3, %mul3A : vector<128x128xf32>
    %get3A_8 = arith.constant 1 : index
    %get3A_9 = arith.constant 0 : index
    %get3A_10 = arith.constant 0 : index
    %get3A_11 = vector.load %arg2[%get3A_8, %get3A_9, %get3A_10] : memref<4x128x128xf32, #tpu.memory_space<vmem>>, vector<1x128x128xf32>
    %get3A_12 = vector.shape_cast %get3A_11 : vector<1x128x128xf32> to vector<128x128xf32>
    %get3A_13 = arith.constant 8 : index
    %get3A_14 = arith.constant 1 : index
    %get3A_15 = memref.load %arg3[%get3A_13, %get3A_14] : memref<9x4xf32, #tpu.memory_space<smem>>
    %mul3A_16 = vector.broadcast %get3A_15 : f32 to vector<128x128xf32>
    %mul3A_17 = arith.mulf %get3A_12, %mul3A_16 : vector<128x128xf32>
    %add3A = arith.addf %mul3A_7, %mul3A_17 : vector<128x128xf32>
    %get3A_18 = arith.constant 2 : index
    %get3A_19 = arith.constant 0 : index
    %get3A_20 = arith.constant 0 : index
    %get3A_21 = vector.load %arg2[%get3A_18, %get3A_19, %get3A_20] : memref<4x128x128xf32, #tpu.memory_space<vmem>>, vector<1x128x128xf32>
    %get3A_22 = vector.shape_cast %get3A_21 : vector<1x128x128xf32> to vector<128x128xf32>
    %get3A_23 = arith.constant 8 : index
    %get3A_24 = arith.constant 2 : index
    %get3A_25 = memref.load %arg3[%get3A_23, %get3A_24] : memref<9x4xf32, #tpu.memory_space<smem>>
    %mul3A_26 = vector.broadcast %get3A_25 : f32 to vector<128x128xf32>
    %mul3A_27 = arith.mulf %get3A_22, %mul3A_26 : vector<128x128xf32>
    %add3A_28 = arith.addf %add3A, %mul3A_27 : vector<128x128xf32>
    %get3A_29 = arith.constant 3 : index
    %get3A_30 = arith.constant 0 : index
    %get3A_31 = arith.constant 0 : index
    %get3A_32 = vector.load %arg2[%get3A_29, %get3A_30, %get3A_31] : memref<4x128x128xf32, #tpu.memory_space<vmem>>, vector<1x128x128xf32>
    %get3A_33 = vector.shape_cast %get3A_32 : vector<1x128x128xf32> to vector<128x128xf32>
    %get3A_34 = arith.constant 8 : index
    %get3A_35 = arith.constant 3 : index
    %get3A_36 = memref.load %arg3[%get3A_34, %get3A_35] : memref<9x4xf32, #tpu.memory_space<smem>>
    %mul3A_37 = vector.broadcast %get3A_36 : f32 to vector<128x128xf32>
    %mul3A_38 = arith.mulf %get3A_33, %mul3A_37 : vector<128x128xf32>
    %add3A_39 = arith.addf %add3A_28, %mul3A_38 : vector<128x128xf32>
    %get3A_40 = arith.constant 0 : index
    %get3A_41 = arith.constant 0 : index
    %get3A_42 = vector.load %arg1[%get3A_40, %get3A_41] : memref<2000x128xf32, #tpu.memory_space<vmem>>, vector<2000x128xf32>
    %dot_general3A = arith.constant dense<0.000000e+00> : vector<2000x128xf32>
    %dot_general3A_43 = tpu.matmul %get3A_42, %add3A_39, %dot_general3A {dimension_numbers = #tpu.dot_dimension_numbers<[1], [0], [0], [1], [0, 0, 1, 1], [], []>, transpose_lhs_hint = false} : vector<2000x128xf32>, vector<128x128xf32>, vector<2000x128xf32> -> vector<2000x128xf32>
    %get3A_44 = arith.constant 0 : index
    %get3A_45 = arith.constant 0 : index
    %get3A_46 = vector.load %arg4[%get3A_44, %get3A_45] : memref<2000x1xf32, #tpu.memory_space<vmem>>, vector<2000x1xf32>
    %mul3A_47 = vector.broadcast %get3A_46 : vector<2000x1xf32> to vector<2000x128xf32>
    %mul3A_48 = arith.mulf %dot_general3A_43, %mul3A_47 : vector<2000x128xf32>
    %get3A_49 = arith.constant 0 : index
    %get3A_50 = arith.constant 0 : index
    %get3A_51 = arith.constant 0 : index
    %get3A_52 = vector.load %arg5[%get3A_49, %get3A_50, %get3A_51] : memref<2x2000x128xf32, #tpu.memory_space<vmem>>, vector<1x2000x128xf32>
    %get3A_53 = vector.shape_cast %get3A_52 : vector<1x2000x128xf32> to vector<2000x128xf32>
    %add3A_54 = arith.addf %mul3A_48, %get3A_53 : vector<2000x128xf32>
    %get3A_55 = arith.constant 1 : index
    %get3A_56 = arith.constant 0 : index
    %get3A_57 = arith.constant 0 : index
    %get3A_58 = vector.load %arg5[%get3A_55, %get3A_56, %get3A_57] : memref<2x2000x128xf32, #tpu.memory_space<vmem>>, vector<1x2000x128xf32>
    %get3A_59 = vector.shape_cast %get3A_58 : vector<1x2000x128xf32> to vector<2000x128xf32>
    %add3A_60 = arith.addf %add3A_54, %get3A_59 : vector<2000x128xf32>
    %swap3A = arith.constant 0 : index
    %swap3A_61 = arith.constant 0 : index
    %swap3A_62 = vector.load %arg6[%swap3A, %swap3A_61] : memref<2000x128xf32, #tpu.memory_space<vmem>>, vector<2000x128xf32>
    tpu.vector_store %arg6[%swap3A, %swap3A_61], %add3A_60 {strides = array<i32>} : memref<2000x128xf32, #tpu.memory_space<vmem>>, vector<2000x128xf32>,
    return
  }
  func.func @transform_0(%arg0: i32) -> (i32, i32) {
    %c0_i32 = arith.constant 0 : i32
    %c0_i32_0 = arith.constant 0 : i32
    return %arg0, %c0_i32 : i32, i32
  }
  func.func @transform_1(%arg0: i32) -> (i32, i32, i32) {
    %c0_i32 = arith.constant 0 : i32
    %c0_i32_0 = arith.constant 0 : i32
    %c0_i32_1 = arith.constant 0 : i32
    %c0_i32_2 = arith.constant 0 : i32
    return %c0_i32, %c0_i32_0, %c0_i32_1 : i32, i32, i32
  }
  func.func @transform_2(%arg0: i32) -> (i32, i32) {
    %c0_i32 = arith.constant 0 : i32
    %c0_i32_0 = arith.constant 0 : i32
    %c0_i32_1 = arith.constant 0 : i32
    return %c0_i32, %c0_i32_0 : i32, i32
  }
  func.func @transform_3(%arg0: i32) -> (i32, i32) {
    %c0_i32 = arith.constant 0 : i32
    %c0_i32_0 = arith.constant 0 : i32
    return %arg0, %c0_i32 : i32, i32
  }
  func.func @transform_4(%arg0: i32) -> (i32, i32, i32) {
    %c0_i32 = arith.constant 0 : i32
    %c0_i32_0 = arith.constant 0 : i32
    %c0_i32_1 = arith.constant 0 : i32
    return %c0_i32, %arg0, %c0_i32_0 : i32, i32, i32
  }
  func.func @transform_5(%arg0: i32) -> (i32, i32) {
    %c0_i32 = arith.constant 0 : i32
    %c0_i32_0 = arith.constant 0 : i32
    return %arg0, %c0_i32 : i32, i32
  }
}

</mosaic_0001>

<sc_bundles>
// kernel: kernel.5.cloned.1.call-start
scs
__scs_entry_jumppad:
0x0: {  	(pc) =	sbr.rel $0x88, $3  }
0x1: {  	(tag) =	ssettag $0x0;
	lr =	simm.s32 $0x1  }
0x2: {  	[smem:$0x3F9A] =	sst lr;
	_ =	strace $0xD0000000  }
0x3: {  	_ = 	snop  }
0x4: {  	_ = 	snop  }
0x5: {  	_ = 	snop  }
0x6: {  	_ = 	snop  }
0x7: {  	_ = 	snop  }
__scs_overlays_trampoline_lowered:
0x8: {  	[smem:$0x3FA9] =	sst s0  }
0x9: {  	[smem:$0x3FAA] =	sst s1  }
0xa: {  	[smem:$0x3FAB] =	sst s2  }
0xb: {  	[smem:$0x3FAC] =	sst s3  }
0xc: {  	[smem:$0x3FAD] =	sst s4  }
0xd: {  	[smem:$0x3FAE] =	sst s5  }
0xe: {  	[smem:$0x3FAF] =	sst s6  }
0xf: {  	[smem:$0x3FB0] =	sst s7  }
0x10: {  	[smem:$0x3FB1] =	sst s8  }
0x11: {  	[smem:$0x3FB2] =	sst s9;
	s0 =	simm.s32 @!p0 $0x0  }
0x12: {  	s1 =	sld [smem:$0x3F98];
	s0 =	simm.s32 @p0 $0x1  }
0x13: {  	[smem:$0x3FB3] =	sst s0;
	s0 =	simm.s32 @!p1 $0x0  }
0x14: {  	s2 =	sld [smem:$0x3F97];
	s0 =	simm.s32 @p1 $0x1  }
0x15: {  	[smem:$0x3FB4] =	sst s0;
	s0 =	simm.s32 @!p2 $0x0  }
0x16: {  	s3 =	sld [smem:$0x3FDB];
	s0 =	simm.s32 @p2 $0x1  }
0x17: {  	s4 =	simm.s32 $0x1BF5;
	[smem:$0x3FB6] =	sst s0  }
0x18: {  	s0 =	sld [smem:$0x3F99];
	_ =	swait.ge [sflag:s4], $0x0  }
0x19: {  	s7 =	sld [smem:$0x3F9A]  }
0x1a: {  	s8 =	sadd.s32 $0xFFFFE003, lr  }
0x1b: {  	s9 =	sadd.s32 $0xFFFFFEF7, lr;
	s5 =	simm.s32 $0xFFFFFFFF;
	p2 =	slt.u32 s8, $0xFFFFF086  }
0x1c: {  	p1 =	slt.u32 s9, $0xF7A;
	s5 =	simm.s32 @!p2 $0x0  }
0x1d: {  	s5 =	simm.s32 @p1 $0x1;
	p0 =	seq.s32 s7, s2  }
0x1e: {  	s7 =	smul.u32 @!p0 $0xF7A, s2;
	p2 =	seq.s32 @!p0 s5, $0x0  }
0x1f: {  	s9 =	smul.u32 $0xF7A, s1;
	s8 =	simm.s32 @!p0 $0x1BF5;
	p2 =	por !p2, p0  }
0x20: {  	[sflag:s8] =	ssyncset.s32 @!p0 $0xFFFFF086;
	s6 =	sadd.s32 @!p0 s3, s7;
	s7 =	simm.s32 @!p0 $0x108  }
0x21: {  	s3 =	sadd.s32 s3, s9;
	s6 =	sadd.s32 @!p0 $0x88, s6;
	s7 =	simm.s32 @p2 $0x1082  }
0x22: {  	[simem:s7], [sflag:s8] =	dma.local @!p0 [hbm:s6], $0xF7A  }
0x23: {  	s9 =	sor.u32 $0xD0000000, s2;
	s6 =	simm.s32 $0x108;
	_ =	swait.ge @!p0 [sflag:s8], $0x0  }
0x24: {  	s3 =	sadd.s32 $0x88, s3;
	s6 =	simm.s32 @!p1 $0x1082;
	[sflag:s4] =	ssyncset.s32 $0xFFFFF086  }
0x25: {  	[simem:s6], [sflag:s4] =	dma.local [hbm:s3], $0xF7A  }
0x26: {  	[smem:$0x3F9A] =	sst s1;
	(tag) =	ssettag s2;
	_ =	strace s9  }
0x27: {  	s1 =	sld [smem:$0x3FAA]  }
0x28: {  	s2 =	sld [smem:$0x3FAB]  }
0x29: {  	s4 =	sld [smem:$0x3FAD]  }
0x2a: {  	p0 =	seq.s32 s5, $0x0;
	s5 =	sld [smem:$0x3FAE]  }
0x2b: {  	s6 =	sld [smem:$0x3FAF]  }
0x2c: {  	s7 =	sld [smem:$0x3FB0]  }
0x2d: {  	s3 =	simm.s32 $0x108;
	s8 =	sld [smem:$0x3FB1]  }
0x2e: {  	s3 =	simm.s32 @!p0 $0x1082;
	s9 =	sld [smem:$0x3FB2]  }
0x2f: {  	lr =	sadd.s32 s0, s3;
	s0 =	sld [smem:$0x3FA9]  }
0x30: {  	s3 =	sld [smem:$0x3FAC]  }
0x31: {  	[smem:$0x3FB5] =	sst s10  }
0x32: {  	s10 =	sld [smem:$0x3FB3];
	_ =	sdelay $0x3  }
0x33: {  	p0 =	seq.s32 s10, $0x1;
	s10 =	sld [smem:$0x3FB5];
	_ =	sdelay $0x3  }
0x34: {  	[smem:$0x3FB5] =	sst s10  }
0x35: {  	s10 =	sld [smem:$0x3FB4];
	_ =	sdelay $0x3  }
0x36: {  	p1 =	seq.s32 s10, $0x1;
	s10 =	sld [smem:$0x3FB5];
	_ =	sdelay $0x3  }
0x37: {  	[smem:$0x3FB5] =	sst s10  }
0x38: {  	s10 =	sld [smem:$0x3FB6]  }
0x39: {  	_ = 	snop;
	(pc) =	sbr.ind lr, $3  }
0x3a: {  	_ = 	snop  }
0x3b: {  	_ = 	snop  }
0x3c: {  	p2 =	seq.s32 s10, $0x1;
	s10 =	sld [smem:$0x3FB5]  }
0x3d: {  	_ =	shalt  }
0x3e: {  	_ =	shalt  }
0x3f: {  	_ =	shalt  }
0x40: {  	_ =	shalt  }
0x41: {  	_ =	shalt  }
0x42: {  	_ =	shalt  }
0x43: {  	_ =	shalt  }
0x44: {  	_ =	shalt  }
0x45: {  	_ =	shalt  }
0x46: {  	_ =	shalt  }
0x47: {  	_ =	shalt  }
0x48: {  	_ =	shalt  }
0x49: {  	_ =	shalt  }
0x4a: {  	_ =	shalt  }
0x4b: {  	_ =	shalt  }
0x4c: {  	_ =	shalt  }
0x4d: {  	_ =	shalt  }
0x4e: {  	_ =	shalt  }
0x4f: {  	_ =	shalt  }
0x50: {  	_ =	shalt  }
0x51: {  	_ =	shalt  }
0x52: {  	_ =	shalt  }
0x53: {  	_ =	shalt  }
0x54: {  	_ =	shalt  }
0x55: {  	_ =	shalt  }
0x56: {  	_ =	shalt  }
0x57: {  	_ =	shalt  }
0x58: {  	_ =	shalt  }
0x59: {  	_ =	shalt  }
0x5a: {  	_ =	shalt  }
0x5b: {  	_ =	shalt  }
0x5c: {  	_ =	shalt  }
0x5d: {  	_ =	shalt  }
0x5e: {  	_ =	shalt  }
0x5f: {  	_ =	shalt  }
0x60: {  	_ =	shalt  }
0x61: {  	_ =	shalt  }
0x62: {  	_ =	shalt  }
0x63: {  	_ =	shalt  }
0x64: {  	_ =	shalt  }
0x65: {  	_ =	shalt  }
0x66: {  	_ =	shalt  }
0x67: {  	_ =	shalt  }
0x68: {  	_ =	shalt  }
0x69: {  	_ =	shalt  }
0x6a: {  	_ =	shalt  }
0x6b: {  	_ =	shalt  }
0x6c: {  	_ =	shalt  }
0x6d: {  	_ =	shalt  }
0x6e: {  	_ =	shalt  }
0x6f: {  	_ =	shalt  }
0x70: {  	_ =	shalt  }
0x71: {  	_ =	shalt  }
0x72: {  	_ =	shalt  }
0x73: {  	_ =	shalt  }
0x74: {  	_ =	shalt  }
0x75: {  	_ =	shalt  }
0x76: {  	_ =	shalt  }
0x77: {  	_ =	shalt  }
0x78: {  	_ =	shalt  }
0x79: {  	_ =	shalt  }
0x7a: {  	_ =	shalt  }
0x7b: {  	_ =	shalt  }
0x7c: {  	_ =	shalt  }
0x7d: {  	_ =	shalt  }
0x7e: {  	_ =	shalt  }
0x7f: {  	_ =	shalt  }
0x80: {  	_ =	shalt  }
0x81: {  	_ =	shalt  }
0x82: {  	_ =	shalt  }
0x83: {  	_ =	shalt  }
0x84: {  	_ =	shalt  }
0x85: {  	_ =	shalt  }
0x86: {  	_ =	shalt  }
0x87: {  	_ =	shalt  }
.Lfunc_end0:
.L_simem_size_0:
called_computation_lowered:
.L_overlay_start_0:
0x88: {  	s2 =	sld [smem:$0x3FD9]  }
0x89: {  	s3 =	sld [smem:$0x3FFE];
	_ =	sdelay $0x1  }
0x8a: {  	s1 =	srdreg.scid  }
0x8b: {  	s0 =	sand.u32 $0x1, s1  }
0x8c: {  	s17 =	sshll.u32 s0, $0xA;
	s2 =	sadd.s32 s3, s2  }
0x8d: {  	s2 =	sadd.s32 s2, s17  }
0x8e: {  	[smem:$0x3FC1] =	sst s2  }
0x8f: {  	_ = 	snop  }
0x90: {  	s2 =	sld [smem:$0x3FD0];
	(tm) =	ssettm $0x1  }
0x91: {  	s18 =	sld [smem:$0x3FFB];
	_ =	sdelay $0x3  }
0x92: {  	_ =	strace s18  }
0x93: {  	s3 =	sld [smem:$0x3FFC];
	_ =	sdelay $0x3  }
0x94: {  	_ =	strace s3  }
0x95: {  	s3 =	sld [smem:$0x3FFD];
	_ =	sdelay $0x3  }
0x96: {  	_ =	strace s3  }
0x97: {  	_ =	strace $0x8FFFFFFF  }
0x98: {  	s19 =	sld [smem:$0x3FDB];
	_ =	sdelay $0x1  }
0x99: {  	s4 =	simm.s32 $_scs_section_size  }
0x9a: {  	s5 =	simm.s32 $_size__tile_overlayer_lowered;
	s6 =	simm.s32 $_tile_overlayer_lowered  }
0x9b: {  	s22 =	simm.s32 $0x1BFF;
	s21 =	sshll.u32 s6, $0x1;
	s3 =	sadd.s32 s4, s19  }
0x9c: {  	s7 =	simm.s32 $0x0;
	s20 =	sshll.u32 s5, $0x1;
	s5 =	sadd.s32 s21, s3  }
0x9d: {  	[timem:s7], [sflag:s22] =	dma.local [hbm:s5], s20  }
0x9e: {  	_ =	swait.ge [sflag:s22], s20  }
0x9f: {  	s4 =	ssub.s32 $0x0, s20;
	[sflag:s22] =	ssyncset.done $0x0  }
0xa0: {  	[sflag:s22] =	ssyncadd.s32 s4;
	_ =	sdelay $0x1  }
0xa1: {  	s23 =	simm.s32 $0x1B8B  }
0xa2: {  	_ =	swait.ge [sflag:s23], $0x1  }
0xa3: {  	[sflag:s23] =	ssyncset.done $0x0  }
0xa4: {  	s25 =	simm.s32 $0x1B8E;
	s24 =	sld [smem:$0x3FFE];
	[sflag:s23] =	ssyncadd.s32 $0xFFFFFFFF  }
0xa5: {  	s26 =	simm.s32 $execute0_lowered;
	[smem:$0x3FD2] =	sst s25  }
0xa6: {  	s5 =	sshll.u32 s26, $0x1;
	_ =	strace $0x80000046;
	[dreg:$0x1] =	wrdreg $0xFFFFFFFF  }
0xa7: {  	s28 =	simm.s32 $_size_execute0_lowered;
	s3 =	sadd.s32 s3, s5;
	[dreg:$0x0] =	wrdreg $0x0  }
0xa8: {  	s5 =	sshll.u32 s28, $0x1;
	[dreg:$0x2] =	wrdreg s3  }
0xa9: {  	[dreg:$0x3] =	wrdreg s5  }
0xaa: {  	[dreg:$0x4] =	wrdreg $0xC0  }
0xab: {  	_ =	task [dreg:s7], $0x5FFFF  }
0xac: {  	[dreg:$0x1] =	wrdreg $0xFFFFFFFF  }
0xad: {  	[dreg:$0x0] =	wrdreg $0x60  }
0xae: {  	[dreg:$0x2] =	wrdreg s2  }
0xaf: {  	[dreg:$0x3] =	wrdreg s24  }
0xb0: {  	[dreg:$0x4] =	wrdreg $0xAC000  }
0xb1: {  	[dreg:$0x5] =	wrdreg $0x9  }
0xb2: {  	_ =	task.clear_ibuf [dreg:s7], $0x6FFFF;
	_ =	strace $0x90000046  }
0xb3: {  	s29 =	simm.s32 $0x9;
	_ =	strace $0x80000048  }
0xb4: {  	_ =	swait.ge [sflag:s29], $0x1  }
0xb5: {  	[sflag:s29] =	ssyncadd.s32 $0xFFFFFFFF  }
0xb6: {  	_ =	strace $0x90000048  }
0xb7: {  	_ =	sfence  }
0xb8: {  	s30 =	sld [smem:$0x0];
	_ =	sdelay $0x2  }
0xb9: {  	s31 =	sshll.u32 s1, $0xD;
	s1 =	sshrl.u32 s1, $0x2  }
0xba: {  	s3 =	sand.u32 $0x4000, s31;
	s1 =	sadd.s32 s1, s30  }
0xbb: {  	s0 =	sor.u32 s3, s0;
	s1 =	sshll.u32 s1, $0x11  }
0xbc: {  	s0 =	sor.u32 s1, s0  }
0xbd: {  	s0 =	sadd.s32 $0x8F2B, s0  }
0xbe: {  	[sflag:s0] =	ssyncadd.remote.s32 $0x1  }
0xbf: {  	_ =	sfence.sel $0xFFFF  }
0xc0: {  	[dreg:$0x0] =	wrdreg $0xFFFFFFFF;
	(pc) =	sbr.abs _section_cstart, $3  }
0xc1: {  	[dreg:$0x1] =	wrdreg $0xFFFFFFFF  }
0xc2: {  	_ =	task.clear_ibuf [dreg:s7], $0x2FFFF;
	_ =	strace $0x9FFFFFFF  }
0xc3: {  	(tm) =	ssettm $0x7FFFFFFF  }
tec
execute0_lowered:
.L_overlay_start_1:
0x0: {  	(tag) =	ssettag $0x1  }
0x1: {  	s0 =	rddreg [dreg:$0x1]  }
0x2: {  	s2 =	rddreg [dreg:$0x2];
	s5 =	simm.s32 $0x0;
	s19 =	srdreg.scid  }
0x3: {  	s6 =	stileid.u32;
	s16 =	simm.s32 $0x7;
	s28 =	simm.s32 $0x2  }
0x4: {  	s29 =	simm.s32 $0x5C00;
	s30 =	simm.s32 $0x5;
	s31 =	simm.s32 $0x7000  }
0x5: {  	[smem:$0x7FF] =	sst s5;
	s1 =	sadd.s32 $0x1600, s0;
	s18 =	sadd.s32 $0x15600, s0  }
0x6: {  	s7 =	sadd.s32 $0x29600, s0;
	s3 =	sadd.s32 $0x161E00, s0;
	s4 =	smul.u32 $0x4F000, s6  }
0x7: {  	s0 =	sadd.s32 $0x164600, s0;
	_ =	strace $0x80000047;
	[dreg:$0x5] =	wrdreg s1  }
0x8: {  	s10 =	sshll.u32 s6, $0x1;
	s11 =	smul.u32 $0x13C00, s6;
	[dreg:$0x6] =	wrdreg s18  }
0x9: {  	p0 =	seq.s32 s6, $0xF;
	s1 =	sand.u32 $0x1, s19;
	[dreg:$0x7] =	wrdreg s3  }
0xa: {  	s19 =	simm.s32 $0x28;
	s20 =	ssub.s32 $0x2, s1;
	s9 =	smul.u32 $0x138800, s1  }
0xb: {  	s4 =	sshrl.u32 s4, $0x2;
	s1 =	sor.u32 s1, s10;
	s8 =	sshrl.u32 s20, $0x1  }
0xc: {  	s4 =	sadd.s32 s4, s2;
	s3 =	ssub.s32 s20, s8;
	s8 =	sadd.s32 $0x128400, s2  }
0xd: {  	s21 =	sadd.s32 s11, s9;
	s22 =	sshrl.u32 s9, $0x3;
	s9 =	smul.u32 $0x5000, s1  }
0xe: {  	s10 =	sshrl.u32 @!p0 s4, $0x3;
	s20 =	simm.s32 $0x3400;
	s4 =	simm.s32 $0x6  }
0xf: {  	s23 =	sshrl.u32 s21, $0x3;
	s24 =	sadd.s32 s0, s22;
	s26 =	smax.u32 s3, $0x1  }
0x10: {  	s8 =	sshrl.u32 @p0 s8, $0x3;
	s21 =	simm.s32 $0x4800;
	[dreg:$0xd] =	wrdreg s10  }
0x11: {  	s22 =	simm.s32 $0x8400;
	s0 =	sadd.s32 s0, s23;
	[dreg:$0xa] =	wrdreg s26  }
0x12: {  	s25 =	sadd.s32 $0x25080, s24;
	s23 =	simm.s32 $0x9800;
	[dreg:$0xb] =	wrdreg s8  }
0x13: {  	s24 =	simm.s32 $0x1;
	[dreg:$0x8] =	wrdreg s0;
	s0 =	sshll.u32 @!p0 s6, $0x6  }
0x14: {  	s26 =	simm.s32 $0x4;
	[dreg:$0x9] =	wrdreg s25;
	s6 =	sor.u32 @!p0 $0x1C07, s0  }
0x15: {  	s25 =	simm.s32 $0x50;
	s0 =	simm.s32 $0x3;
	[dreg:$0xc] =	wrdreg s6  }
.LBB2_1:
0x16: {  	[dreg:$0x4] =	wrdreg s5  }
0x17: {  	s1 =	simm.s32 @p0 $0x1FC7;
	s3 =	rddreg [dreg:$0x7]  }
0x18: {  	[spmem:s8], [sflag:s1] =	dma.local @p0 [hbm:s3], $0x2080  }
0x19: {  	s1 =	simm.s32 @p0 $0x7  }
0x1a: {  	_ =	swait.ge @p0 [sflag:s1], $0x2080  }
0x1b: {  	[sflag:s1] =	ssyncset.done @p0 $0x0  }
0x1c: {  	[sflag:s1] =	ssyncadd.s32 @p0 $0xFFFFDF80;
	s1 =	simm.s32 @!p0 $0x7  }
0x1d: {  	[spmem:s10], [sflag:s6] =	dma.local @!p0 [hbm:s3], $0x2780  }
0x1e: {  	_ =	swait.ge @!p0 [sflag:s1], $0x2780  }
0x1f: {  	[sflag:s1] =	ssyncset.done @!p0 $0x0  }
0x20: {  	[sflag:s1] =	ssyncadd.s32 @!p0 $0xFFFFD880  }
0x21: {  	s1 =	simm.s32 $0x0;
	[bflag:$0x0] =	sbarrier.arrive $0xFFFF  }
.LBB2_2:
0x22: {  	s10 =	sshll.u32 s1, $0xC  }
0x23: {  	s10 =	sadd.s32 s9, s10  }
0x24: {  	s3 =	rddreg [dreg:$0x0];
	s10 =	sshrl.u32 s10, $0x3  }
0x25: {  	s17 =	simm.s32 $0x0;
	s11 =	sadd.s32 s3, s10  }
0x26: {  	[tilespmem:s17], [sflag:$0x7] =	stream.linear.gather [hbm4b:s11+s17], $0xC80, $0x38;
	[tilespmem:$0x1E480] =	vst v63  }
0x27: {  	s13 =	smul.u32 $0xCD, s17;
	_ =	swait.ge [sflag:s16], $0xC80  }
0x28: {  	s12 =	simm.s32 $0xC80;
	[sflag:s16] =	ssyncset.done $0x0;
	s6 =	rddreg [dreg:$0x5]  }
0x29: {  	s18 =	sshrl.u32 s13, $0xA;
	[sflag:s16] =	ssyncadd.s32 $0xFFFFF380;
	s8 =	sadd.s32 s6, s10  }
0x2a: {  	[tilespmem:s12], [sflag:$0x7] =	stream.linear.gather [hbm4b:s8+s17], $0xC80, $0x38;
	[tilespmem:$0x1E480] =	vst v63  }
0x2b: {  	s18 =	smul.u32 $0x5, s18;
	_ =	swait.ge [sflag:s16], $0xC80  }
0x2c: {  	s15 =	simm.s32 $0x1900;
	[sflag:s16] =	ssyncset.done $0x0;
	s14 =	rddreg [dreg:$0x6]  }
0x2d: {  	s18 =	ssub.s32 $0x0, s18;
	[sflag:s16] =	ssyncadd.s32 $0xFFFFF380;
	s10 =	sadd.s32 s14, s10  }
0x2e: {  	[tilespmem:s15], [sflag:$0x7] =	stream.linear.gather [hbm4b:s10+s17], $0xC80, $0x38;
	[tilespmem:$0x1E480] =	vst v63  }
0x2f: {  	s11 =	sshrl.u32 s13, $0x3;
	s10 =	sshll.u32 s18, $0x4;
	_ =	swait.ge [sflag:s16], $0xC80  }
0x30: {  	s11 =	sand.u32 $0x1F80, s11;
	s10 =	sand.u32 $0xF0, s10;
	[sflag:s16] =	ssyncset.done $0x0  }
0x31: {  	s17 =	simm.s32 $0x1;
	s10 =	sor.u32 s10, s11;
	[sflag:s16] =	ssyncadd.s32 $0xFFFFF380  }
0x32: {  	s18 =	simm.s32 $0x2;
	s11 =	smul.u32 $0xCD, s17;
	v0 =	vld [tilespmem:s10+$0x1900]  }
.LBB2_3:
0x33: {  	p1 =	sne.s32 s18, $0x7C;
	v1 =	vld [tilespmem:s10+$0xC80]  }
0x34: {  	s12 =	sshrl.u32 s11, $0xA;
	v2 =	vld [tilespmem:s10+$0x0]  }
0x35: {  	s12 =	smul.u32 $0x5, s12;
	_ =	sdelay $0x1  }
.Ltmp0:
0x36: {  	s12 =	ssub.s32 s17, s12;
	v0 =	vmul.u32 $0x2710, v0;
	s17 =	smov.u32 s18;
	(pc) =	sbr.rel @p1 .LBB2_3-.Ltmp0, $4  }
0x37: {  	s11 =	sshrl.u32 s11, $0x3;
	s12 =	sshll.u32 s12, $0x4  }
0x38: {  	s11 =	sand.u32 $0x1F80, s11;
	s12 =	sand.u32 $0xF0, s12;
	v1 =	vadd.s32 v1, v0;
	v0 =	vadd.s32 v0, v2  }
0x39: {  	s12 =	sor.u32 s12, s11;
	[tilespmem:s10+$0x1900] =	vst v0  }
0x3a: {  	s18 =	sadd.s32 $0x1, s18;
	s11 =	smul.u32 $0xCD, s17;
	v0 =	vld [tilespmem:s12+$0x1900];
	[tilespmem:s10+$0x2580] =	vst v1;
	s10 =	smov.u32 s12  }
0x3b: {  	_ = 	snop  }
0x3c: {  	v1 =	vld [tilespmem:s10+$0x0];
	s12 =	sshrl.u32 s11, $0xA  }
0x3d: {  	s12 =	smul.u32 $0x5, s12  }
0x3e: {  	v2 =	vld [tilespmem:s10+$0xC80]  }
0x3f: {  	s12 =	ssub.s32 s17, s12;
	v0 =	vmul.u32 $0x2710, v0  }
0x40: {  	s15 =	sshrl.u32 s11, $0x3;
	s12 =	sshll.u32 s12, $0x4  }
0x41: {  	s11 =	sand.u32 $0x1F80, s15;
	s12 =	sand.u32 $0xF0, s12;
	v1 =	vadd.s32 v0, v1  }
0x42: {  	s11 =	sor.u32 s12, s11;
	[tilespmem:s10+$0x1900] =	vst v1  }
0x43: {  	v0 =	vadd.s32 v2, v0;
	v1 =	vld [tilespmem:s11+$0x1900]  }
0x44: {  	[tilespmem:s10+$0x2580] =	vst v0  }
0x45: {  	v0 =	vld [tilespmem:s11+$0x0]  }
0x46: {  	v63 =	vld [tilespmem:s11+$0xC80];
	_ =	sdelay $0x1  }
0x47: {  	v1 =	vmul.u32 $0x2710, v1;
	_ =	sdelay $0x1  }
0x48: {  	p1 =	por $0x1, $0x1;
	v0 =	vadd.s32 v1, v0  }
0x49: {  	p1 =	por p1, p1;
	v1 =	vadd.s32 v63, v1;
	[tilespmem:s11+$0x1900] =	vst v0  }
0x4a: {  	s10 =	simm.s32 @!p1 $0x4;
	[tilespmem:s11+$0x2580] =	vst v1  }
0x4b: {  	_ =	swait.ge @!p1 [sflag:s10], $0x2800  }
0x4c: {  	[sflag:s10] =	ssyncset.done @!p1 $0x0  }
0x4d: {  	s17 =	simm.s32 $0x1900;
	[sflag:s10] =	ssyncadd.s32 @!p1 $0xFFFFD800;
	p1 =	por $0x0, $0x0  }
0x4e: {  	[tilespmem:s20], [sflag:$0x1] =	stream.indirect.gather [hbm4b:s7+s19], $0x80, s17, s19, $0xb8;
	[tilespmem:$0x1E480] =	vst v63  }
0x4f: {  	s18 =	simm.s32 $0x1928;
	s10 =	simm.s32 @p1 $0x2  }
0x50: {  	[tilespmem:s21], [sflag:$0x1] =	stream.indirect.gather [hbm4b:s7+s19], $0x80, s18, s19, $0xb8;
	[tilespmem:$0x1E480] =	vst v63  }
0x51: {  	_ =	swait.ge @p1 [sflag:s10], $0x1400  }
0x52: {  	[sflag:s10] =	ssyncset.done @p1 $0x0  }
0x53: {  	[sflag:s10] =	ssyncadd.s32 @p1 $0xFFFFEC00  }
0x54: {  	_ =	swait.ge @p1 [sflag:s10], $0x1400  }
0x55: {  	s11 =	simm.s32 @p1 $0xC00;
	s12 =	simm.s32 @p1 $0x50;
	[sflag:s10] =	ssyncset.done @p1 $0x0  }
0x56: {  	s17 =	simm.s32 @p1 $0x5C00;
	[sflag:s10] =	ssyncadd.s32 @p1 $0xFFFFEC00;
	s10 =	simm.s32 @p1 $0x5  }
0x57: {  	[spmem:s2] =	stream.indirect.scatter.add.f32 @p1 [tilespmem:s17], [sflag:$0x5], $0x80, s11, s12, $0xb8;
	[tilespmem:$0x1E480] =	vst v63  }
0x58: {  	_ =	swait.ge @p1 [sflag:s10], $0x2800  }
0x59: {  	[sflag:s10] =	ssyncset.done @p1 $0x0  }
0x5a: {  	s11 =	simm.s32 @p1 $0x2580;
	[sflag:s10] =	ssyncadd.s32 @p1 $0xFFFFD800;
	s10 =	simm.s32 @p1 $0x28  }
0x5b: {  	[tilespmem:s17], [sflag:$0x2] =	stream.indirect.gather @p1 [hbm4b:s7+s10], $0x80, s11, s10, $0xb8;
	[tilespmem:$0x1E480] =	vst v63  }
0x5c: {  	s11 =	simm.s32 @p1 $0x25A8;
	s17 =	simm.s32 @p1 $0x7000  }
0x5d: {  	[tilespmem:s17], [sflag:$0x2] =	stream.indirect.gather @p1 [hbm4b:s7+s10], $0x80, s11, s10, $0xb8;
	[tilespmem:$0x1E480] =	vst v63  }
0x5e: {  	s10 =	simm.s32 @p1 $0x3  }
0x5f: {  	_ =	swait.ge @p1 [sflag:s10], $0x1400  }
0x60: {  	[sflag:s10] =	ssyncset.done @p1 $0x0  }
0x61: {  	[sflag:s10] =	ssyncadd.s32 @p1 $0xFFFFEC00  }
0x62: {  	_ =	swait.ge @p1 [sflag:s10], $0x1400  }
0x63: {  	s11 =	simm.s32 @p1 $0xFFFFFF80;
	[sflag:s10] =	ssyncset.done @p1 $0x0  }
0x64: {  	s17 =	simm.s32 @p1 $0x8400;
	[sflag:s10] =	ssyncadd.s32 @p1 $0xFFFFEC00;
	s10 =	simm.s32 @p1 $0x6  }
0x65: {  	[spmem:s2] =	stream.indirect.scatter.add.f32 @p1 [tilespmem:s17], [sflag:$0x6], $0x80, s11, s12, $0xb8;
	[tilespmem:$0x1E480] =	vst v63  }
0x66: {  	_ =	swait.ge @p1 [sflag:s10], $0x2800  }
0x67: {  	s11 =	simm.s32 @!p1 $0x2580;
	[sflag:s10] =	ssyncset.done @p1 $0x0  }
0x68: {  	s12 =	simm.s32 @!p1 $0x28;
	s17 =	simm.s32 @!p1 $0x5C00;
	[sflag:s10] =	ssyncadd.s32 @p1 $0xFFFFD800  }
0x69: {  	[tilespmem:s17], [sflag:$0x2] =	stream.indirect.gather @!p1 [hbm4b:s7+s12], $0x80, s11, s12, $0xb8;
	[tilespmem:$0x1E480] =	vst v63  }
0x6a: {  	s10 =	simm.s32 @!p1 $0x25A8;
	s11 =	simm.s32 @!p1 $0x7000  }
0x6b: {  	[tilespmem:s11], [sflag:$0x2] =	stream.indirect.gather @!p1 [hbm4b:s7+s12], $0x80, s10, s12, $0xb8;
	[tilespmem:$0x1E480] =	vst v63  }
0x6c: {  	s3 =	simm.s32 $0x1980  }
0x6d: {  	[tilespmem:s22], [sflag:$0x3] =	stream.indirect.gather [hbm4b:s7+s19], $0x80, s3, s19, $0xb8;
	[tilespmem:$0x1E480] =	vst v63  }
0x6e: {  	s5 =	simm.s32 $0x19A8  }
0x6f: {  	[tilespmem:s23], [sflag:$0x3] =	stream.indirect.gather [hbm4b:s7+s19], $0x80, s5, s19, $0xb8;
	[tilespmem:$0x1E480] =	vst v63  }
0x70: {  	_ =	swait.ge [sflag:s24], $0x1400  }
0x71: {  	[sflag:s24] =	ssyncset.done $0x0  }
0x72: {  	[sflag:s24] =	ssyncadd.s32 $0xFFFFEC00  }
0x73: {  	_ =	swait.ge [sflag:s24], $0x1400  }
0x74: {  	[sflag:s24] =	ssyncset.done $0x0  }
0x75: {  	s6 =	simm.s32 $0xC80;
	[sflag:s24] =	ssyncadd.s32 $0xFFFFEC00  }
0x76: {  	[spmem:s2] =	stream.indirect.scatter.add.f32 [tilespmem:s20], [sflag:$0x4], $0x80, s6, s25, $0xb8;
	[tilespmem:$0x1E480] =	vst v63  }
0x77: {  	_ =	swait.ge [sflag:s26], $0x2800  }
0x78: {  	[sflag:s26] =	ssyncset.done $0x0  }
0x79: {  	s8 =	simm.s32 $0x2600;
	[sflag:s26] =	ssyncadd.s32 $0xFFFFD800  }
0x7a: {  	[tilespmem:s20], [sflag:$0x1] =	stream.indirect.gather [hbm4b:s7+s19], $0x80, s8, s19, $0xb8;
	[tilespmem:$0x1E480] =	vst v63  }
0x7b: {  	s11 =	simm.s32 $0x2628  }
0x7c: {  	[tilespmem:s21], [sflag:$0x1] =	stream.indirect.gather [hbm4b:s7+s19], $0x80, s11, s19, $0xb8;
	[tilespmem:$0x1E480] =	vst v63  }
0x7d: {  	_ =	swait.ge [sflag:s28], $0x1400  }
0x7e: {  	[sflag:s28] =	ssyncset.done $0x0  }
0x7f: {  	[sflag:s28] =	ssyncadd.s32 $0xFFFFEC00  }
0x80: {  	_ =	swait.ge [sflag:s28], $0x1400  }
0x81: {  	[sflag:s28] =	ssyncset.done $0x0  }
0x82: {  	s12 =	simm.s32 $0x0;
	[sflag:s28] =	ssyncadd.s32 $0xFFFFEC00  }
0x83: {  	[spmem:s2] =	stream.indirect.scatter.add.f32 [tilespmem:s29], [sflag:$0x5], $0x80, s12, s25, $0xb8;
	[tilespmem:$0x1E480] =	vst v63  }
0x84: {  	_ =	swait.ge [sflag:s30], $0x2800  }
0x85: {  	[sflag:s30] =	ssyncset.done $0x0  }
0x86: {  	s13 =	simm.s32 $0x1A00;
	[sflag:s30] =	ssyncadd.s32 $0xFFFFD800  }
0x87: {  	[tilespmem:s29], [sflag:$0x2] =	stream.indirect.gather [hbm4b:s7+s19], $0x80, s13, s19, $0xb8;
	[tilespmem:$0x1E480] =	vst v63  }
0x88: {  	s14 =	simm.s32 $0x1A28  }
0x89: {  	[tilespmem:s31], [sflag:$0x2] =	stream.indirect.gather [hbm4b:s7+s19], $0x80, s14, s19, $0xb8;
	[tilespmem:$0x1E480] =	vst v63  }
0x8a: {  	_ =	swait.ge [sflag:s0], $0x1400  }
0x8b: {  	[sflag:s0] =	ssyncset.done $0x0  }
0x8c: {  	[sflag:s0] =	ssyncadd.s32 $0xFFFFEC00  }
0x8d: {  	_ =	swait.ge [sflag:s0], $0x1400  }
0x8e: {  	[sflag:s0] =	ssyncset.done $0x0  }
0x8f: {  	s15 =	simm.s32 $0xD00;
	[sflag:s0] =	ssyncadd.s32 $0xFFFFEC00  }
0x90: {  	[spmem:s2] =	stream.indirect.scatter.add.f32 [tilespmem:s22], [sflag:$0x6], $0x80, s15, s25, $0xb8;
	[tilespmem:$0x1E480] =	vst v63  }
0x91: {  	_ =	swait.ge [sflag:s4], $0x2800  }
0x92: {  	[sflag:s4] =	ssyncset.done $0x0  }
0x93: {  	s17 =	simm.s32 $0x2680;
	[sflag:s4] =	ssyncadd.s32 $0xFFFFD800  }
0x94: {  	[tilespmem:s22], [sflag:$0x3] =	stream.indirect.gather [hbm4b:s7+s19], $0x80, s17, s19, $0xb8;
	[tilespmem:$0x1E480] =	vst v63  }
0x95: {  	s18 =	simm.s32 $0x26A8  }
0x96: {  	[tilespmem:s23], [sflag:$0x3] =	stream.indirect.gather [hbm4b:s7+s19], $0x80, s18, s19, $0xb8;
	[tilespmem:$0x1E480] =	vst v63  }
0x97: {  	_ =	swait.ge [sflag:s24], $0x1400  }
0x98: {  	p6 =	por $0x0, $0x0;
	[sflag:s24] =	ssyncset.done $0x0  }
0x99: {  	p1 =	por p6, p6;
	[sflag:s24] =	ssyncadd.s32 $0xFFFFEC00  }
0x9a: {  	s10 =	simm.s32 $0x80;
	s11 =	simm.s32 @!p1 $0x4;
	_ =	swait.ge [sflag:s24], $0x1400  }
0x9b: {  	s17 =	simm.s32 $0x600;
	s18 =	simm.s32 $0xC00;
	[sflag:s24] =	ssyncset.done $0x0  }
.LBB2_5:
0x9c: {  	p3 =	seq.s32 s18, $0x0  }
0x9d: {  	[sflag:s24] =	ssyncadd.s32 $0xFFFFEC00;
	s12 =	smov.u32 s18;
	s18 =	sadd.s32 $0x600, s18  }
0x9e: {  	[spmem:s2] =	stream.indirect.scatter.add.f32 [tilespmem:s20], [sflag:$0x4], $0x80, s10, s25, $0xb8;
	[tilespmem:$0x1E480] =	vst v63  }
0x9f: {  	p2 =	sne.s32 s18, $0x3000;
	_ =	swait.ge @!p1 [sflag:s11], $0x2800  }
0xa0: {  	s10 =	sshra.s32 s17, $0x2;
	[sflag:s11] =	ssyncset.done @!p1 $0x0  }
0xa1: {  	[sflag:s11] =	ssyncadd.s32 @!p1 $0xFFFFD800;
	s11 =	sadd.s32 $0x1900, s10;
	p1 =	por p3, p3  }
0xa2: {  	[tilespmem:s20], [sflag:$0x1] =	stream.indirect.gather [hbm4b:s7+s19], $0x80, s11, s19, $0xb8;
	[tilespmem:$0x1E480] =	vst v63  }
0xa3: {  	p3 =	sne.s32 s17, $0x0;
	s11 =	sadd.s32 $0x1928, s10  }
0xa4: {  	[tilespmem:s21], [sflag:$0x1] =	stream.indirect.gather [hbm4b:s7+s19], $0x80, s11, s19, $0xb8;
	[tilespmem:$0x1E480] =	vst v63  }
0xa5: {  	s8 =	sshra.s32 @p3 s17, $0x2;
	s17 =	sshra.s32 @!p3 s17, $0x2;
	s11 =	simm.s32 @p3 $0x2  }
0xa6: {  	s13 =	sadd.s32 @p3 $0xC00, s8;
	s14 =	sadd.s32 @p3 $0x2580, s8;
	_ =	swait.ge @p3 [sflag:s11], $0x1400  }
0xa7: {  	s15 =	sadd.s32 @p3 $0x25A8, s8;
	s8 =	sadd.s32 @p3 $0xFFFFFF80, s8;
	[sflag:s11] =	ssyncset.done @p3 $0x0  }
0xa8: {  	s3 =	sadd.s32 @!p3 $0x2580, s17;
	s5 =	sadd.s32 @!p3 $0x25A8, s17;
	[sflag:s11] =	ssyncadd.s32 @p3 $0xFFFFEC00  }
0xa9: {  	s17 =	smov.u32 s12;
	_ =	swait.ge @p3 [sflag:s11], $0x1400  }
0xaa: {  	s6 =	simm.s32 @p3 $0x5C00;
	s12 =	simm.s32 @p3 $0x50;
	[sflag:s11] =	ssyncset.done @p3 $0x0  }
0xab: {  	[sflag:s11] =	ssyncadd.s32 @p3 $0xFFFFEC00;
	s11 =	simm.s32 @p3 $0x5  }
0xac: {  	[spmem:s2] =	stream.indirect.scatter.add.f32 @p3 [tilespmem:s6], [sflag:$0x5], $0x80, s13, s12, $0xb8;
	[tilespmem:$0x1E480] =	vst v63  }
0xad: {  	_ =	swait.ge @p3 [sflag:s11], $0x2800  }
0xae: {  	s13 =	simm.s32 @p3 $0x28;
	[sflag:s11] =	ssyncset.done @p3 $0x0  }
0xaf: {  	[sflag:s11] =	ssyncadd.s32 @p3 $0xFFFFD800;
	s11 =	simm.s32 @p3 $0x7000  }
0xb0: {  	[tilespmem:s6], [sflag:$0x2] =	stream.indirect.gather @p3 [hbm4b:s7+s13], $0x80, s14, s13, $0xb8;
	[tilespmem:$0x1E480] =	vst v63  }
0xb1: {  	s6 =	simm.s32 @p3 $0x3  }
0xb2: {  	[tilespmem:s11], [sflag:$0x2] =	stream.indirect.gather @p3 [hbm4b:s7+s13], $0x80, s15, s13, $0xb8;
	[tilespmem:$0x1E480] =	vst v63  }
0xb3: {  	_ =	swait.ge @p3 [sflag:s6], $0x1400  }
0xb4: {  	[sflag:s6] =	ssyncset.done @p3 $0x0  }
0xb5: {  	[sflag:s6] =	ssyncadd.s32 @p3 $0xFFFFEC00  }
0xb6: {  	_ =	swait.ge @p3 [sflag:s6], $0x1400  }
0xb7: {  	s11 =	simm.s32 @p3 $0x8400;
	[sflag:s6] =	ssyncset.done @p3 $0x0  }
0xb8: {  	[sflag:s6] =	ssyncadd.s32 @p3 $0xFFFFEC00;
	s6 =	simm.s32 @p3 $0x6  }
0xb9: {  	[spmem:s2] =	stream.indirect.scatter.add.f32 @p3 [tilespmem:s11], [sflag:$0x6], $0x80, s8, s12, $0xb8;
	[tilespmem:$0x1E480] =	vst v63  }
0xba: {  	_ =	swait.ge @p3 [sflag:s6], $0x2800  }
0xbb: {  	s8 =	simm.s32 @!p3 $0x28;
	s11 =	simm.s32 @!p3 $0x5C00;
	[sflag:s6] =	ssyncset.done @p3 $0x0  }
0xbc: {  	[sflag:s6] =	ssyncadd.s32 @p3 $0xFFFFD800;
	s6 =	simm.s32 @!p3 $0x7000  }
0xbd: {  	[tilespmem:s11], [sflag:$0x2] =	stream.indirect.gather @!p3 [hbm4b:s7+s8], $0x80, s3, s8, $0xb8;
	[tilespmem:$0x1E480] =	vst v63  }
0xbe: {  	_ = 	snop  }
0xbf: {  	[tilespmem:s6], [sflag:$0x2] =	stream.indirect.gather @!p3 [hbm4b:s7+s8], $0x80, s5, s8, $0xb8;
	[tilespmem:$0x1E480] =	vst v63  }
0xc0: {  	s3 =	sadd.s32 $0x1980, s10  }
0xc1: {  	[tilespmem:s22], [sflag:$0x3] =	stream.indirect.gather [hbm4b:s7+s19], $0x80, s3, s19, $0xb8;
	[tilespmem:$0x1E480] =	vst v63  }
0xc2: {  	s3 =	sadd.s32 $0x19A8, s10  }
0xc3: {  	[tilespmem:s23], [sflag:$0x3] =	stream.indirect.gather [hbm4b:s7+s19], $0x80, s3, s19, $0xb8;
	[tilespmem:$0x1E480] =	vst v63  }
0xc4: {  	_ =	swait.ge [sflag:s24], $0x1400  }
0xc5: {  	[sflag:s24] =	ssyncset.done $0x0  }
0xc6: {  	[sflag:s24] =	ssyncadd.s32 $0xFFFFEC00  }
0xc7: {  	_ =	swait.ge [sflag:s24], $0x1400  }
0xc8: {  	s3 =	sadd.s32 $0xC80, s10;
	[sflag:s24] =	ssyncset.done $0x0  }
0xc9: {  	[sflag:s24] =	ssyncadd.s32 $0xFFFFEC00  }
0xca: {  	[spmem:s2] =	stream.indirect.scatter.add.f32 [tilespmem:s20], [sflag:$0x4], $0x80, s3, s25, $0xb8;
	[tilespmem:$0x1E480] =	vst v63  }
0xcb: {  	_ =	swait.ge [sflag:s26], $0x2800  }
0xcc: {  	s3 =	sadd.s32 $0x2600, s10;
	[sflag:s26] =	ssyncset.done $0x0  }
0xcd: {  	[sflag:s26] =	ssyncadd.s32 $0xFFFFD800  }
0xce: {  	[tilespmem:s20], [sflag:$0x1] =	stream.indirect.gather [hbm4b:s7+s19], $0x80, s3, s19, $0xb8;
	[tilespmem:$0x1E480] =	vst v63  }
0xcf: {  	s3 =	sadd.s32 $0x2628, s10  }
0xd0: {  	[tilespmem:s21], [sflag:$0x1] =	stream.indirect.gather [hbm4b:s7+s19], $0x80, s3, s19, $0xb8;
	[tilespmem:$0x1E480] =	vst v63  }
0xd1: {  	_ =	swait.ge [sflag:s28], $0x1400  }
0xd2: {  	[sflag:s28] =	ssyncset.done $0x0  }
0xd3: {  	[sflag:s28] =	ssyncadd.s32 $0xFFFFEC00  }
0xd4: {  	_ =	swait.ge [sflag:s28], $0x1400  }
0xd5: {  	[sflag:s28] =	ssyncset.done $0x0  }
0xd6: {  	[sflag:s28] =	ssyncadd.s32 $0xFFFFEC00  }
0xd7: {  	[spmem:s2] =	stream.indirect.scatter.add.f32 [tilespmem:s29], [sflag:$0x5], $0x80, s10, s25, $0xb8;
	[tilespmem:$0x1E480] =	vst v63  }
0xd8: {  	_ =	swait.ge [sflag:s30], $0x2800  }
0xd9: {  	s3 =	sadd.s32 $0x1A00, s10;
	[sflag:s30] =	ssyncset.done $0x0  }
0xda: {  	[sflag:s30] =	ssyncadd.s32 $0xFFFFD800  }
0xdb: {  	[tilespmem:s29], [sflag:$0x2] =	stream.indirect.gather [hbm4b:s7+s19], $0x80, s3, s19, $0xb8;
	[tilespmem:$0x1E480] =	vst v63  }
0xdc: {  	s3 =	sadd.s32 $0x1A28, s10  }
0xdd: {  	[tilespmem:s31], [sflag:$0x2] =	stream.indirect.gather [hbm4b:s7+s19], $0x80, s3, s19, $0xb8;
	[tilespmem:$0x1E480] =	vst v63  }
0xde: {  	_ =	swait.ge [sflag:s0], $0x1400  }
0xdf: {  	[sflag:s0] =	ssyncset.done $0x0  }
0xe0: {  	[sflag:s0] =	ssyncadd.s32 $0xFFFFEC00  }
0xe1: {  	_ =	swait.ge [sflag:s0], $0x1400  }
0xe2: {  	s3 =	sadd.s32 $0xD00, s10;
	[sflag:s0] =	ssyncset.done $0x0  }
0xe3: {  	[sflag:s0] =	ssyncadd.s32 $0xFFFFEC00  }
0xe4: {  	[spmem:s2] =	stream.indirect.scatter.add.f32 [tilespmem:s22], [sflag:$0x6], $0x80, s3, s25, $0xb8;
	[tilespmem:$0x1E480] =	vst v63  }
0xe5: {  	_ =	swait.ge [sflag:s4], $0x2800  }
0xe6: {  	s3 =	sadd.s32 $0x2680, s10;
	[sflag:s4] =	ssyncset.done $0x0  }
0xe7: {  	[sflag:s4] =	ssyncadd.s32 $0xFFFFD800  }
0xe8: {  	[tilespmem:s22], [sflag:$0x3] =	stream.indirect.gather [hbm4b:s7+s19], $0x80, s3, s19, $0xb8;
	[tilespmem:$0x1E480] =	vst v63  }
0xe9: {  	s3 =	sadd.s32 $0x26A8, s10  }
0xea: {  	[tilespmem:s23], [sflag:$0x3] =	stream.indirect.gather [hbm4b:s7+s19], $0x80, s3, s19, $0xb8;
	[tilespmem:$0x1E480] =	vst v63  }
.Ltmp1:
0xeb: {  	_ =	swait.ge [sflag:s24], $0x1400;
	(pc) =	sbr.rel @p2 .LBB2_5-.Ltmp1, $4  }
0xec: {  	[sflag:s24] =	ssyncset.done $0x0  }
0xed: {  	[sflag:s24] =	ssyncadd.s32 $0xFFFFEC00  }
0xee: {  	_ =	swait.ge [sflag:s24], $0x1400  }
0xef: {  	s11 =	simm.s32 @!p1 $0x4;
	s10 =	sadd.s32 $0x80, s10;
	[sflag:s24] =	ssyncset.done $0x0  }
0xf0: {  	[sflag:s24] =	ssyncadd.s32 $0xFFFFEC00  }
0xf1: {  	[spmem:s2] =	stream.indirect.scatter.add.f32 [tilespmem:s20], [sflag:$0x4], $0x80, s10, s25, $0xb8;
	[tilespmem:$0x1E480] =	vst v63  }
0xf2: {  	_ =	swait.ge @!p1 [sflag:s11], $0x2800  }
0xf3: {  	s10 =	sshra.s32 s17, $0x2;
	[sflag:s11] =	ssyncset.done @!p1 $0x0  }
0xf4: {  	s3 =	sadd.s32 $0x1900, s10;
	[sflag:s11] =	ssyncadd.s32 @!p1 $0xFFFFD800;
	p1 =	sne.s32 s17, $0x0  }
0xf5: {  	[tilespmem:s20], [sflag:$0x1] =	stream.indirect.gather [hbm4b:s7+s19], $0x80, s3, s19, $0xb8;
	[tilespmem:$0x1E480] =	vst v63  }
0xf6: {  	s6 =	sadd.s32 $0x1928, s10;
	s3 =	simm.s32 @p1 $0x2  }
0xf7: {  	[tilespmem:s21], [sflag:$0x1] =	stream.indirect.gather [hbm4b:s7+s19], $0x80, s6, s19, $0xb8;
	[tilespmem:$0x1E480] =	vst v63  }
0xf8: {  	_ =	swait.ge @p1 [sflag:s3], $0x1400  }
0xf9: {  	[sflag:s3] =	ssyncset.done @p1 $0x0  }
0xfa: {  	[sflag:s3] =	ssyncadd.s32 @p1 $0xFFFFEC00  }
0xfb: {  	s5 =	sshra.s32 @p1 s17, $0x2;
	_ =	swait.ge @p1 [sflag:s3], $0x1400  }
0xfc: {  	s8 =	simm.s32 @p1 $0x50;
	s11 =	simm.s32 @p1 $0x5C00;
	[sflag:s3] =	ssyncset.done @p1 $0x0  }
0xfd: {  	s6 =	sadd.s32 @p1 $0xC00, s5;
	[sflag:s3] =	ssyncadd.s32 @p1 $0xFFFFEC00;
	s3 =	simm.s32 @p1 $0x5  }
0xfe: {  	[spmem:s2] =	stream.indirect.scatter.add.f32 @p1 [tilespmem:s11], [sflag:$0x5], $0x80, s6, s8, $0xb8;
	[tilespmem:$0x1E480] =	vst v63  }
0xff: {  	_ =	swait.ge @p1 [sflag:s3], $0x2800  }
0x100: {  	[sflag:s3] =	ssyncset.done @p1 $0x0  }
0x101: {  	s6 =	sadd.s32 @p1 $0x2580, s5;
	[sflag:s3] =	ssyncadd.s32 @p1 $0xFFFFD800;
	s3 =	simm.s32 @p1 $0x28  }
0x102: {  	[tilespmem:s11], [sflag:$0x2] =	stream.indirect.gather @p1 [hbm4b:s7+s3], $0x80, s6, s3, $0xb8;
	[tilespmem:$0x1E480] =	vst v63  }
0x103: {  	s6 =	sadd.s32 @p1 $0x25A8, s5;
	s11 =	simm.s32 @p1 $0x7000  }
0x104: {  	[tilespmem:s11], [sflag:$0x2] =	stream.indirect.gather @p1 [hbm4b:s7+s3], $0x80, s6, s3, $0xb8;
	[tilespmem:$0x1E480] =	vst v63  }
0x105: {  	s3 =	simm.s32 @p1 $0x3  }
0x106: {  	_ =	swait.ge @p1 [sflag:s3], $0x1400  }
0x107: {  	[sflag:s3] =	ssyncset.done @p1 $0x0  }
0x108: {  	[sflag:s3] =	ssyncadd.s32 @p1 $0xFFFFEC00  }
0x109: {  	_ =	swait.ge @p1 [sflag:s3], $0x1400  }
0x10a: {  	[sflag:s3] =	ssyncset.done @p1 $0x0  }
0x10b: {  	s5 =	sadd.s32 @p1 $0xFFFFFF80, s5;
	[sflag:s3] =	ssyncadd.s32 @p1 $0xFFFFEC00;
	s3 =	simm.s32 @p1 $0x8400  }
0x10c: {  	[spmem:s2] =	stream.indirect.scatter.add.f32 @p1 [tilespmem:s3], [sflag:$0x6], $0x80, s5, s8, $0xb8;
	[tilespmem:$0x1E480] =	vst v63  }
0x10d: {  	s3 =	simm.s32 @p1 $0x6  }
0x10e: {  	_ =	swait.ge @p1 [sflag:s3], $0x2800  }
0x10f: {  	s5 =	sshra.s32 @!p1 s17, $0x2;
	s8 =	simm.s32 @!p1 $0x28;
	[sflag:s3] =	ssyncset.done @p1 $0x0  }
0x110: {  	s6 =	sadd.s32 @!p1 $0x2580, s5;
	[sflag:s3] =	ssyncadd.s32 @p1 $0xFFFFD800;
	s3 =	simm.s32 @!p1 $0x5C00  }
0x111: {  	[tilespmem:s3], [sflag:$0x2] =	stream.indirect.gather @!p1 [hbm4b:s7+s8], $0x80, s6, s8, $0xb8;
	[tilespmem:$0x1E480] =	vst v63  }
0x112: {  	s3 =	sadd.s32 @!p1 $0x25A8, s5;
	s5 =	simm.s32 @!p1 $0x7000  }
0x113: {  	[tilespmem:s5], [sflag:$0x2] =	stream.indirect.gather @!p1 [hbm4b:s7+s8], $0x80, s3, s8, $0xb8;
	[tilespmem:$0x1E480] =	vst v63  }
0x114: {  	s8 =	sadd.s32 $0x1980, s10  }
0x115: {  	[tilespmem:s22], [sflag:$0x3] =	stream.indirect.gather [hbm4b:s7+s19], $0x80, s8, s19, $0xb8;
	[tilespmem:$0x1E480] =	vst v63  }
0x116: {  	s11 =	sadd.s32 $0x19A8, s10  }
0x117: {  	[tilespmem:s23], [sflag:$0x3] =	stream.indirect.gather [hbm4b:s7+s19], $0x80, s11, s19, $0xb8;
	[tilespmem:$0x1E480] =	vst v63  }
0x118: {  	_ =	swait.ge [sflag:s24], $0x1400  }
0x119: {  	[sflag:s24] =	ssyncset.done $0x0  }
0x11a: {  	[sflag:s24] =	ssyncadd.s32 $0xFFFFEC00  }
0x11b: {  	_ =	swait.ge [sflag:s24], $0x1400  }
0x11c: {  	[sflag:s24] =	ssyncset.done $0x0  }
0x11d: {  	s12 =	sadd.s32 $0xC80, s10;
	[sflag:s24] =	ssyncadd.s32 $0xFFFFEC00  }
0x11e: {  	[spmem:s2] =	stream.indirect.scatter.add.f32 [tilespmem:s20], [sflag:$0x4], $0x80, s12, s25, $0xb8;
	[tilespmem:$0x1E480] =	vst v63  }
0x11f: {  	_ =	swait.ge [sflag:s26], $0x2800  }
0x120: {  	[sflag:s26] =	ssyncset.done $0x0  }
0x121: {  	s13 =	sadd.s32 $0x2600, s10;
	[sflag:s26] =	ssyncadd.s32 $0xFFFFD800  }
0x122: {  	[tilespmem:s20], [sflag:$0x1] =	stream.indirect.gather [hbm4b:s7+s19], $0x80, s13, s19, $0xb8;
	[tilespmem:$0x1E480] =	vst v63  }
0x123: {  	s14 =	sadd.s32 $0x2628, s10  }
0x124: {  	[tilespmem:s21], [sflag:$0x1] =	stream.indirect.gather [hbm4b:s7+s19], $0x80, s14, s19, $0xb8;
	[tilespmem:$0x1E480] =	vst v63  }
0x125: {  	_ =	swait.ge [sflag:s28], $0x1400  }
0x126: {  	[sflag:s28] =	ssyncset.done $0x0  }
0x127: {  	[sflag:s28] =	ssyncadd.s32 $0xFFFFEC00  }
0x128: {  	_ =	swait.ge [sflag:s28], $0x1400  }
0x129: {  	[sflag:s28] =	ssyncset.done $0x0  }
0x12a: {  	[sflag:s28] =	ssyncadd.s32 $0xFFFFEC00  }
0x12b: {  	[spmem:s2] =	stream.indirect.scatter.add.f32 [tilespmem:s29], [sflag:$0x5], $0x80, s10, s25, $0xb8;
	[tilespmem:$0x1E480] =	vst v63  }
0x12c: {  	_ =	swait.ge [sflag:s30], $0x2800  }
0x12d: {  	[sflag:s30] =	ssyncset.done $0x0  }
0x12e: {  	s15 =	sadd.s32 $0x1A00, s10;
	[sflag:s30] =	ssyncadd.s32 $0xFFFFD800  }
0x12f: {  	[tilespmem:s29], [sflag:$0x2] =	stream.indirect.gather [hbm4b:s7+s19], $0x80, s15, s19, $0xb8;
	[tilespmem:$0x1E480] =	vst v63  }
0x130: {  	s17 =	sadd.s32 $0x1A28, s10  }
0x131: {  	[tilespmem:s31], [sflag:$0x2] =	stream.indirect.gather [hbm4b:s7+s19], $0x80, s17, s19, $0xb8;
	[tilespmem:$0x1E480] =	vst v63  }
0x132: {  	_ =	swait.ge [sflag:s0], $0x1400  }
0x133: {  	[sflag:s0] =	ssyncset.done $0x0  }
0x134: {  	[sflag:s0] =	ssyncadd.s32 $0xFFFFEC00  }
0x135: {  	_ =	swait.ge [sflag:s0], $0x1400  }
0x136: {  	[sflag:s0] =	ssyncset.done $0x0  }
0x137: {  	s18 =	sadd.s32 $0xD00, s10;
	[sflag:s0] =	ssyncadd.s32 $0xFFFFEC00  }
0x138: {  	[spmem:s2] =	stream.indirect.scatter.add.f32 [tilespmem:s22], [sflag:$0x6], $0x80, s18, s25, $0xb8;
	[tilespmem:$0x1E480] =	vst v63  }
0x139: {  	_ =	swait.ge [sflag:s4], $0x2800  }
0x13a: {  	[sflag:s4] =	ssyncset.done $0x0  }
0x13b: {  	s5 =	sadd.s32 $0x2680, s10;
	[sflag:s4] =	ssyncadd.s32 $0xFFFFD800  }
0x13c: {  	[tilespmem:s22], [sflag:$0x3] =	stream.indirect.gather [hbm4b:s7+s19], $0x80, s5, s19, $0xb8;
	[tilespmem:$0x1E480] =	vst v63  }
0x13d: {  	s6 =	sadd.s32 $0x26A8, s10  }
0x13e: {  	[tilespmem:s23], [sflag:$0x3] =	stream.indirect.gather [hbm4b:s7+s19], $0x80, s6, s19, $0xb8;
	[tilespmem:$0x1E480] =	vst v63  }
0x13f: {  	_ =	swait.ge [sflag:s24], $0x1400  }
0x140: {  	[sflag:s24] =	ssyncset.done $0x0  }
0x141: {  	[sflag:s24] =	ssyncadd.s32 $0xFFFFEC00  }
0x142: {  	_ =	swait.ge [sflag:s24], $0x1400  }
0x143: {  	[sflag:s24] =	ssyncset.done $0x0  }
0x144: {  	s8 =	sadd.s32 $0x80, s10;
	[sflag:s24] =	ssyncadd.s32 $0xFFFFEC00  }
0x145: {  	[spmem:s2] =	stream.indirect.scatter.add.f32 [tilespmem:s20], [sflag:$0x4], $0x80, s8, s25, $0xb8;
	[tilespmem:$0x1E480] =	vst v63  }
0x146: {  	_ =	swait.ge [sflag:s26], $0x2800  }
0x147: {  	[sflag:s26] =	ssyncset.done $0x0  }
0x148: {  	s10 =	simm.s32 $0x2500;
	[sflag:s26] =	ssyncadd.s32 $0xFFFFD800  }
0x149: {  	[tilespmem:s20], [sflag:$0x1] =	stream.indirect.gather [hbm4b:s7+s19], $0x80, s10, s19, $0xb8;
	[tilespmem:$0x1E480] =	vst v63  }
0x14a: {  	s11 =	simm.s32 $0x2528  }
0x14b: {  	[tilespmem:s21], [sflag:$0x1] =	stream.indirect.gather [hbm4b:s7+s19], $0x80, s11, s19, $0xb8;
	[tilespmem:$0x1E480] =	vst v63  }
0x14c: {  	_ =	swait.ge [sflag:s28], $0x1400  }
0x14d: {  	[sflag:s28] =	ssyncset.done $0x0  }
0x14e: {  	[sflag:s28] =	ssyncadd.s32 $0xFFFFEC00  }
0x14f: {  	_ =	swait.ge [sflag:s28], $0x1400  }
0x150: {  	[sflag:s28] =	ssyncset.done $0x0  }
0x151: {  	s12 =	simm.s32 $0x1800;
	[sflag:s28] =	ssyncadd.s32 $0xFFFFEC00  }
0x152: {  	[spmem:s2] =	stream.indirect.scatter.add.f32 [tilespmem:s29], [sflag:$0x5], $0x80, s12, s25, $0xb8;
	[tilespmem:$0x1E480] =	vst v63  }
0x153: {  	_ =	swait.ge [sflag:s30], $0x2800  }
0x154: {  	[sflag:s30] =	ssyncset.done $0x0  }
0x155: {  	s13 =	simm.s32 $0x3180;
	[sflag:s30] =	ssyncadd.s32 $0xFFFFD800  }
0x156: {  	[tilespmem:s29], [sflag:$0x2] =	stream.indirect.gather [hbm4b:s7+s19], $0x80, s13, s19, $0xb8;
	[tilespmem:$0x1E480] =	vst v63  }
0x157: {  	s14 =	simm.s32 $0x31A8  }
0x158: {  	[tilespmem:s31], [sflag:$0x2] =	stream.indirect.gather [hbm4b:s7+s19], $0x80, s14, s19, $0xb8;
	[tilespmem:$0x1E480] =	vst v63  }
0x159: {  	_ =	swait.ge [sflag:s0], $0x1400  }
0x15a: {  	[sflag:s0] =	ssyncset.done $0x0  }
0x15b: {  	[sflag:s0] =	ssyncadd.s32 $0xFFFFEC00  }
0x15c: {  	_ =	swait.ge [sflag:s0], $0x1400  }
0x15d: {  	[sflag:s0] =	ssyncset.done $0x0  }
0x15e: {  	s15 =	simm.s32 $0xB80;
	[sflag:s0] =	ssyncadd.s32 $0xFFFFEC00  }
0x15f: {  	[spmem:s2] =	stream.indirect.scatter.add.f32 [tilespmem:s22], [sflag:$0x6], $0x80, s15, s25, $0xb8;
	[tilespmem:$0x1E480] =	vst v63  }
0x160: {  	_ =	swait.ge [sflag:s24], $0x1400  }
0x161: {  	[sflag:s24] =	ssyncset.done $0x0  }
0x162: {  	[sflag:s24] =	ssyncadd.s32 $0xFFFFEC00  }
0x163: {  	_ =	swait.ge [sflag:s24], $0x1400  }
0x164: {  	[sflag:s24] =	ssyncset.done $0x0  }
0x165: {  	s17 =	simm.s32 $0x1880;
	[sflag:s24] =	ssyncadd.s32 $0xFFFFEC00  }
0x166: {  	[spmem:s2] =	stream.indirect.scatter.add.f32 [tilespmem:s20], [sflag:$0x4], $0x80, s17, s25, $0xb8;
	[tilespmem:$0x1E480] =	vst v63  }
0x167: {  	_ =	swait.ge [sflag:s28], $0x1400  }
0x168: {  	[sflag:s28] =	ssyncset.done $0x0  }
0x169: {  	[sflag:s28] =	ssyncadd.s32 $0xFFFFEC00  }
0x16a: {  	_ =	swait.ge [sflag:s28], $0x1400  }
0x16b: {  	[sflag:s28] =	ssyncset.done $0x0  }
0x16c: {  	s18 =	simm.s32 $0xC00;
	[sflag:s28] =	ssyncadd.s32 $0xFFFFEC00  }
0x16d: {  	[spmem:s2] =	stream.indirect.scatter.add.f32 [tilespmem:s29], [sflag:$0x5], $0x80, s18, s25, $0xb8;
	[tilespmem:$0x1E480] =	vst v63  }
0x16e: {  	_ =	swait.ge [sflag:s4], $0x2800  }
0x16f: {  	[sflag:s4] =	ssyncset.done $0x0  }
0x170: {  	s1 =	sadd.s32 $0x1, s1;
	[sflag:s4] =	ssyncadd.s32 $0xFFFFD800  }
0x171: {  	p1 =	sne.s32 s1, $0x5;
	_ =	swait.ge [sflag:s26], $0x2800  }
.Ltmp2:
0x172: {  	[sflag:s26] =	ssyncset.done $0x0;
	(pc) =	sbr.rel @p1 .LBB2_2-.Ltmp2, $4  }
0x173: {  	[sflag:s26] =	ssyncadd.s32 $0xFFFFD800  }
0x174: {  	_ =	swait.ge [sflag:s30], $0x2800  }
0x175: {  	[sflag:s30] =	ssyncset.done $0x0  }
0x176: {  	[sflag:s30] =	ssyncadd.s32 $0xFFFFD800  }
0x177: {  	[bflag:$0x0] =	sbarrier.arrive $0xFFFF  }
0x178: {  	s3 =	rddreg [dreg:$0x9]  }
0x179: {  	s1 =	simm.s32 @p0 $0x1FC7;
	s8 =	rddreg [dreg:$0xb]  }
0x17a: {  	[hbm:s3], [sflag:s1] =	dma.local @p0 [spmem:s8], $0x2080  }
0x17b: {  	s1 =	simm.s32 @p0 $0x7  }
0x17c: {  	_ =	swait.ge @p0 [sflag:s1], $0x2080  }
0x17d: {  	s6 =	rddreg [dreg:$0xc]  }
0x17e: {  	[sflag:s1] =	ssyncset.done @p0 $0x0;
	s10 =	rddreg [dreg:$0xd]  }
0x17f: {  	[sflag:s1] =	ssyncadd.s32 @p0 $0xFFFFDF80;
	s1 =	rddreg [dreg:$0x8]  }
0x180: {  	[hbm:s1], [sflag:s6] =	dma.local @!p0 [spmem:s10], $0x2780  }
0x181: {  	s1 =	simm.s32 @!p0 $0x7  }
0x182: {  	_ =	swait.ge @!p0 [sflag:s1], $0x2780  }
0x183: {  	s5 =	rddreg [dreg:$0x4]  }
0x184: {  	s18 =	rddreg [dreg:$0xa];
	s5 =	sadd.s32 $0x1, s5  }
0x185: {  	p1 =	sne.s32 s5, s18  }
.Ltmp3:
0x186: {  	_ = 	snop;
	(pc) =	sbr.rel @p1 .LBB2_1-.Ltmp3, $3  }
0x187: {  	_ =	sdelay $0x1  }
0x188: {  	[sflag:s1] =	ssyncset.done @!p0 $0x0  }
0x189: {  	[sflag:s1] =	ssyncadd.s32 @!p0 $0xFFFFD880  }
0x18a: {  	_ =	sfence.sel $0x180000  }
0x18b: {  	[bflag:$0x0] =	sbarrier.arrive $0xFFFF  }
0x18c: {  	_ =	strace $0x90000047  }
0x18d: {  	s0 =	stileid.u32;
	[bflag:$0x2] =	sbarrier.arrive $0xFFFF  }
0x18e: {  	p0 =	sne.s32 s0, $0x0;
	s0 =	rddreg [dreg:$0x3]  }
0x18f: {  	s0 =	sadd.s32 @!p0 $0x100000, s0  }
0x190: {  	[sflag:s0] =	ssyncadd.tile.s32 @!p0 $0x1;
	_ =	shalt  }
.Lfunc_end2:
_tile_overlayer_lowered:
.L_overlay_start_2:
0x191: {  	(tag) =	ssettag $0x2  }
0x192: {  	s0 =	rddreg [dreg:$0x0];
	s2 =	stileid.u32  }
0x193: {  	s1 =	rddreg [dreg:$0x1];
	p0 =	sne.s32 s2, $0x0  }
0x194: {  	s3 =	rddreg [dreg:$0x2];
	[bflag:$0x3] =	sbarrier.arrive $0xFFFF;
	s2 =	simm.s32 @!p0 $0x1C07  }
0x195: {  	[timem:s3], [sflag:s2] =	dma.local @!p0 [hbm:s0], s1  }
0x196: {  	s0 =	simm.s32 @!p0 $0x7  }
0x197: {  	_ =	swait.ge @!p0 [sflag:s0], s1  }
0x198: {  	s1 =	ssub.s32 @!p0 $0x0, s1;
	[sflag:s0] =	ssyncset.done @!p0 $0x0  }
0x199: {  	[sflag:s0] =	ssyncadd.s32 @!p0 s1  }
0x19a: {  	[bflag:$0x3] =	sbarrier.arrive $0xFFFF  }
0x19b: {  	_ =	shalt  }

</sc_bundles>
